<compile_context>
chip_gen: v7x
topology: tpu7x:2x2x1
jax: 0.10.2.dev20260603
libtpu: 0.0.44.dev20260713+nightly
codegen_flags: <defaults>
</compile_context>

<pallas_src>
import functools

import jax
import jax.numpy as jnp
from jax import lax
from jax.experimental import pallas as pl
from jax.experimental.pallas import tpu as pltpu
from jax.experimental.pallas import tpu_sc as plsc

_PARENTS = (-1, 0, 1, 2, 0, 4, 5, 0, 7, 8, 9, 8, 11, 12, 8, 14, 15)
_N = 17
_H = 8
_Z = 256
_W2 = tuple(1 if c % 2 == 1 else -1 for c in range(_N))

_BBA = 256
_CB = 4
_NC = 2
_NS = 16
_NW = _NC * _NS


def _wts_body(attn_ref, w_ref):
    bb = attn_ref.shape[0]
    attn4 = attn_ref[...].reshape(bb, _H, _N, _N)
    scores = jnp.sum(attn4, axis=(1, 3))
    node_i = lax.broadcasted_iota(jnp.int32, (bb, _N), 1)

    m1 = jnp.max(scores, axis=1, keepdims=True)
    idx0 = jnp.min(jnp.where(scores == m1, node_i, _N), axis=1, keepdims=True)
    masked = jnp.where(node_i == idx0, -jnp.inf, scores)
    m2 = jnp.max(masked, axis=1, keepdims=True)
    idx1 = jnp.min(jnp.where(masked == m2, node_i, _N), axis=1, keepdims=True)

    def cls_w(idx):
        return (
            (idx == 0).astype(jnp.float32),
            ((idx >= 1) & (idx <= 3)).astype(jnp.float32),
            ((idx >= 4) & (idx <= 6)).astype(jnp.float32),
            (idx >= 7).astype(jnp.float32),
        )

    a = cls_w(idx0)
    b = cls_w(idx1)
    for k in range(4):
        w_ref[:, k * 16 : (k + 1) * 16] = jnp.broadcast_to(a[k] + b[k], (bb, 16))


def _weights(attn_flat):
    bsz = attn_flat.shape[0]
    return pl.pallas_call(
        _wts_body,
        grid=(bsz // _BBA,),
        in_specs=[pl.BlockSpec((_BBA, _H * _N * _N), lambda i: (i, 0))],
        out_specs=pl.BlockSpec((_BBA, 64), lambda i: (i, 0)),
        out_shape=jax.ShapeDtypeStruct((bsz, 64), jnp.float32),
    )(attn_flat)


def _sc_body(pts_hbm, vec_hbm, w_hbm, fa_hbm, out_hbm, pts_v, vec_v, w_v, out_v, fa_v):
    wid = lax.axis_index("s") * _NC + lax.axis_index("c")
    nb_per_w = pts_hbm.shape[0] // _NW
    pltpu.sync_copy(fa_hbm, fa_v)
    fa = fa_v[...]

    def chunk(g, carry):
        base = wid * nb_per_w + g * _CB
        pltpu.sync_copy(pts_hbm.at[pl.ds(base, _CB)], pts_v)
        pltpu.sync_copy(vec_hbm.at[pl.ds(base, _CB)], vec_v)
        pltpu.sync_copy(w_hbm.at[pl.ds(base, _CB)], w_v)
        for b in range(_CB):
            w0 = w_v[b, 0:16]
            w1 = w_v[b, 16:32]
            w2 = w_v[b, 32:48]
            w3 = w_v[b, 48:64]

            def jbody(j, c2, b=b, w0=w0, w1=w1, w2=w2, w3=w3):
                s = j * 16

                def pcol(c):
                    return pts_v[b, pl.ds(c * _Z + s, 16)]

                def vcol(c):
                    return vec_v[b, pl.ds(c * _Z + s, 16)]

                u0 = pcol(0)
                u1 = pcol(1) + vcol(0)
                u4 = pcol(4) - vcol(3)
                u7 = pcol(7) + vcol(6)
                upd = 0.5 * (w0 * u0 + w1 * u1 + w2 * u4 + w3 * u7)
                nv = [None] * _N
                nv[0] = upd
                out_v[b, pl.ds(s, 16)] = pcol(0) + fa * upd
                for c in range(1, _N):
                    v = nv[_PARENTS[c]] - float(_W2[c]) * vcol(c - 1)
                    nv[c] = v
                    out_v[b, pl.ds(c * _Z + s, 16)] = pcol(c) + fa * v
                return c2

            lax.fori_loop(0, _Z // 16, jbody, 0)
        pltpu.sync_copy(out_v, out_hbm.at[pl.ds(base, _CB)])
        return carry

    lax.fori_loop(0, nb_per_w // _CB, chunk, 0)


def kernel(points, vectors, attntion_scors, Fa):
    bsz = points.shape[0]
    attn_flat = attntion_scors.reshape(bsz, _H * _N * _N)
    pts_flat = points.reshape(bsz, _N * _Z)
    vec_flat = vectors.reshape(bsz, 16 * _Z)
    wts = _weights(attn_flat)
    fa16 = jnp.broadcast_to(Fa, (16,)).astype(jnp.float32)

    sc = pl.kernel(
        _sc_body,
        out_type=jax.ShapeDtypeStruct((bsz, _N * _Z), jnp.float32),
        mesh=plsc.VectorSubcoreMesh(
            core_axis_name="c", subcore_axis_name="s", num_cores=_NC, num_subcores=_NS
        ),
        scratch_types=[
            pltpu.VMEM((_CB, _N * _Z), jnp.float32),
            pltpu.VMEM((_CB, 16 * _Z), jnp.float32),
            pltpu.VMEM((_CB, 64), jnp.float32),
            pltpu.VMEM((_CB, _N * _Z), jnp.float32),
            pltpu.VMEM((16,), jnp.float32),
        ],
    )
    out = sc(pts_flat, vec_flat, wts, fa16)
    return out.reshape(bsz, _N, _Z)

# --- scband reference (transcript-rebuilt; emitter-appended) ---
"""Pipeline reference for scband-dynamic-fusion-60249801228393 (READ-ONLY COPY).

The authoritative reference and input builder live on the scoring server;
editing this copy changes nothing except your own understanding.
"""

import jax, jax.numpy as jnp
import numpy as np

# Fixed 17-node kinematic tree (node 0 = root). Child i uses bone vector WEIGHT1[i-1]
# with sign WEIGHT2[i-1], mirroring nodes[parent].weights[child] = {'weight1': w1, 'weight2': w2}.
PARENTS = [-1, 0, 1, 2, 0, 4, 5, 0, 7, 8, 9, 8, 11, 12, 8, 14, 15]
N_NODES = 17
WEIGHT1 = [i - 1 for i in range(1, N_NODES)]
WEIGHT2 = [1 if i % 2 == 1 else -1 for i in range(1, N_NODES)]


def _top_child(i):
    # ancestor of node i that is a direct child of the root (final `root` of the while-loop walk)
    while PARENTS[i] != 0:
        i = PARENTS[i]
    return i


def _bfs_order():
    order = []
    queue = [0]
    while queue:
        p = queue.pop(0)
        for c in range(1, N_NODES):
            if PARENTS[c] == p:
                order.append(c)
                queue.append(c)
    return order


def setup_inputs(seed: int = 0) -> dict:
    key = jax.random.key(seed)
    k1, k2, k3 = jax.random.split(key, 3)
    points = jax.random.normal(k1, (4096, 17, 256), dtype=jnp.float32)
    vectors = jax.random.normal(k2, (4096, 16, 256), dtype=jnp.float32)
    attntion_scors = jax.random.normal(k3, (4096, 8, 17, 17), dtype=jnp.float32)
    Fa = jnp.array([0.8], dtype=jnp.float32)  # learned scalar parameter self.Fa
    return {"points": points, "vectors": vectors, "attntion_scors": attntion_scors, "Fa": Fa}


def reference(points, vectors, attntion_scors, Fa):
    b, n, z = points.shape
    # attention -> per-node score -> descending sort
    scores = attntion_scors.mean(axis=1).sum(axis=2)  # [b, n]
    atten_list = jnp.argsort(-scores, axis=1)         # [b, n] descending
    # supre_int: int(round_st(self.super).clamp(1,16)). We use 2 (super as-if 1.5) because
    # supre_int == 1 makes the original torch code crash on a shape mismatch (see notes).
    supre_int = 2
    top_indices = atten_list[:, :supre_int]           # [b, k]

    # first pass: for every node walk to its root-child ancestor
    cols = [points[:, 0, :]]
    for index in range(1, n):
        tc = _top_child(index)
        w1 = WEIGHT1[tc - 1]
        w2 = WEIGHT2[tc - 1]
        root = points[:, tc, :] + w2 * vectors[:, w1, :]
        cols.append(root)
    update = jnp.stack(cols, axis=1)                  # [b, n, z]

    # gather top-k rows per batch and average
    gathered = jnp.take_along_axis(update, top_indices[:, :, None], axis=1)  # [b, k, z]
    upd = gathered.mean(axis=1)[:, None, :]           # [b, 1, z]

    # BFS scatter-overwrite propagation down the tree
    big = jnp.zeros((b, n, z), dtype=points.dtype)
    big = big.at[:, 0, :].set(upd[:, 0, :])
    for c in _bfs_order():
        p = PARENTS[c]
        w1 = WEIGHT1[c - 1]
        w2 = WEIGHT2[c - 1]
        # original: weight2==1 -> minus vectors, weight2==-1 -> plus vectors
        big = big.at[:, c, :].set(big[:, p, :] - w2 * vectors[:, w1, :])

    return big * Fa + points

if __name__ == "__main__":
    import jax
    _d = setup_inputs()
    print(jax.jit(kernel)(*tuple(_d.values())))

</pallas_src>

<mosaic_0001>
#map = affine_map<(d0, d1) -> (0, 0)>
#map1 = affine_map<(d0, d1) -> (0)>
module attributes {stable_mosaic.version = 14 : i64} {
  func.func @_sc_body(%arg0: i32, %arg1: i32, %arg2: memref<4096x4352xf32, #tpu.memory_space<hbm>>, %arg3: memref<4096x4096xf32, #tpu.memory_space<hbm>>, %arg4: memref<4096x64xf32, #tpu.memory_space<hbm>>, %arg5: memref<16xf32, #tpu.memory_space<hbm>>, %arg6: memref<4096x4352xf32, #tpu.memory_space<hbm>>, %arg7: memref<4x4352xf32, #tpu.memory_space<vmem>>, %arg8: memref<4x4096xf32, #tpu.memory_space<vmem>>, %arg9: memref<4x64xf32, #tpu.memory_space<vmem>>, %arg10: memref<4x4352xf32, #tpu.memory_space<vmem>>, %arg11: memref<16xf32, #tpu.memory_space<vmem>>) attributes {dimension_semantics = [#tpu.dimension_semantics<core_parallel>, #tpu.dimension_semantics<subcore_parallel>], iteration_bounds = array<i64: 2, 16>, scalar_prefetch = 0 : i64, scratch_operands = 5 : i64, tpu.core_type = #tpu.core_type<sc_vector_subcore>, window_params = [{transform_indices = #map}, {transform_indices = #map}, {transform_indices = #map}, {transform_indices = #map1}, {transform_indices = #map}]} {
    %mul3A = arith.constant 2 : i32
    %mul3A_0 = arith.muli %arg1, %mul3A : i32
    %add3A = arith.addi %mul3A_0, %arg0 : i32
    "tpu.region"() ({
      %run_scoped3A = tpu.sem_alloc : memref<!tpu.dma_semaphore, #tpu.memory_space<semaphore_mem>>
      tpu.enqueue_dma source(%arg5 : memref<16xf32, #tpu.memory_space<hbm>>) target(%arg11 : memref<16xf32, #tpu.memory_space<vmem>>) target_semaphore(%run_scoped3A : memref<!tpu.dma_semaphore, #tpu.memory_space<semaphore_mem>>)
      tpu.wait_dma2 semaphore(%run_scoped3A : memref<!tpu.dma_semaphore, #tpu.memory_space<semaphore_mem>>) src(%arg5 : memref<16xf32, #tpu.memory_space<hbm>>) dst(%arg11 : memref<16xf32, #tpu.memory_space<vmem>>)
      tpu.yield
    }) : () -> ()
    %get3A = arith.constant 0 : index
    %get3A_1 = tpu.vector_load %arg11[%get3A] {strides = array<i32>} : memref<16xf32, #tpu.memory_space<vmem>>, vector<16xf32>,
    %get3A_2 = vector.shape_cast %get3A_1 : vector<16xf32> to vector<16xf32>
    %scan3A = arith.constant 0 : i32
    %scan3A_3 = arith.constant 0 : i32
    %scan3A_4 = arith.constant 32 : i32
    %scan3A_5 = arith.addi %scan3A_3, %scan3A_4 : i32
    %scan3A_6 = arith.constant 1 : i32
    scf.for %scan3A_8 = %scan3A_3 to %scan3A_5 step %scan3A_6  : i32 {
      %mul3A_9 = arith.constant 128 : i32
      %mul3A_10 = arith.muli %add3A, %mul3A_9 : i32
      %mul3A_11 = arith.constant 4 : i32
      %mul3A_12 = arith.muli %scan3A_8, %mul3A_11 : i32
      %add3A_13 = arith.addi %mul3A_10, %mul3A_12 : i32
      "tpu.region"() ({
        %run_scoped3A = tpu.sem_alloc : memref<!tpu.dma_semaphore, #tpu.memory_space<semaphore_mem>>
        %dma_start3A = arith.constant 0 : i32
        %dma_start3A_118 = tpu.memref_slice %arg2[%add3A_13, %dma_start3A] : memref<4096x4352xf32, #tpu.memory_space<hbm>> -> memref<4x4352xf32, #tpu.memory_space<hbm>>
        %dma_start3A_119 = arith.constant 0 : i32
        %dma_start3A_120 = tpu.memref_slice %arg2[%add3A_13, %dma_start3A_119] : memref<4096x4352xf32, #tpu.memory_space<hbm>> -> memref<4x4352xf32, #tpu.memory_space<hbm>>
        tpu.enqueue_dma source(%dma_start3A_120 : memref<4x4352xf32, #tpu.memory_space<hbm>>) target(%arg7 : memref<4x4352xf32, #tpu.memory_space<vmem>>) target_semaphore(%run_scoped3A : memref<!tpu.dma_semaphore, #tpu.memory_space<semaphore_mem>>)
        %dma_wait3A = arith.constant 0 : i32
        %dma_wait3A_121 = tpu.memref_slice %arg2[%add3A_13, %dma_wait3A] : memref<4096x4352xf32, #tpu.memory_space<hbm>> -> memref<4x4352xf32, #tpu.memory_space<hbm>>
        %dma_wait3A_122 = arith.constant 0 : i32
        %dma_wait3A_123 = tpu.memref_slice %arg2[%add3A_13, %dma_wait3A_122] : memref<4096x4352xf32, #tpu.memory_space<hbm>> -> memref<4x4352xf32, #tpu.memory_space<hbm>>
        tpu.wait_dma2 semaphore(%run_scoped3A : memref<!tpu.dma_semaphore, #tpu.memory_space<semaphore_mem>>) src(%dma_wait3A_123 : memref<4x4352xf32, #tpu.memory_space<hbm>>) dst(%arg7 : memref<4x4352xf32, #tpu.memory_space<vmem>>)
        tpu.yield
      }) : () -> ()
      "tpu.region"() ({
        %run_scoped3A = tpu.sem_alloc : memref<!tpu.dma_semaphore, #tpu.memory_space<semaphore_mem>>
        %dma_start3A = arith.constant 0 : i32
        %dma_start3A_118 = tpu.memref_slice %arg3[%add3A_13, %dma_start3A] : memref<4096x4096xf32, #tpu.memory_space<hbm>> -> memref<4x4096xf32, #tpu.memory_space<hbm>>
        %dma_start3A_119 = arith.constant 0 : i32
        %dma_start3A_120 = tpu.memref_slice %arg3[%add3A_13, %dma_start3A_119] : memref<4096x4096xf32, #tpu.memory_space<hbm>> -> memref<4x4096xf32, #tpu.memory_space<hbm>>
        tpu.enqueue_dma source(%dma_start3A_120 : memref<4x4096xf32, #tpu.memory_space<hbm>>) target(%arg8 : memref<4x4096xf32, #tpu.memory_space<vmem>>) target_semaphore(%run_scoped3A : memref<!tpu.dma_semaphore, #tpu.memory_space<semaphore_mem>>)
        %dma_wait3A = arith.constant 0 : i32
        %dma_wait3A_121 = tpu.memref_slice %arg3[%add3A_13, %dma_wait3A] : memref<4096x4096xf32, #tpu.memory_space<hbm>> -> memref<4x4096xf32, #tpu.memory_space<hbm>>
        %dma_wait3A_122 = arith.constant 0 : i32
        %dma_wait3A_123 = tpu.memref_slice %arg3[%add3A_13, %dma_wait3A_122] : memref<4096x4096xf32, #tpu.memory_space<hbm>> -> memref<4x4096xf32, #tpu.memory_space<hbm>>
        tpu.wait_dma2 semaphore(%run_scoped3A : memref<!tpu.dma_semaphore, #tpu.memory_space<semaphore_mem>>) src(%dma_wait3A_123 : memref<4x4096xf32, #tpu.memory_space<hbm>>) dst(%arg8 : memref<4x4096xf32, #tpu.memory_space<vmem>>)
        tpu.yield
      }) : () -> ()
      "tpu.region"() ({
        %run_scoped3A = tpu.sem_alloc : memref<!tpu.dma_semaphore, #tpu.memory_space<semaphore_mem>>
        %dma_start3A = arith.constant 0 : i32
        %dma_start3A_118 = tpu.memref_slice %arg4[%add3A_13, %dma_start3A] : memref<4096x64xf32, #tpu.memory_space<hbm>> -> memref<4x64xf32, #tpu.memory_space<hbm>>
        %dma_start3A_119 = arith.constant 0 : i32
        %dma_start3A_120 = tpu.memref_slice %arg4[%add3A_13, %dma_start3A_119] : memref<4096x64xf32, #tpu.memory_space<hbm>> -> memref<4x64xf32, #tpu.memory_space<hbm>>
        tpu.enqueue_dma source(%dma_start3A_120 : memref<4x64xf32, #tpu.memory_space<hbm>>) target(%arg9 : memref<4x64xf32, #tpu.memory_space<vmem>>) target_semaphore(%run_scoped3A : memref<!tpu.dma_semaphore, #tpu.memory_space<semaphore_mem>>)
        %dma_wait3A = arith.constant 0 : i32
        %dma_wait3A_121 = tpu.memref_slice %arg4[%add3A_13, %dma_wait3A] : memref<4096x64xf32, #tpu.memory_space<hbm>> -> memref<4x64xf32, #tpu.memory_space<hbm>>
        %dma_wait3A_122 = arith.constant 0 : i32
        %dma_wait3A_123 = tpu.memref_slice %arg4[%add3A_13, %dma_wait3A_122] : memref<4096x64xf32, #tpu.memory_space<hbm>> -> memref<4x64xf32, #tpu.memory_space<hbm>>
        tpu.wait_dma2 semaphore(%run_scoped3A : memref<!tpu.dma_semaphore, #tpu.memory_space<semaphore_mem>>) src(%dma_wait3A_123 : memref<4x64xf32, #tpu.memory_space<hbm>>) dst(%arg9 : memref<4x64xf32, #tpu.memory_space<vmem>>)
        tpu.yield
      }) : () -> ()
      %get3A_14 = arith.constant 0 : i32
      %get3A_15 = arith.index_cast %get3A_14 : i32 to index
      %get3A_16 = arith.constant 0 : index
      %get3A_17 = tpu.vector_load %arg9[%get3A_15, %get3A_16] {strides = array<i32>} : memref<4x64xf32, #tpu.memory_space<vmem>>, vector<1x16xf32>,
      %get3A_18 = vector.shape_cast %get3A_17 : vector<1x16xf32> to vector<16xf32>
      %get3A_19 = arith.constant 0 : i32
      %get3A_20 = arith.index_cast %get3A_19 : i32 to index
      %get3A_21 = arith.constant 16 : index
      %get3A_22 = tpu.vector_load %arg9[%get3A_20, %get3A_21] {strides = array<i32>} : memref<4x64xf32, #tpu.memory_space<vmem>>, vector<1x16xf32>,
      %get3A_23 = vector.shape_cast %get3A_22 : vector<1x16xf32> to vector<16xf32>
      %get3A_24 = arith.constant 0 : i32
      %get3A_25 = arith.index_cast %get3A_24 : i32 to index
      %get3A_26 = arith.constant 32 : index
      %get3A_27 = tpu.vector_load %arg9[%get3A_25, %get3A_26] {strides = array<i32>} : memref<4x64xf32, #tpu.memory_space<vmem>>, vector<1x16xf32>,
      %get3A_28 = vector.shape_cast %get3A_27 : vector<1x16xf32> to vector<16xf32>
      %get3A_29 = arith.constant 0 : i32
      %get3A_30 = arith.index_cast %get3A_29 : i32 to index
      %get3A_31 = arith.constant 48 : index
      %get3A_32 = tpu.vector_load %arg9[%get3A_30, %get3A_31] {strides = array<i32>} : memref<4x64xf32, #tpu.memory_space<vmem>>, vector<1x16xf32>,
      %get3A_33 = vector.shape_cast %get3A_32 : vector<1x16xf32> to vector<16xf32>
      %scan3A_34 = arith.constant 0 : i32
      %scan3A_35 = arith.constant 0 : i32
      %scan3A_36 = arith.constant 16 : i32
      %scan3A_37 = arith.addi %scan3A_35, %scan3A_36 : i32
      %scan3A_38 = arith.constant 1 : i32
      scf.for %scan3A_118 = %scan3A_35 to %scan3A_37 step %scan3A_38  : i32 {
        %mul3A_119 = arith.constant 16 : i32
        %mul3A_120 = arith.muli %scan3A_118, %mul3A_119 : i32
        %add3A_121 = arith.constant 0 : i32
        %add3A_122 = arith.addi %add3A_121, %mul3A_120 : i32
        %get3A_123 = arith.constant 0 : i32
        %get3A_124 = arith.index_cast %get3A_123 : i32 to index
        %get3A_125 = arith.index_cast %add3A_122 : i32 to index
        %get3A_126 = tpu.vector_load %arg7[%get3A_124, %get3A_125] {strides = array<i32>} : memref<4x4352xf32, #tpu.memory_space<vmem>>, vector<1x16xf32>,
        %get3A_127 = vector.shape_cast %get3A_126 : vector<1x16xf32> to vector<16xf32>
        %add3A_128 = arith.constant 256 : i32
        %add3A_129 = arith.addi %add3A_128, %mul3A_120 : i32
        %get3A_130 = arith.constant 0 : i32
        %get3A_131 = arith.index_cast %get3A_130 : i32 to index
        %get3A_132 = arith.index_cast %add3A_129 : i32 to index
        %get3A_133 = tpu.vector_load %arg7[%get3A_131, %get3A_132] {strides = array<i32>} : memref<4x4352xf32, #tpu.memory_space<vmem>>, vector<1x16xf32>,
        %get3A_134 = vector.shape_cast %get3A_133 : vector<1x16xf32> to vector<16xf32>
        %add3A_135 = arith.constant 0 : i32
        %add3A_136 = arith.addi %add3A_135, %mul3A_120 : i32
        %get3A_137 = arith.constant 0 : i32
        %get3A_138 = arith.index_cast %get3A_137 : i32 to index
        %get3A_139 = arith.index_cast %add3A_136 : i32 to index
        %get3A_140 = tpu.vector_load %arg8[%get3A_138, %get3A_139] {strides = array<i32>} : memref<4x4096xf32, #tpu.memory_space<vmem>>, vector<1x16xf32>,
        %get3A_141 = vector.shape_cast %get3A_140 : vector<1x16xf32> to vector<16xf32>
        %add3A_142 = arith.addf %get3A_134, %get3A_141 : vector<16xf32>
        %add3A_143 = arith.constant 1024 : i32
        %add3A_144 = arith.addi %add3A_143, %mul3A_120 : i32
        %get3A_145 = arith.constant 0 : i32
        %get3A_146 = arith.index_cast %get3A_145 : i32 to index
        %get3A_147 = arith.index_cast %add3A_144 : i32 to index
        %get3A_148 = tpu.vector_load %arg7[%get3A_146, %get3A_147] {strides = array<i32>} : memref<4x4352xf32, #tpu.memory_space<vmem>>, vector<1x16xf32>,
        %get3A_149 = vector.shape_cast %get3A_148 : vector<1x16xf32> to vector<16xf32>
        %add3A_150 = arith.constant 768 : i32
        %add3A_151 = arith.addi %add3A_150, %mul3A_120 : i32
        %get3A_152 = arith.constant 0 : i32
        %get3A_153 = arith.index_cast %get3A_152 : i32 to index
        %get3A_154 = arith.index_cast %add3A_151 : i32 to index
        %get3A_155 = tpu.vector_load %arg8[%get3A_153, %get3A_154] {strides = array<i32>} : memref<4x4096xf32, #tpu.memory_space<vmem>>, vector<1x16xf32>,
        %get3A_156 = vector.shape_cast %get3A_155 : vector<1x16xf32> to vector<16xf32>
        %sub3A = arith.subf %get3A_149, %get3A_156 : vector<16xf32>
        %add3A_157 = arith.constant 1792 : i32
        %add3A_158 = arith.addi %add3A_157, %mul3A_120 : i32
        %get3A_159 = arith.constant 0 : i32
        %get3A_160 = arith.index_cast %get3A_159 : i32 to index
        %get3A_161 = arith.index_cast %add3A_158 : i32 to index
        %get3A_162 = tpu.vector_load %arg7[%get3A_160, %get3A_161] {strides = array<i32>} : memref<4x4352xf32, #tpu.memory_space<vmem>>, vector<1x16xf32>,
        %get3A_163 = vector.shape_cast %get3A_162 : vector<1x16xf32> to vector<16xf32>
        %add3A_164 = arith.constant 1536 : i32
        %add3A_165 = arith.addi %add3A_164, %mul3A_120 : i32
        %get3A_166 = arith.constant 0 : i32
        %get3A_167 = arith.index_cast %get3A_166 : i32 to index
        %get3A_168 = arith.index_cast %add3A_165 : i32 to index
        %get3A_169 = tpu.vector_load %arg8[%get3A_167, %get3A_168] {strides = array<i32>} : memref<4x4096xf32, #tpu.memory_space<vmem>>, vector<1x16xf32>,
        %get3A_170 = vector.shape_cast %get3A_169 : vector<1x16xf32> to vector<16xf32>
        %add3A_171 = arith.addf %get3A_163, %get3A_170 : vector<16xf32>
        %mul3A_172 = arith.mulf %get3A_18, %get3A_127 : vector<16xf32>
        %mul3A_173 = arith.mulf %get3A_23, %add3A_142 : vector<16xf32>
        %add3A_174 = arith.addf %mul3A_172, %mul3A_173 : vector<16xf32>
        %mul3A_175 = arith.mulf %get3A_28, %sub3A : vector<16xf32>
        %add3A_176 = arith.addf %add3A_174, %mul3A_175 : vector<16xf32>
        %mul3A_177 = arith.mulf %get3A_33, %add3A_171 : vector<16xf32>
        %add3A_178 = arith.addf %add3A_176, %mul3A_177 : vector<16xf32>
        %mul3A_179 = arith.constant 5.000000e-01 : f32
        %mul3A_180 = vector.broadcast %mul3A_179 : f32 to vector<16xf32>
        %mul3A_181 = arith.mulf %mul3A_180, %add3A_178 : vector<16xf32>
        %add3A_182 = arith.constant 0 : i32
        %add3A_183 = arith.addi %add3A_182, %mul3A_120 : i32
        %get3A_184 = arith.constant 0 : i32
        %get3A_185 = arith.index_cast %get3A_184 : i32 to index
        %get3A_186 = arith.index_cast %add3A_183 : i32 to index
        %get3A_187 = tpu.vector_load %arg7[%get3A_185, %get3A_186] {strides = array<i32>} : memref<4x4352xf32, #tpu.memory_space<vmem>>, vector<1x16xf32>,
        %get3A_188 = vector.shape_cast %get3A_187 : vector<1x16xf32> to vector<16xf32>
        %mul3A_189 = arith.mulf %get3A_2, %mul3A_181 : vector<16xf32>
        %add3A_190 = arith.addf %get3A_188, %mul3A_189 : vector<16xf32>
        %swap3A = arith.constant 0 : i32
        %swap3A_191 = arith.index_cast %swap3A : i32 to index
        %swap3A_192 = arith.index_cast %mul3A_120 : i32 to index
        %swap3A_193 = tpu.vector_load %arg10[%swap3A_191, %swap3A_192] {strides = array<i32>} : memref<4x4352xf32, #tpu.memory_space<vmem>>, vector<1x16xf32>,
        %swap3A_194 = vector.shape_cast %swap3A_193 : vector<1x16xf32> to vector<16xf32>
        %swap3A_195 = vector.shape_cast %add3A_190 : vector<16xf32> to vector<1x16xf32>
        tpu.vector_store %arg10[%swap3A_191, %swap3A_192], %swap3A_195 {strides = array<i32>} : memref<4x4352xf32, #tpu.memory_space<vmem>>, vector<1x16xf32>,
        %add3A_196 = arith.constant 0 : i32
        %add3A_197 = arith.addi %add3A_196, %mul3A_120 : i32
        %get3A_198 = arith.constant 0 : i32
        %get3A_199 = arith.index_cast %get3A_198 : i32 to index
        %get3A_200 = arith.index_cast %add3A_197 : i32 to index
        %get3A_201 = tpu.vector_load %arg8[%get3A_199, %get3A_200] {strides = array<i32>} : memref<4x4096xf32, #tpu.memory_space<vmem>>, vector<1x16xf32>,
        %get3A_202 = vector.shape_cast %get3A_201 : vector<1x16xf32> to vector<16xf32>
        %mul3A_203 = arith.constant 1.000000e+00 : f32
        %mul3A_204 = vector.broadcast %mul3A_203 : f32 to vector<16xf32>
        %mul3A_205 = arith.mulf %mul3A_204, %get3A_202 : vector<16xf32>
        %sub3A_206 = arith.subf %mul3A_181, %mul3A_205 : vector<16xf32>
        %add3A_207 = arith.constant 256 : i32
        %add3A_208 = arith.addi %add3A_207, %mul3A_120 : i32
        %get3A_209 = arith.constant 0 : i32
        %get3A_210 = arith.index_cast %get3A_209 : i32 to index
        %get3A_211 = arith.index_cast %add3A_208 : i32 to index
        %get3A_212 = tpu.vector_load %arg7[%get3A_210, %get3A_211] {strides = array<i32>} : memref<4x4352xf32, #tpu.memory_space<vmem>>, vector<1x16xf32>,
        %get3A_213 = vector.shape_cast %get3A_212 : vector<1x16xf32> to vector<16xf32>
        %mul3A_214 = arith.mulf %get3A_2, %sub3A_206 : vector<16xf32>
        %add3A_215 = arith.addf %get3A_213, %mul3A_214 : vector<16xf32>
        %add3A_216 = arith.constant 256 : i32
        %add3A_217 = arith.addi %add3A_216, %mul3A_120 : i32
        %swap3A_218 = arith.constant 0 : i32
        %swap3A_219 = arith.index_cast %swap3A_218 : i32 to index
        %swap3A_220 = arith.index_cast %add3A_217 : i32 to index
        %swap3A_221 = tpu.vector_load %arg10[%swap3A_219, %swap3A_220] {strides = array<i32>} : memref<4x4352xf32, #tpu.memory_space<vmem>>, vector<1x16xf32>,
        %swap3A_222 = vector.shape_cast %swap3A_221 : vector<1x16xf32> to vector<16xf32>
        %swap3A_223 = vector.shape_cast %add3A_215 : vector<16xf32> to vector<1x16xf32>
        tpu.vector_store %arg10[%swap3A_219, %swap3A_220], %swap3A_223 {strides = array<i32>} : memref<4x4352xf32, #tpu.memory_space<vmem>>, vector<1x16xf32>,
        %add3A_224 = arith.constant 256 : i32
        %add3A_225 = arith.addi %add3A_224, %mul3A_120 : i32
        %get3A_226 = arith.constant 0 : i32
        %get3A_227 = arith.index_cast %get3A_226 : i32 to index
        %get3A_228 = arith.index_cast %add3A_225 : i32 to index
        %get3A_229 = tpu.vector_load %arg8[%get3A_227, %get3A_228] {strides = array<i32>} : memref<4x4096xf32, #tpu.memory_space<vmem>>, vector<1x16xf32>,
        %get3A_230 = vector.shape_cast %get3A_229 : vector<1x16xf32> to vector<16xf32>
        %mul3A_231 = arith.constant -1.000000e+00 : f32
        %mul3A_232 = vector.broadcast %mul3A_231 : f32 to vector<16xf32>
        %mul3A_233 = arith.mulf %mul3A_232, %get3A_230 : vector<16xf32>
        %sub3A_234 = arith.subf %sub3A_206, %mul3A_233 : vector<16xf32>
        %add3A_235 = arith.constant 512 : i32
        %add3A_236 = arith.addi %add3A_235, %mul3A_120 : i32
        %get3A_237 = arith.constant 0 : i32
        %get3A_238 = arith.index_cast %get3A_237 : i32 to index
        %get3A_239 = arith.index_cast %add3A_236 : i32 to index
        %get3A_240 = tpu.vector_load %arg7[%get3A_238, %get3A_239] {strides = array<i32>} : memref<4x4352xf32, #tpu.memory_space<vmem>>, vector<1x16xf32>,
        %get3A_241 = vector.shape_cast %get3A_240 : vector<1x16xf32> to vector<16xf32>
        %mul3A_242 = arith.mulf %get3A_2, %sub3A_234 : vector<16xf32>
        %add3A_243 = arith.addf %get3A_241, %mul3A_242 : vector<16xf32>
        %add3A_244 = arith.constant 512 : i32
        %add3A_245 = arith.addi %add3A_244, %mul3A_120 : i32
        %swap3A_246 = arith.constant 0 : i32
        %swap3A_247 = arith.index_cast %swap3A_246 : i32 to index
        %swap3A_248 = arith.index_cast %add3A_245 : i32 to index
        %swap3A_249 = tpu.vector_load %arg10[%swap3A_247, %swap3A_248] {strides = array<i32>} : memref<4x4352xf32, #tpu.memory_space<vmem>>, vector<1x16xf32>,
        %swap3A_250 = vector.shape_cast %swap3A_249 : vector<1x16xf32> to vector<16xf32>
        %swap3A_251 = vector.shape_cast %add3A_243 : vector<16xf32> to vector<1x16xf32>
        tpu.vector_store %arg10[%swap3A_247, %swap3A_248], %swap3A_251 {strides = array<i32>} : memref<4x4352xf32, #tpu.memory_space<vmem>>, vector<1x16xf32>,
        %add3A_252 = arith.constant 512 : i32
        %add3A_253 = arith.addi %add3A_252, %mul3A_120 : i32
        %get3A_254 = arith.constant 0 : i32
        %get3A_255 = arith.index_cast %get3A_254 : i32 to index
        %get3A_256 = arith.index_cast %add3A_253 : i32 to index
        %get3A_257 = tpu.vector_load %arg8[%get3A_255, %get3A_256] {strides = array<i32>} : memref<4x4096xf32, #tpu.memory_space<vmem>>, vector<1x16xf32>,
        %get3A_258 = vector.shape_cast %get3A_257 : vector<1x16xf32> to vector<16xf32>
        %mul3A_259 = arith.constant 1.000000e+00 : f32
        %mul3A_260 = vector.broadcast %mul3A_259 : f32 to vector<16xf32>
        %mul3A_261 = arith.mulf %mul3A_260, %get3A_258 : vector<16xf32>
        %sub3A_262 = arith.subf %sub3A_234, %mul3A_261 : vector<16xf32>
        %add3A_263 = arith.constant 768 : i32
        %add3A_264 = arith.addi %add3A_263, %mul3A_120 : i32
        %get3A_265 = arith.constant 0 : i32
        %get3A_266 = arith.index_cast %get3A_265 : i32 to index
        %get3A_267 = arith.index_cast %add3A_264 : i32 to index
        %get3A_268 = tpu.vector_load %arg7[%get3A_266, %get3A_267] {strides = array<i32>} : memref<4x4352xf32, #tpu.memory_space<vmem>>, vector<1x16xf32>,
        %get3A_269 = vector.shape_cast %get3A_268 : vector<1x16xf32> to vector<16xf32>
        %mul3A_270 = arith.mulf %get3A_2, %sub3A_262 : vector<16xf32>
        %add3A_271 = arith.addf %get3A_269, %mul3A_270 : vector<16xf32>
        %add3A_272 = arith.constant 768 : i32
        %add3A_273 = arith.addi %add3A_272, %mul3A_120 : i32
        %swap3A_274 = arith.constant 0 : i32
        %swap3A_275 = arith.index_cast %swap3A_274 : i32 to index
        %swap3A_276 = arith.index_cast %add3A_273 : i32 to index
        %swap3A_277 = tpu.vector_load %arg10[%swap3A_275, %swap3A_276] {strides = array<i32>} : memref<4x4352xf32, #tpu.memory_space<vmem>>, vector<1x16xf32>,
        %swap3A_278 = vector.shape_cast %swap3A_277 : vector<1x16xf32> to vector<16xf32>
        %swap3A_279 = vector.shape_cast %add3A_271 : vector<16xf32> to vector<1x16xf32>
        tpu.vector_store %arg10[%swap3A_275, %swap3A_276], %swap3A_279 {strides = array<i32>} : memref<4x4352xf32, #tpu.memory_space<vmem>>, vector<1x16xf32>,
        %add3A_280 = arith.constant 768 : i32
        %add3A_281 = arith.addi %add3A_280, %mul3A_120 : i32
        %get3A_282 = arith.constant 0 : i32
        %get3A_283 = arith.index_cast %get3A_282 : i32 to index
        %get3A_284 = arith.index_cast %add3A_281 : i32 to index
        %get3A_285 = tpu.vector_load %arg8[%get3A_283, %get3A_284] {strides = array<i32>} : memref<4x4096xf32, #tpu.memory_space<vmem>>, vector<1x16xf32>,
        %get3A_286 = vector.shape_cast %get3A_285 : vector<1x16xf32> to vector<16xf32>
        %mul3A_287 = arith.constant -1.000000e+00 : f32
        %mul3A_288 = vector.broadcast %mul3A_287 : f32 to vector<16xf32>
        %mul3A_289 = arith.mulf %mul3A_288, %get3A_286 : vector<16xf32>
        %sub3A_290 = arith.subf %mul3A_181, %mul3A_289 : vector<16xf32>
        %add3A_291 = arith.constant 1024 : i32
        %add3A_292 = arith.addi %add3A_291, %mul3A_120 : i32
        %get3A_293 = arith.constant 0 : i32
        %get3A_294 = arith.index_cast %get3A_293 : i32 to index
        %get3A_295 = arith.index_cast %add3A_292 : i32 to index
        %get3A_296 = tpu.vector_load %arg7[%get3A_294, %get3A_295] {strides = array<i32>} : memref<4x4352xf32, #tpu.memory_space<vmem>>, vector<1x16xf32>,
        %get3A_297 = vector.shape_cast %get3A_296 : vector<1x16xf32> to vector<16xf32>
        %mul3A_298 = arith.mulf %get3A_2, %sub3A_290 : vector<16xf32>
        %add3A_299 = arith.addf %get3A_297, %mul3A_298 : vector<16xf32>
        %add3A_300 = arith.constant 1024 : i32
        %add3A_301 = arith.addi %add3A_300, %mul3A_120 : i32
        %swap3A_302 = arith.constant 0 : i32
        %swap3A_303 = arith.index_cast %swap3A_302 : i32 to index
        %swap3A_304 = arith.index_cast %add3A_301 : i32 to index
        %swap3A_305 = tpu.vector_load %arg10[%swap3A_303, %swap3A_304] {strides = array<i32>} : memref<4x4352xf32, #tpu.memory_space<vmem>>, vector<1x16xf32>,
        %swap3A_306 = vector.shape_cast %swap3A_305 : vector<1x16xf32> to vector<16xf32>
        %swap3A_307 = vector.shape_cast %add3A_299 : vector<16xf32> to vector<1x16xf32>
        tpu.vector_store %arg10[%swap3A_303, %swap3A_304], %swap3A_307 {strides = array<i32>} : memref<4x4352xf32, #tpu.memory_space<vmem>>, vector<1x16xf32>,
        %add3A_308 = arith.constant 1024 : i32
        %add3A_309 = arith.addi %add3A_308, %mul3A_120 : i32
        %get3A_310 = arith.constant 0 : i32
        %get3A_311 = arith.index_cast %get3A_310 : i32 to index
        %get3A_312 = arith.index_cast %add3A_309 : i32 to index
        %get3A_313 = tpu.vector_load %arg8[%get3A_311, %get3A_312] {strides = array<i32>} : memref<4x4096xf32, #tpu.memory_space<vmem>>, vector<1x16xf32>,
        %get3A_314 = vector.shape_cast %get3A_313 : vector<1x16xf32> to vector<16xf32>
        %mul3A_315 = arith.constant 1.000000e+00 : f32
        %mul3A_316 = vector.broadcast %mul3A_315 : f32 to vector<16xf32>
        %mul3A_317 = arith.mulf %mul3A_316, %get3A_314 : vector<16xf32>
        %sub3A_318 = arith.subf %sub3A_290, %mul3A_317 : vector<16xf32>
        %add3A_319 = arith.constant 1280 : i32
        %add3A_320 = arith.addi %add3A_319, %mul3A_120 : i32
        %get3A_321 = arith.constant 0 : i32
        %get3A_322 = arith.index_cast %get3A_321 : i32 to index
        %get3A_323 = arith.index_cast %add3A_320 : i32 to index
        %get3A_324 = tpu.vector_load %arg7[%get3A_322, %get3A_323] {strides = array<i32>} : memref<4x4352xf32, #tpu.memory_space<vmem>>, vector<1x16xf32>,
        %get3A_325 = vector.shape_cast %get3A_324 : vector<1x16xf32> to vector<16xf32>
        %mul3A_326 = arith.mulf %get3A_2, %sub3A_318 : vector<16xf32>
        %add3A_327 = arith.addf %get3A_325, %mul3A_326 : vector<16xf32>
        %add3A_328 = arith.constant 1280 : i32
        %add3A_329 = arith.addi %add3A_328, %mul3A_120 : i32
        %swap3A_330 = arith.constant 0 : i32
        %swap3A_331 = arith.index_cast %swap3A_330 : i32 to index
        %swap3A_332 = arith.index_cast %add3A_329 : i32 to index
        %swap3A_333 = tpu.vector_load %arg10[%swap3A_331, %swap3A_332] {strides = array<i32>} : memref<4x4352xf32, #tpu.memory_space<vmem>>, vector<1x16xf32>,
        %swap3A_334 = vector.shape_cast %swap3A_333 : vector<1x16xf32> to vector<16xf32>
        %swap3A_335 = vector.shape_cast %add3A_327 : vector<16xf32> to vector<1x16xf32>
        tpu.vector_store %arg10[%swap3A_331, %swap3A_332], %swap3A_335 {strides = array<i32>} : memref<4x4352xf32, #tpu.memory_space<vmem>>, vector<1x16xf32>,
        %add3A_336 = arith.constant 1280 : i32
        %add3A_337 = arith.addi %add3A_336, %mul3A_120 : i32
        %get3A_338 = arith.constant 0 : i32
        %get3A_339 = arith.index_cast %get3A_338 : i32 to index
        %get3A_340 = arith.index_cast %add3A_337 : i32 to index
        %get3A_341 = tpu.vector_load %arg8[%get3A_339, %get3A_340] {strides = array<i32>} : memref<4x4096xf32, #tpu.memory_space<vmem>>, vector<1x16xf32>,
        %get3A_342 = vector.shape_cast %get3A_341 : vector<1x16xf32> to vector<16xf32>
        %mul3A_343 = arith.constant -1.000000e+00 : f32
        %mul3A_344 = vector.broadcast %mul3A_343 : f32 to vector<16xf32>
        %mul3A_345 = arith.mulf %mul3A_344, %get3A_342 : vector<16xf32>
        %sub3A_346 = arith.subf %sub3A_318, %mul3A_345 : vector<16xf32>
        %add3A_347 = arith.constant 1536 : i32
        %add3A_348 = arith.addi %add3A_347, %mul3A_120 : i32
        %get3A_349 = arith.constant 0 : i32
        %get3A_350 = arith.index_cast %get3A_349 : i32 to index
        %get3A_351 = arith.index_cast %add3A_348 : i32 to index
        %get3A_352 = tpu.vector_load %arg7[%get3A_350, %get3A_351] {strides = array<i32>} : memref<4x4352xf32, #tpu.memory_space<vmem>>, vector<1x16xf32>,
        %get3A_353 = vector.shape_cast %get3A_352 : vector<1x16xf32> to vector<16xf32>
        %mul3A_354 = arith.mulf %get3A_2, %sub3A_346 : vector<16xf32>
        %add3A_355 = arith.addf %get3A_353, %mul3A_354 : vector<16xf32>
        %add3A_356 = arith.constant 1536 : i32
        %add3A_357 = arith.addi %add3A_356, %mul3A_120 : i32
        %swap3A_358 = arith.constant 0 : i32
        %swap3A_359 = arith.index_cast %swap3A_358 : i32 to index
        %swap3A_360 = arith.index_cast %add3A_357 : i32 to index
        %swap3A_361 = tpu.vector_load %arg10[%swap3A_359, %swap3A_360] {strides = array<i32>} : memref<4x4352xf32, #tpu.memory_space<vmem>>, vector<1x16xf32>,
        %swap3A_362 = vector.shape_cast %swap3A_361 : vector<1x16xf32> to vector<16xf32>
        %swap3A_363 = vector.shape_cast %add3A_355 : vector<16xf32> to vector<1x16xf32>
        tpu.vector_store %arg10[%swap3A_359, %swap3A_360], %swap3A_363 {strides = array<i32>} : memref<4x4352xf32, #tpu.memory_space<vmem>>, vector<1x16xf32>,
        %add3A_364 = arith.constant 1536 : i32
        %add3A_365 = arith.addi %add3A_364, %mul3A_120 : i32
        %get3A_366 = arith.constant 0 : i32
        %get3A_367 = arith.index_cast %get3A_366 : i32 to index
        %get3A_368 = arith.index_cast %add3A_365 : i32 to index
        %get3A_369 = tpu.vector_load %arg8[%get3A_367, %get3A_368] {strides = array<i32>} : memref<4x4096xf32, #tpu.memory_space<vmem>>, vector<1x16xf32>,
        %get3A_370 = vector.shape_cast %get3A_369 : vector<1x16xf32> to vector<16xf32>
        %mul3A_371 = arith.constant 1.000000e+00 : f32
        %mul3A_372 = vector.broadcast %mul3A_371 : f32 to vector<16xf32>
        %mul3A_373 = arith.mulf %mul3A_372, %get3A_370 : vector<16xf32>
        %sub3A_374 = arith.subf %mul3A_181, %mul3A_373 : vector<16xf32>
        %add3A_375 = arith.constant 1792 : i32
        %add3A_376 = arith.addi %add3A_375, %mul3A_120 : i32
        %get3A_377 = arith.constant 0 : i32
        %get3A_378 = arith.index_cast %get3A_377 : i32 to index
        %get3A_379 = arith.index_cast %add3A_376 : i32 to index
        %get3A_380 = tpu.vector_load %arg7[%get3A_378, %get3A_379] {strides = array<i32>} : memref<4x4352xf32, #tpu.memory_space<vmem>>, vector<1x16xf32>,
        %get3A_381 = vector.shape_cast %get3A_380 : vector<1x16xf32> to vector<16xf32>
        %mul3A_382 = arith.mulf %get3A_2, %sub3A_374 : vector<16xf32>
        %add3A_383 = arith.addf %get3A_381, %mul3A_382 : vector<16xf32>
        %add3A_384 = arith.constant 1792 : i32
        %add3A_385 = arith.addi %add3A_384, %mul3A_120 : i32
        %swap3A_386 = arith.constant 0 : i32
        %swap3A_387 = arith.index_cast %swap3A_386 : i32 to index
        %swap3A_388 = arith.index_cast %add3A_385 : i32 to index
        %swap3A_389 = tpu.vector_load %arg10[%swap3A_387, %swap3A_388] {strides = array<i32>} : memref<4x4352xf32, #tpu.memory_space<vmem>>, vector<1x16xf32>,
        %swap3A_390 = vector.shape_cast %swap3A_389 : vector<1x16xf32> to vector<16xf32>
        %swap3A_391 = vector.shape_cast %add3A_383 : vector<16xf32> to vector<1x16xf32>
        tpu.vector_store %arg10[%swap3A_387, %swap3A_388], %swap3A_391 {strides = array<i32>} : memref<4x4352xf32, #tpu.memory_space<vmem>>, vector<1x16xf32>,
        %add3A_392 = arith.constant 1792 : i32
        %add3A_393 = arith.addi %add3A_392, %mul3A_120 : i32
        %get3A_394 = arith.constant 0 : i32
        %get3A_395 = arith.index_cast %get3A_394 : i32 to index
        %get3A_396 = arith.index_cast %add3A_393 : i32 to index
        %get3A_397 = tpu.vector_load %arg8[%get3A_395, %get3A_396] {strides = array<i32>} : memref<4x4096xf32, #tpu.memory_space<vmem>>, vector<1x16xf32>,
        %get3A_398 = vector.shape_cast %get3A_397 : vector<1x16xf32> to vector<16xf32>
        %mul3A_399 = arith.constant -1.000000e+00 : f32
        %mul3A_400 = vector.broadcast %mul3A_399 : f32 to vector<16xf32>
        %mul3A_401 = arith.mulf %mul3A_400, %get3A_398 : vector<16xf32>
        %sub3A_402 = arith.subf %sub3A_374, %mul3A_401 : vector<16xf32>
        %add3A_403 = arith.constant 2048 : i32
        %add3A_404 = arith.addi %add3A_403, %mul3A_120 : i32
        %get3A_405 = arith.constant 0 : i32
        %get3A_406 = arith.index_cast %get3A_405 : i32 to index
        %get3A_407 = arith.index_cast %add3A_404 : i32 to index
        %get3A_408 = tpu.vector_load %arg7[%get3A_406, %get3A_407] {strides = array<i32>} : memref<4x4352xf32, #tpu.memory_space<vmem>>, vector<1x16xf32>,
        %get3A_409 = vector.shape_cast %get3A_408 : vector<1x16xf32> to vector<16xf32>
        %mul3A_410 = arith.mulf %get3A_2, %sub3A_402 : vector<16xf32>
        %add3A_411 = arith.addf %get3A_409, %mul3A_410 : vector<16xf32>
        %add3A_412 = arith.constant 2048 : i32
        %add3A_413 = arith.addi %add3A_412, %mul3A_120 : i32
        %swap3A_414 = arith.constant 0 : i32
        %swap3A_415 = arith.index_cast %swap3A_414 : i32 to index
        %swap3A_416 = arith.index_cast %add3A_413 : i32 to index
        %swap3A_417 = tpu.vector_load %arg10[%swap3A_415, %swap3A_416] {strides = array<i32>} : memref<4x4352xf32, #tpu.memory_space<vmem>>, vector<1x16xf32>,
        %swap3A_418 = vector.shape_cast %swap3A_417 : vector<1x16xf32> to vector<16xf32>
        %swap3A_419 = vector.shape_cast %add3A_411 : vector<16xf32> to vector<1x16xf32>
        tpu.vector_store %arg10[%swap3A_415, %swap3A_416], %swap3A_419 {strides = array<i32>} : memref<4x4352xf32, #tpu.memory_space<vmem>>, vector<1x16xf32>,
        %add3A_420 = arith.constant 2048 : i32
        %add3A_421 = arith.addi %add3A_420, %mul3A_120 : i32
        %get3A_422 = arith.constant 0 : i32
        %get3A_423 = arith.index_cast %get3A_422 : i32 to index
        %get3A_424 = arith.index_cast %add3A_421 : i32 to index
        %get3A_425 = tpu.vector_load %arg8[%get3A_423, %get3A_424] {strides = array<i32>} : memref<4x4096xf32, #tpu.memory_space<vmem>>, vector<1x16xf32>,
        %get3A_426 = vector.shape_cast %get3A_425 : vector<1x16xf32> to vector<16xf32>
        %mul3A_427 = arith.constant 1.000000e+00 : f32
        %mul3A_428 = vector.broadcast %mul3A_427 : f32 to vector<16xf32>
        %mul3A_429 = arith.mulf %mul3A_428, %get3A_426 : vector<16xf32>
        %sub3A_430 = arith.subf %sub3A_402, %mul3A_429 : vector<16xf32>
        %add3A_431 = arith.constant 2304 : i32
        %add3A_432 = arith.addi %add3A_431, %mul3A_120 : i32
        %get3A_433 = arith.constant 0 : i32
        %get3A_434 = arith.index_cast %get3A_433 : i32 to index
        %get3A_435 = arith.index_cast %add3A_432 : i32 to index
        %get3A_436 = tpu.vector_load %arg7[%get3A_434, %get3A_435] {strides = array<i32>} : memref<4x4352xf32, #tpu.memory_space<vmem>>, vector<1x16xf32>,
        %get3A_437 = vector.shape_cast %get3A_436 : vector<1x16xf32> to vector<16xf32>
        %mul3A_438 = arith.mulf %get3A_2, %sub3A_430 : vector<16xf32>
        %add3A_439 = arith.addf %get3A_437, %mul3A_438 : vector<16xf32>
        %add3A_440 = arith.constant 2304 : i32
        %add3A_441 = arith.addi %add3A_440, %mul3A_120 : i32
        %swap3A_442 = arith.constant 0 : i32
        %swap3A_443 = arith.index_cast %swap3A_442 : i32 to index
        %swap3A_444 = arith.index_cast %add3A_441 : i32 to index
        %swap3A_445 = tpu.vector_load %arg10[%swap3A_443, %swap3A_444] {strides = array<i32>} : memref<4x4352xf32, #tpu.memory_space<vmem>>, vector<1x16xf32>,
        %swap3A_446 = vector.shape_cast %swap3A_445 : vector<1x16xf32> to vector<16xf32>
        %swap3A_447 = vector.shape_cast %add3A_439 : vector<16xf32> to vector<1x16xf32>
        tpu.vector_store %arg10[%swap3A_443, %swap3A_444], %swap3A_447 {strides = array<i32>} : memref<4x4352xf32, #tpu.memory_space<vmem>>, vector<1x16xf32>,
        %add3A_448 = arith.constant 2304 : i32
        %add3A_449 = arith.addi %add3A_448, %mul3A_120 : i32
        %get3A_450 = arith.constant 0 : i32
        %get3A_451 = arith.index_cast %get3A_450 : i32 to index
        %get3A_452 = arith.index_cast %add3A_449 : i32 to index
        %get3A_453 = tpu.vector_load %arg8[%get3A_451, %get3A_452] {strides = array<i32>} : memref<4x4096xf32, #tpu.memory_space<vmem>>, vector<1x16xf32>,
        %get3A_454 = vector.shape_cast %get3A_453 : vector<1x16xf32> to vector<16xf32>
        %mul3A_455 = arith.constant -1.000000e+00 : f32
        %mul3A_456 = vector.broadcast %mul3A_455 : f32 to vector<16xf32>
        %mul3A_457 = arith.mulf %mul3A_456, %get3A_454 : vector<16xf32>
        %sub3A_458 = arith.subf %sub3A_430, %mul3A_457 : vector<16xf32>
        %add3A_459 = arith.constant 2560 : i32
        %add3A_460 = arith.addi %add3A_459, %mul3A_120 : i32
        %get3A_461 = arith.constant 0 : i32
        %get3A_462 = arith.index_cast %get3A_461 : i32 to index
        %get3A_463 = arith.index_cast %add3A_460 : i32 to index
        %get3A_464 = tpu.vector_load %arg7[%get3A_462, %get3A_463] {strides = array<i32>} : memref<4x4352xf32, #tpu.memory_space<vmem>>, vector<1x16xf32>,
        %get3A_465 = vector.shape_cast %get3A_464 : vector<1x16xf32> to vector<16xf32>
        %mul3A_466 = arith.mulf %get3A_2, %sub3A_458 : vector<16xf32>
        %add3A_467 = arith.addf %get3A_465, %mul3A_466 : vector<16xf32>
        %add3A_468 = arith.constant 2560 : i32
        %add3A_469 = arith.addi %add3A_468, %mul3A_120 : i32
        %swap3A_470 = arith.constant 0 : i32
        %swap3A_471 = arith.index_cast %swap3A_470 : i32 to index
        %swap3A_472 = arith.index_cast %add3A_469 : i32 to index
        %swap3A_473 = tpu.vector_load %arg10[%swap3A_471, %swap3A_472] {strides = array<i32>} : memref<4x4352xf32, #tpu.memory_space<vmem>>, vector<1x16xf32>,
        %swap3A_474 = vector.shape_cast %swap3A_473 : vector<1x16xf32> to vector<16xf32>
        %swap3A_475 = vector.shape_cast %add3A_467 : vector<16xf32> to vector<1x16xf32>
        tpu.vector_store %arg10[%swap3A_471, %swap3A_472], %swap3A_475 {strides = array<i32>} : memref<4x4352xf32, #tpu.memory_space<vmem>>, vector<1x16xf32>,
        %add3A_476 = arith.constant 2560 : i32
        %add3A_477 = arith.addi %add3A_476, %mul3A_120 : i32
        %get3A_478 = arith.constant 0 : i32
        %get3A_479 = arith.index_cast %get3A_478 : i32 to index
        %get3A_480 = arith.index_cast %add3A_477 : i32 to index
        %get3A_481 = tpu.vector_load %arg8[%get3A_479, %get3A_480] {strides = array<i32>} : memref<4x4096xf32, #tpu.memory_space<vmem>>, vector<1x16xf32>,
        %get3A_482 = vector.shape_cast %get3A_481 : vector<1x16xf32> to vector<16xf32>
        %mul3A_483 = arith.constant 1.000000e+00 : f32
        %mul3A_484 = vector.broadcast %mul3A_483 : f32 to vector<16xf32>
        %mul3A_485 = arith.mulf %mul3A_484, %get3A_482 : vector<16xf32>
        %sub3A_486 = arith.subf %sub3A_402, %mul3A_485 : vector<16xf32>
        %add3A_487 = arith.constant 2816 : i32
        %add3A_488 = arith.addi %add3A_487, %mul3A_120 : i32
        %get3A_489 = arith.constant 0 : i32
        %get3A_490 = arith.index_cast %get3A_489 : i32 to index
        %get3A_491 = arith.index_cast %add3A_488 : i32 to index
        %get3A_492 = tpu.vector_load %arg7[%get3A_490, %get3A_491] {strides = array<i32>} : memref<4x4352xf32, #tpu.memory_space<vmem>>, vector<1x16xf32>,
        %get3A_493 = vector.shape_cast %get3A_492 : vector<1x16xf32> to vector<16xf32>
        %mul3A_494 = arith.mulf %get3A_2, %sub3A_486 : vector<16xf32>
        %add3A_495 = arith.addf %get3A_493, %mul3A_494 : vector<16xf32>
        %add3A_496 = arith.constant 2816 : i32
        %add3A_497 = arith.addi %add3A_496, %mul3A_120 : i32
        %swap3A_498 = arith.constant 0 : i32
        %swap3A_499 = arith.index_cast %swap3A_498 : i32 to index
        %swap3A_500 = arith.index_cast %add3A_497 : i32 to index
        %swap3A_501 = tpu.vector_load %arg10[%swap3A_499, %swap3A_500] {strides = array<i32>} : memref<4x4352xf32, #tpu.memory_space<vmem>>, vector<1x16xf32>,
        %swap3A_502 = vector.shape_cast %swap3A_501 : vector<1x16xf32> to vector<16xf32>
        %swap3A_503 = vector.shape_cast %add3A_495 : vector<16xf32> to vector<1x16xf32>
        tpu.vector_store %arg10[%swap3A_499, %swap3A_500], %swap3A_503 {strides = array<i32>} : memref<4x4352xf32, #tpu.memory_space<vmem>>, vector<1x16xf32>,
        %add3A_504 = arith.constant 2816 : i32
        %add3A_505 = arith.addi %add3A_504, %mul3A_120 : i32
        %get3A_506 = arith.constant 0 : i32
        %get3A_507 = arith.index_cast %get3A_506 : i32 to index
        %get3A_508 = arith.index_cast %add3A_505 : i32 to index
        %get3A_509 = tpu.vector_load %arg8[%get3A_507, %get3A_508] {strides = array<i32>} : memref<4x4096xf32, #tpu.memory_space<vmem>>, vector<1x16xf32>,
        %get3A_510 = vector.shape_cast %get3A_509 : vector<1x16xf32> to vector<16xf32>
        %mul3A_511 = arith.constant -1.000000e+00 : f32
        %mul3A_512 = vector.broadcast %mul3A_511 : f32 to vector<16xf32>
        %mul3A_513 = arith.mulf %mul3A_512, %get3A_510 : vector<16xf32>
        %sub3A_514 = arith.subf %sub3A_486, %mul3A_513 : vector<16xf32>
        %add3A_515 = arith.constant 3072 : i32
        %add3A_516 = arith.addi %add3A_515, %mul3A_120 : i32
        %get3A_517 = arith.constant 0 : i32
        %get3A_518 = arith.index_cast %get3A_517 : i32 to index
        %get3A_519 = arith.index_cast %add3A_516 : i32 to index
        %get3A_520 = tpu.vector_load %arg7[%get3A_518, %get3A_519] {strides = array<i32>} : memref<4x4352xf32, #tpu.memory_space<vmem>>, vector<1x16xf32>,
        %get3A_521 = vector.shape_cast %get3A_520 : vector<1x16xf32> to vector<16xf32>
        %mul3A_522 = arith.mulf %get3A_2, %sub3A_514 : vector<16xf32>
        %add3A_523 = arith.addf %get3A_521, %mul3A_522 : vector<16xf32>
        %add3A_524 = arith.constant 3072 : i32
        %add3A_525 = arith.addi %add3A_524, %mul3A_120 : i32
        %swap3A_526 = arith.constant 0 : i32
        %swap3A_527 = arith.index_cast %swap3A_526 : i32 to index
        %swap3A_528 = arith.index_cast %add3A_525 : i32 to index
        %swap3A_529 = tpu.vector_load %arg10[%swap3A_527, %swap3A_528] {strides = array<i32>} : memref<4x4352xf32, #tpu.memory_space<vmem>>, vector<1x16xf32>,
        %swap3A_530 = vector.shape_cast %swap3A_529 : vector<1x16xf32> to vector<16xf32>
        %swap3A_531 = vector.shape_cast %add3A_523 : vector<16xf32> to vector<1x16xf32>
        tpu.vector_store %arg10[%swap3A_527, %swap3A_528], %swap3A_531 {strides = array<i32>} : memref<4x4352xf32, #tpu.memory_space<vmem>>, vector<1x16xf32>,
        %add3A_532 = arith.constant 3072 : i32
        %add3A_533 = arith.addi %add3A_532, %mul3A_120 : i32
        %get3A_534 = arith.constant 0 : i32
        %get3A_535 = arith.index_cast %get3A_534 : i32 to index
        %get3A_536 = arith.index_cast %add3A_533 : i32 to index
        %get3A_537 = tpu.vector_load %arg8[%get3A_535, %get3A_536] {strides = array<i32>} : memref<4x4096xf32, #tpu.memory_space<vmem>>, vector<1x16xf32>,
        %get3A_538 = vector.shape_cast %get3A_537 : vector<1x16xf32> to vector<16xf32>
        %mul3A_539 = arith.constant 1.000000e+00 : f32
        %mul3A_540 = vector.broadcast %mul3A_539 : f32 to vector<16xf32>
        %mul3A_541 = arith.mulf %mul3A_540, %get3A_538 : vector<16xf32>
        %sub3A_542 = arith.subf %sub3A_514, %mul3A_541 : vector<16xf32>
        %add3A_543 = arith.constant 3328 : i32
        %add3A_544 = arith.addi %add3A_543, %mul3A_120 : i32
        %get3A_545 = arith.constant 0 : i32
        %get3A_546 = arith.index_cast %get3A_545 : i32 to index
        %get3A_547 = arith.index_cast %add3A_544 : i32 to index
        %get3A_548 = tpu.vector_load %arg7[%get3A_546, %get3A_547] {strides = array<i32>} : memref<4x4352xf32, #tpu.memory_space<vmem>>, vector<1x16xf32>,
        %get3A_549 = vector.shape_cast %get3A_548 : vector<1x16xf32> to vector<16xf32>
        %mul3A_550 = arith.mulf %get3A_2, %sub3A_542 : vector<16xf32>
        %add3A_551 = arith.addf %get3A_549, %mul3A_550 : vector<16xf32>
        %add3A_552 = arith.constant 3328 : i32
        %add3A_553 = arith.addi %add3A_552, %mul3A_120 : i32
        %swap3A_554 = arith.constant 0 : i32
        %swap3A_555 = arith.index_cast %swap3A_554 : i32 to index
        %swap3A_556 = arith.index_cast %add3A_553 : i32 to index
        %swap3A_557 = tpu.vector_load %arg10[%swap3A_555, %swap3A_556] {strides = array<i32>} : memref<4x4352xf32, #tpu.memory_space<vmem>>, vector<1x16xf32>,
        %swap3A_558 = vector.shape_cast %swap3A_557 : vector<1x16xf32> to vector<16xf32>
        %swap3A_559 = vector.shape_cast %add3A_551 : vector<16xf32> to vector<1x16xf32>
        tpu.vector_store %arg10[%swap3A_555, %swap3A_556], %swap3A_559 {strides = array<i32>} : memref<4x4352xf32, #tpu.memory_space<vmem>>, vector<1x16xf32>,
        %add3A_560 = arith.constant 3328 : i32
        %add3A_561 = arith.addi %add3A_560, %mul3A_120 : i32
        %get3A_562 = arith.constant 0 : i32
        %get3A_563 = arith.index_cast %get3A_562 : i32 to index
        %get3A_564 = arith.index_cast %add3A_561 : i32 to index
        %get3A_565 = tpu.vector_load %arg8[%get3A_563, %get3A_564] {strides = array<i32>} : memref<4x4096xf32, #tpu.memory_space<vmem>>, vector<1x16xf32>,
        %get3A_566 = vector.shape_cast %get3A_565 : vector<1x16xf32> to vector<16xf32>
        %mul3A_567 = arith.constant -1.000000e+00 : f32
        %mul3A_568 = vector.broadcast %mul3A_567 : f32 to vector<16xf32>
        %mul3A_569 = arith.mulf %mul3A_568, %get3A_566 : vector<16xf32>
        %sub3A_570 = arith.subf %sub3A_402, %mul3A_569 : vector<16xf32>
        %add3A_571 = arith.constant 3584 : i32
        %add3A_572 = arith.addi %add3A_571, %mul3A_120 : i32
        %get3A_573 = arith.constant 0 : i32
        %get3A_574 = arith.index_cast %get3A_573 : i32 to index
        %get3A_575 = arith.index_cast %add3A_572 : i32 to index
        %get3A_576 = tpu.vector_load %arg7[%get3A_574, %get3A_575] {strides = array<i32>} : memref<4x4352xf32, #tpu.memory_space<vmem>>, vector<1x16xf32>,
        %get3A_577 = vector.shape_cast %get3A_576 : vector<1x16xf32> to vector<16xf32>
        %mul3A_578 = arith.mulf %get3A_2, %sub3A_570 : vector<16xf32>
        %add3A_579 = arith.addf %get3A_577, %mul3A_578 : vector<16xf32>
        %add3A_580 = arith.constant 3584 : i32
        %add3A_581 = arith.addi %add3A_580, %mul3A_120 : i32
        %swap3A_582 = arith.constant 0 : i32
        %swap3A_583 = arith.index_cast %swap3A_582 : i32 to index
        %swap3A_584 = arith.index_cast %add3A_581 : i32 to index
        %swap3A_585 = tpu.vector_load %arg10[%swap3A_583, %swap3A_584] {strides = array<i32>} : memref<4x4352xf32, #tpu.memory_space<vmem>>, vector<1x16xf32>,
        %swap3A_586 = vector.shape_cast %swap3A_585 : vector<1x16xf32> to vector<16xf32>
        %swap3A_587 = vector.shape_cast %add3A_579 : vector<16xf32> to vector<1x16xf32>
        tpu.vector_store %arg10[%swap3A_583, %swap3A_584], %swap3A_587 {strides = array<i32>} : memref<4x4352xf32, #tpu.memory_space<vmem>>, vector<1x16xf32>,
        %add3A_588 = arith.constant 3584 : i32
        %add3A_589 = arith.addi %add3A_588, %mul3A_120 : i32
        %get3A_590 = arith.constant 0 : i32
        %get3A_591 = arith.index_cast %get3A_590 : i32 to index
        %get3A_592 = arith.index_cast %add3A_589 : i32 to index
        %get3A_593 = tpu.vector_load %arg8[%get3A_591, %get3A_592] {strides = array<i32>} : memref<4x4096xf32, #tpu.memory_space<vmem>>, vector<1x16xf32>,
        %get3A_594 = vector.shape_cast %get3A_593 : vector<1x16xf32> to vector<16xf32>
        %mul3A_595 = arith.constant 1.000000e+00 : f32
        %mul3A_596 = vector.broadcast %mul3A_595 : f32 to vector<16xf32>
        %mul3A_597 = arith.mulf %mul3A_596, %get3A_594 : vector<16xf32>
        %sub3A_598 = arith.subf %sub3A_570, %mul3A_597 : vector<16xf32>
        %add3A_599 = arith.constant 3840 : i32
        %add3A_600 = arith.addi %add3A_599, %mul3A_120 : i32
        %get3A_601 = arith.constant 0 : i32
        %get3A_602 = arith.index_cast %get3A_601 : i32 to index
        %get3A_603 = arith.index_cast %add3A_600 : i32 to index
        %get3A_604 = tpu.vector_load %arg7[%get3A_602, %get3A_603] {strides = array<i32>} : memref<4x4352xf32, #tpu.memory_space<vmem>>, vector<1x16xf32>,
        %get3A_605 = vector.shape_cast %get3A_604 : vector<1x16xf32> to vector<16xf32>
        %mul3A_606 = arith.mulf %get3A_2, %sub3A_598 : vector<16xf32>
        %add3A_607 = arith.addf %get3A_605, %mul3A_606 : vector<16xf32>
        %add3A_608 = arith.constant 3840 : i32
        %add3A_609 = arith.addi %add3A_608, %mul3A_120 : i32
        %swap3A_610 = arith.constant 0 : i32
        %swap3A_611 = arith.index_cast %swap3A_610 : i32 to index
        %swap3A_612 = arith.index_cast %add3A_609 : i32 to index
        %swap3A_613 = tpu.vector_load %arg10[%swap3A_611, %swap3A_612] {strides = array<i32>} : memref<4x4352xf32, #tpu.memory_space<vmem>>, vector<1x16xf32>,
        %swap3A_614 = vector.shape_cast %swap3A_613 : vector<1x16xf32> to vector<16xf32>
        %swap3A_615 = vector.shape_cast %add3A_607 : vector<16xf32> to vector<1x16xf32>
        tpu.vector_store %arg10[%swap3A_611, %swap3A_612], %swap3A_615 {strides = array<i32>} : memref<4x4352xf32, #tpu.memory_space<vmem>>, vector<1x16xf32>,
        %add3A_616 = arith.constant 3840 : i32
        %add3A_617 = arith.addi %add3A_616, %mul3A_120 : i32
        %get3A_618 = arith.constant 0 : i32
        %get3A_619 = arith.index_cast %get3A_618 : i32 to index
        %get3A_620 = arith.index_cast %add3A_617 : i32 to index
        %get3A_621 = tpu.vector_load %arg8[%get3A_619, %get3A_620] {strides = array<i32>} : memref<4x4096xf32, #tpu.memory_space<vmem>>, vector<1x16xf32>,
        %get3A_622 = vector.shape_cast %get3A_621 : vector<1x16xf32> to vector<16xf32>
        %mul3A_623 = arith.constant -1.000000e+00 : f32
        %mul3A_624 = vector.broadcast %mul3A_623 : f32 to vector<16xf32>
        %mul3A_625 = arith.mulf %mul3A_624, %get3A_622 : vector<16xf32>
        %sub3A_626 = arith.subf %sub3A_598, %mul3A_625 : vector<16xf32>
        %add3A_627 = arith.constant 4096 : i32
        %add3A_628 = arith.addi %add3A_627, %mul3A_120 : i32
        %get3A_629 = arith.constant 0 : i32
        %get3A_630 = arith.index_cast %get3A_629 : i32 to index
        %get3A_631 = arith.index_cast %add3A_628 : i32 to index
        %get3A_632 = tpu.vector_load %arg7[%get3A_630, %get3A_631] {strides = array<i32>} : memref<4x4352xf32, #tpu.memory_space<vmem>>, vector<1x16xf32>,
        %get3A_633 = vector.shape_cast %get3A_632 : vector<1x16xf32> to vector<16xf32>
        %mul3A_634 = arith.mulf %get3A_2, %sub3A_626 : vector<16xf32>
        %add3A_635 = arith.addf %get3A_633, %mul3A_634 : vector<16xf32>
        %add3A_636 = arith.constant 4096 : i32
        %add3A_637 = arith.addi %add3A_636, %mul3A_120 : i32
        %swap3A_638 = arith.constant 0 : i32
        %swap3A_639 = arith.index_cast %swap3A_638 : i32 to index
        %swap3A_640 = arith.index_cast %add3A_637 : i32 to index
        %swap3A_641 = tpu.vector_load %arg10[%swap3A_639, %swap3A_640] {strides = array<i32>} : memref<4x4352xf32, #tpu.memory_space<vmem>>, vector<1x16xf32>,
        %swap3A_642 = vector.shape_cast %swap3A_641 : vector<1x16xf32> to vector<16xf32>
        %swap3A_643 = vector.shape_cast %add3A_635 : vector<16xf32> to vector<1x16xf32>
        tpu.vector_store %arg10[%swap3A_639, %swap3A_640], %swap3A_643 {strides = array<i32>} : memref<4x4352xf32, #tpu.memory_space<vmem>>, vector<1x16xf32>,
      }
      %scan3A_39 = arith.constant 16 : i32
      %get3A_40 = arith.constant 1 : i32
      %get3A_41 = arith.index_cast %get3A_40 : i32 to index
      %get3A_42 = arith.constant 0 : index
      %get3A_43 = tpu.vector_load %arg9[%get3A_41, %get3A_42] {strides = array<i32>} : memref<4x64xf32, #tpu.memory_space<vmem>>, vector<1x16xf32>,
      %get3A_44 = vector.shape_cast %get3A_43 : vector<1x16xf32> to vector<16xf32>
      %get3A_45 = arith.constant 1 : i32
      %get3A_46 = arith.index_cast %get3A_45 : i32 to index
      %get3A_47 = arith.constant 16 : index
      %get3A_48 = tpu.vector_load %arg9[%get3A_46, %get3A_47] {strides = array<i32>} : memref<4x64xf32, #tpu.memory_space<vmem>>, vector<1x16xf32>,
      %get3A_49 = vector.shape_cast %get3A_48 : vector<1x16xf32> to vector<16xf32>
      %get3A_50 = arith.constant 1 : i32
      %get3A_51 = arith.index_cast %get3A_50 : i32 to index
      %get3A_52 = arith.constant 32 : index
      %get3A_53 = tpu.vector_load %arg9[%get3A_51, %get3A_52] {strides = array<i32>} : memref<4x64xf32, #tpu.memory_space<vmem>>, vector<1x16xf32>,
      %get3A_54 = vector.shape_cast %get3A_53 : vector<1x16xf32> to vector<16xf32>
      %get3A_55 = arith.constant 1 : i32
      %get3A_56 = arith.index_cast %get3A_55 : i32 to index
      %get3A_57 = arith.constant 48 : index
      %get3A_58 = tpu.vector_load %arg9[%get3A_56, %get3A_57] {strides = array<i32>} : memref<4x64xf32, #tpu.memory_space<vmem>>, vector<1x16xf32>,
      %get3A_59 = vector.shape_cast %get3A_58 : vector<1x16xf32> to vector<16xf32>
      %scan3A_60 = arith.constant 0 : i32
      %scan3A_61 = arith.constant 0 : i32
      %scan3A_62 = arith.constant 16 : i32
      %scan3A_63 = arith.addi %scan3A_61, %scan3A_62 : i32
      %scan3A_64 = arith.constant 1 : i32
      scf.for %scan3A_118 = %scan3A_61 to %scan3A_63 step %scan3A_64  : i32 {
        %mul3A_119 = arith.constant 16 : i32
        %mul3A_120 = arith.muli %scan3A_118, %mul3A_119 : i32
        %add3A_121 = arith.constant 0 : i32
        %add3A_122 = arith.addi %add3A_121, %mul3A_120 : i32
        %get3A_123 = arith.constant 1 : i32
        %get3A_124 = arith.index_cast %get3A_123 : i32 to index
        %get3A_125 = arith.index_cast %add3A_122 : i32 to index
        %get3A_126 = tpu.vector_load %arg7[%get3A_124, %get3A_125] {strides = array<i32>} : memref<4x4352xf32, #tpu.memory_space<vmem>>, vector<1x16xf32>,
        %get3A_127 = vector.shape_cast %get3A_126 : vector<1x16xf32> to vector<16xf32>
        %add3A_128 = arith.constant 256 : i32
        %add3A_129 = arith.addi %add3A_128, %mul3A_120 : i32
        %get3A_130 = arith.constant 1 : i32
        %get3A_131 = arith.index_cast %get3A_130 : i32 to index
        %get3A_132 = arith.index_cast %add3A_129 : i32 to index
        %get3A_133 = tpu.vector_load %arg7[%get3A_131, %get3A_132] {strides = array<i32>} : memref<4x4352xf32, #tpu.memory_space<vmem>>, vector<1x16xf32>,
        %get3A_134 = vector.shape_cast %get3A_133 : vector<1x16xf32> to vector<16xf32>
        %add3A_135 = arith.constant 0 : i32
        %add3A_136 = arith.addi %add3A_135, %mul3A_120 : i32
        %get3A_137 = arith.constant 1 : i32
        %get3A_138 = arith.index_cast %get3A_137 : i32 to index
        %get3A_139 = arith.index_cast %add3A_136 : i32 to index
        %get3A_140 = tpu.vector_load %arg8[%get3A_138, %get3A_139] {strides = array<i32>} : memref<4x4096xf32, #tpu.memory_space<vmem>>, vector<1x16xf32>,
        %get3A_141 = vector.shape_cast %get3A_140 : vector<1x16xf32> to vector<16xf32>
        %add3A_142 = arith.addf %get3A_134, %get3A_141 : vector<16xf32>
        %add3A_143 = arith.constant 1024 : i32
        %add3A_144 = arith.addi %add3A_143, %mul3A_120 : i32
        %get3A_145 = arith.constant 1 : i32
        %get3A_146 = arith.index_cast %get3A_145 : i32 to index
        %get3A_147 = arith.index_cast %add3A_144 : i32 to index
        %get3A_148 = tpu.vector_load %arg7[%get3A_146, %get3A_147] {strides = array<i32>} : memref<4x4352xf32, #tpu.memory_space<vmem>>, vector<1x16xf32>,
        %get3A_149 = vector.shape_cast %get3A_148 : vector<1x16xf32> to vector<16xf32>
        %add3A_150 = arith.constant 768 : i32
        %add3A_151 = arith.addi %add3A_150, %mul3A_120 : i32
        %get3A_152 = arith.constant 1 : i32
        %get3A_153 = arith.index_cast %get3A_152 : i32 to index
        %get3A_154 = arith.index_cast %add3A_151 : i32 to index
        %get3A_155 = tpu.vector_load %arg8[%get3A_153, %get3A_154] {strides = array<i32>} : memref<4x4096xf32, #tpu.memory_space<vmem>>, vector<1x16xf32>,
        %get3A_156 = vector.shape_cast %get3A_155 : vector<1x16xf32> to vector<16xf32>
        %sub3A = arith.subf %get3A_149, %get3A_156 : vector<16xf32>
        %add3A_157 = arith.constant 1792 : i32
        %add3A_158 = arith.addi %add3A_157, %mul3A_120 : i32
        %get3A_159 = arith.constant 1 : i32
        %get3A_160 = arith.index_cast %get3A_159 : i32 to index
        %get3A_161 = arith.index_cast %add3A_158 : i32 to index
        %get3A_162 = tpu.vector_load %arg7[%get3A_160, %get3A_161] {strides = array<i32>} : memref<4x4352xf32, #tpu.memory_space<vmem>>, vector<1x16xf32>,
        %get3A_163 = vector.shape_cast %get3A_162 : vector<1x16xf32> to vector<16xf32>
        %add3A_164 = arith.constant 1536 : i32
        %add3A_165 = arith.addi %add3A_164, %mul3A_120 : i32
        %get3A_166 = arith.constant 1 : i32
        %get3A_167 = arith.index_cast %get3A_166 : i32 to index
        %get3A_168 = arith.index_cast %add3A_165 : i32 to index
        %get3A_169 = tpu.vector_load %arg8[%get3A_167, %get3A_168] {strides = array<i32>} : memref<4x4096xf32, #tpu.memory_space<vmem>>, vector<1x16xf32>,
        %get3A_170 = vector.shape_cast %get3A_169 : vector<1x16xf32> to vector<16xf32>
        %add3A_171 = arith.addf %get3A_163, %get3A_170 : vector<16xf32>
        %mul3A_172 = arith.mulf %get3A_44, %get3A_127 : vector<16xf32>
        %mul3A_173 = arith.mulf %get3A_49, %add3A_142 : vector<16xf32>
        %add3A_174 = arith.addf %mul3A_172, %mul3A_173 : vector<16xf32>
        %mul3A_175 = arith.mulf %get3A_54, %sub3A : vector<16xf32>
        %add3A_176 = arith.addf %add3A_174, %mul3A_175 : vector<16xf32>
        %mul3A_177 = arith.mulf %get3A_59, %add3A_171 : vector<16xf32>
        %add3A_178 = arith.addf %add3A_176, %mul3A_177 : vector<16xf32>
        %mul3A_179 = arith.constant 5.000000e-01 : f32
        %mul3A_180 = vector.broadcast %mul3A_179 : f32 to vector<16xf32>
        %mul3A_181 = arith.mulf %mul3A_180, %add3A_178 : vector<16xf32>
        %add3A_182 = arith.constant 0 : i32
        %add3A_183 = arith.addi %add3A_182, %mul3A_120 : i32
        %get3A_184 = arith.constant 1 : i32
        %get3A_185 = arith.index_cast %get3A_184 : i32 to index
        %get3A_186 = arith.index_cast %add3A_183 : i32 to index
        %get3A_187 = tpu.vector_load %arg7[%get3A_185, %get3A_186] {strides = array<i32>} : memref<4x4352xf32, #tpu.memory_space<vmem>>, vector<1x16xf32>,
        %get3A_188 = vector.shape_cast %get3A_187 : vector<1x16xf32> to vector<16xf32>
        %mul3A_189 = arith.mulf %get3A_2, %mul3A_181 : vector<16xf32>
        %add3A_190 = arith.addf %get3A_188, %mul3A_189 : vector<16xf32>
        %swap3A = arith.constant 1 : i32
        %swap3A_191 = arith.index_cast %swap3A : i32 to index
        %swap3A_192 = arith.index_cast %mul3A_120 : i32 to index
        %swap3A_193 = tpu.vector_load %arg10[%swap3A_191, %swap3A_192] {strides = array<i32>} : memref<4x4352xf32, #tpu.memory_space<vmem>>, vector<1x16xf32>,
        %swap3A_194 = vector.shape_cast %swap3A_193 : vector<1x16xf32> to vector<16xf32>
        %swap3A_195 = vector.shape_cast %add3A_190 : vector<16xf32> to vector<1x16xf32>
        tpu.vector_store %arg10[%swap3A_191, %swap3A_192], %swap3A_195 {strides = array<i32>} : memref<4x4352xf32, #tpu.memory_space<vmem>>, vector<1x16xf32>,
        %add3A_196 = arith.constant 0 : i32
        %add3A_197 = arith.addi %add3A_196, %mul3A_120 : i32
        %get3A_198 = arith.constant 1 : i32
        %get3A_199 = arith.index_cast %get3A_198 : i32 to index
        %get3A_200 = arith.index_cast %add3A_197 : i32 to index
        %get3A_201 = tpu.vector_load %arg8[%get3A_199, %get3A_200] {strides = array<i32>} : memref<4x4096xf32, #tpu.memory_space<vmem>>, vector<1x16xf32>,
        %get3A_202 = vector.shape_cast %get3A_201 : vector<1x16xf32> to vector<16xf32>
        %mul3A_203 = arith.constant 1.000000e+00 : f32
        %mul3A_204 = vector.broadcast %mul3A_203 : f32 to vector<16xf32>
        %mul3A_205 = arith.mulf %mul3A_204, %get3A_202 : vector<16xf32>
        %sub3A_206 = arith.subf %mul3A_181, %mul3A_205 : vector<16xf32>
        %add3A_207 = arith.constant 256 : i32
        %add3A_208 = arith.addi %add3A_207, %mul3A_120 : i32
        %get3A_209 = arith.constant 1 : i32
        %get3A_210 = arith.index_cast %get3A_209 : i32 to index
        %get3A_211 = arith.index_cast %add3A_208 : i32 to index
        %get3A_212 = tpu.vector_load %arg7[%get3A_210, %get3A_211] {strides = array<i32>} : memref<4x4352xf32, #tpu.memory_space<vmem>>, vector<1x16xf32>,
        %get3A_213 = vector.shape_cast %get3A_212 : vector<1x16xf32> to vector<16xf32>
        %mul3A_214 = arith.mulf %get3A_2, %sub3A_206 : vector<16xf32>
        %add3A_215 = arith.addf %get3A_213, %mul3A_214 : vector<16xf32>
        %add3A_216 = arith.constant 256 : i32
        %add3A_217 = arith.addi %add3A_216, %mul3A_120 : i32
        %swap3A_218 = arith.constant 1 : i32
        %swap3A_219 = arith.index_cast %swap3A_218 : i32 to index
        %swap3A_220 = arith.index_cast %add3A_217 : i32 to index
        %swap3A_221 = tpu.vector_load %arg10[%swap3A_219, %swap3A_220] {strides = array<i32>} : memref<4x4352xf32, #tpu.memory_space<vmem>>, vector<1x16xf32>,
        %swap3A_222 = vector.shape_cast %swap3A_221 : vector<1x16xf32> to vector<16xf32>
        %swap3A_223 = vector.shape_cast %add3A_215 : vector<16xf32> to vector<1x16xf32>
        tpu.vector_store %arg10[%swap3A_219, %swap3A_220], %swap3A_223 {strides = array<i32>} : memref<4x4352xf32, #tpu.memory_space<vmem>>, vector<1x16xf32>,
        %add3A_224 = arith.constant 256 : i32
        %add3A_225 = arith.addi %add3A_224, %mul3A_120 : i32
        %get3A_226 = arith.constant 1 : i32
        %get3A_227 = arith.index_cast %get3A_226 : i32 to index
        %get3A_228 = arith.index_cast %add3A_225 : i32 to index
        %get3A_229 = tpu.vector_load %arg8[%get3A_227, %get3A_228] {strides = array<i32>} : memref<4x4096xf32, #tpu.memory_space<vmem>>, vector<1x16xf32>,
        %get3A_230 = vector.shape_cast %get3A_229 : vector<1x16xf32> to vector<16xf32>
        %mul3A_231 = arith.constant -1.000000e+00 : f32
        %mul3A_232 = vector.broadcast %mul3A_231 : f32 to vector<16xf32>
        %mul3A_233 = arith.mulf %mul3A_232, %get3A_230 : vector<16xf32>
        %sub3A_234 = arith.subf %sub3A_206, %mul3A_233 : vector<16xf32>
        %add3A_235 = arith.constant 512 : i32
        %add3A_236 = arith.addi %add3A_235, %mul3A_120 : i32
        %get3A_237 = arith.constant 1 : i32
        %get3A_238 = arith.index_cast %get3A_237 : i32 to index
        %get3A_239 = arith.index_cast %add3A_236 : i32 to index
        %get3A_240 = tpu.vector_load %arg7[%get3A_238, %get3A_239] {strides = array<i32>} : memref<4x4352xf32, #tpu.memory_space<vmem>>, vector<1x16xf32>,
        %get3A_241 = vector.shape_cast %get3A_240 : vector<1x16xf32> to vector<16xf32>
        %mul3A_242 = arith.mulf %get3A_2, %sub3A_234 : vector<16xf32>
        %add3A_243 = arith.addf %get3A_241, %mul3A_242 : vector<16xf32>
        %add3A_244 = arith.constant 512 : i32
        %add3A_245 = arith.addi %add3A_244, %mul3A_120 : i32
        %swap3A_246 = arith.constant 1 : i32
        %swap3A_247 = arith.index_cast %swap3A_246 : i32 to index
        %swap3A_248 = arith.index_cast %add3A_245 : i32 to index
        %swap3A_249 = tpu.vector_load %arg10[%swap3A_247, %swap3A_248] {strides = array<i32>} : memref<4x4352xf32, #tpu.memory_space<vmem>>, vector<1x16xf32>,
        %swap3A_250 = vector.shape_cast %swap3A_249 : vector<1x16xf32> to vector<16xf32>
        %swap3A_251 = vector.shape_cast %add3A_243 : vector<16xf32> to vector<1x16xf32>
        tpu.vector_store %arg10[%swap3A_247, %swap3A_248], %swap3A_251 {strides = array<i32>} : memref<4x4352xf32, #tpu.memory_space<vmem>>, vector<1x16xf32>,
        %add3A_252 = arith.constant 512 : i32
        %add3A_253 = arith.addi %add3A_252, %mul3A_120 : i32
        %get3A_254 = arith.constant 1 : i32
        %get3A_255 = arith.index_cast %get3A_254 : i32 to index
        %get3A_256 = arith.index_cast %add3A_253 : i32 to index
        %get3A_257 = tpu.vector_load %arg8[%get3A_255, %get3A_256] {strides = array<i32>} : memref<4x4096xf32, #tpu.memory_space<vmem>>, vector<1x16xf32>,
        %get3A_258 = vector.shape_cast %get3A_257 : vector<1x16xf32> to vector<16xf32>
        %mul3A_259 = arith.constant 1.000000e+00 : f32
        %mul3A_260 = vector.broadcast %mul3A_259 : f32 to vector<16xf32>
        %mul3A_261 = arith.mulf %mul3A_260, %get3A_258 : vector<16xf32>
        %sub3A_262 = arith.subf %sub3A_234, %mul3A_261 : vector<16xf32>
        %add3A_263 = arith.constant 768 : i32
        %add3A_264 = arith.addi %add3A_263, %mul3A_120 : i32
        %get3A_265 = arith.constant 1 : i32
        %get3A_266 = arith.index_cast %get3A_265 : i32 to index
        %get3A_267 = arith.index_cast %add3A_264 : i32 to index
        %get3A_268 = tpu.vector_load %arg7[%get3A_266, %get3A_267] {strides = array<i32>} : memref<4x4352xf32, #tpu.memory_space<vmem>>, vector<1x16xf32>,
        %get3A_269 = vector.shape_cast %get3A_268 : vector<1x16xf32> to vector<16xf32>
        %mul3A_270 = arith.mulf %get3A_2, %sub3A_262 : vector<16xf32>
        %add3A_271 = arith.addf %get3A_269, %mul3A_270 : vector<16xf32>
        %add3A_272 = arith.constant 768 : i32
        %add3A_273 = arith.addi %add3A_272, %mul3A_120 : i32
        %swap3A_274 = arith.constant 1 : i32
        %swap3A_275 = arith.index_cast %swap3A_274 : i32 to index
        %swap3A_276 = arith.index_cast %add3A_273 : i32 to index
        %swap3A_277 = tpu.vector_load %arg10[%swap3A_275, %swap3A_276] {strides = array<i32>} : memref<4x4352xf32, #tpu.memory_space<vmem>>, vector<1x16xf32>,
        %swap3A_278 = vector.shape_cast %swap3A_277 : vector<1x16xf32> to vector<16xf32>
        %swap3A_279 = vector.shape_cast %add3A_271 : vector<16xf32> to vector<1x16xf32>
        tpu.vector_store %arg10[%swap3A_275, %swap3A_276], %swap3A_279 {strides = array<i32>} : memref<4x4352xf32, #tpu.memory_space<vmem>>, vector<1x16xf32>,
        %add3A_280 = arith.constant 768 : i32
        %add3A_281 = arith.addi %add3A_280, %mul3A_120 : i32
        %get3A_282 = arith.constant 1 : i32
        %get3A_283 = arith.index_cast %get3A_282 : i32 to index
        %get3A_284 = arith.index_cast %add3A_281 : i32 to index
        %get3A_285 = tpu.vector_load %arg8[%get3A_283, %get3A_284] {strides = array<i32>} : memref<4x4096xf32, #tpu.memory_space<vmem>>, vector<1x16xf32>,
        %get3A_286 = vector.shape_cast %get3A_285 : vector<1x16xf32> to vector<16xf32>
        %mul3A_287 = arith.constant -1.000000e+00 : f32
        %mul3A_288 = vector.broadcast %mul3A_287 : f32 to vector<16xf32>
        %mul3A_289 = arith.mulf %mul3A_288, %get3A_286 : vector<16xf32>
        %sub3A_290 = arith.subf %mul3A_181, %mul3A_289 : vector<16xf32>
        %add3A_291 = arith.constant 1024 : i32
        %add3A_292 = arith.addi %add3A_291, %mul3A_120 : i32
        %get3A_293 = arith.constant 1 : i32
        %get3A_294 = arith.index_cast %get3A_293 : i32 to index
        %get3A_295 = arith.index_cast %add3A_292 : i32 to index
        %get3A_296 = tpu.vector_load %arg7[%get3A_294, %get3A_295] {strides = array<i32>} : memref<4x4352xf32, #tpu.memory_space<vmem>>, vector<1x16xf32>,
        %get3A_297 = vector.shape_cast %get3A_296 : vector<1x16xf32> to vector<16xf32>
        %mul3A_298 = arith.mulf %get3A_2, %sub3A_290 : vector<16xf32>
        %add3A_299 = arith.addf %get3A_297, %mul3A_298 : vector<16xf32>
        %add3A_300 = arith.constant 1024 : i32
        %add3A_301 = arith.addi %add3A_300, %mul3A_120 : i32
        %swap3A_302 = arith.constant 1 : i32
        %swap3A_303 = arith.index_cast %swap3A_302 : i32 to index
        %swap3A_304 = arith.index_cast %add3A_301 : i32 to index
        %swap3A_305 = tpu.vector_load %arg10[%swap3A_303, %swap3A_304] {strides = array<i32>} : memref<4x4352xf32, #tpu.memory_space<vmem>>, vector<1x16xf32>,
        %swap3A_306 = vector.shape_cast %swap3A_305 : vector<1x16xf32> to vector<16xf32>
        %swap3A_307 = vector.shape_cast %add3A_299 : vector<16xf32> to vector<1x16xf32>
        tpu.vector_store %arg10[%swap3A_303, %swap3A_304], %swap3A_307 {strides = array<i32>} : memref<4x4352xf32, #tpu.memory_space<vmem>>, vector<1x16xf32>,
        %add3A_308 = arith.constant 1024 : i32
        %add3A_309 = arith.addi %add3A_308, %mul3A_120 : i32
        %get3A_310 = arith.constant 1 : i32
        %get3A_311 = arith.index_cast %get3A_310 : i32 to index
        %get3A_312 = arith.index_cast %add3A_309 : i32 to index
        %get3A_313 = tpu.vector_load %arg8[%get3A_311, %get3A_312] {strides = array<i32>} : memref<4x4096xf32, #tpu.memory_space<vmem>>, vector<1x16xf32>,
        %get3A_314 = vector.shape_cast %get3A_313 : vector<1x16xf32> to vector<16xf32>
        %mul3A_315 = arith.constant 1.000000e+00 : f32
        %mul3A_316 = vector.broadcast %mul3A_315 : f32 to vector<16xf32>
        %mul3A_317 = arith.mulf %mul3A_316, %get3A_314 : vector<16xf32>
        %sub3A_318 = arith.subf %sub3A_290, %mul3A_317 : vector<16xf32>
        %add3A_319 = arith.constant 1280 : i32
        %add3A_320 = arith.addi %add3A_319, %mul3A_120 : i32
        %get3A_321 = arith.constant 1 : i32
        %get3A_322 = arith.index_cast %get3A_321 : i32 to index
        %get3A_323 = arith.index_cast %add3A_320 : i32 to index
        %get3A_324 = tpu.vector_load %arg7[%get3A_322, %get3A_323] {strides = array<i32>} : memref<4x4352xf32, #tpu.memory_space<vmem>>, vector<1x16xf32>,
        %get3A_325 = vector.shape_cast %get3A_324 : vector<1x16xf32> to vector<16xf32>
        %mul3A_326 = arith.mulf %get3A_2, %sub3A_318 : vector<16xf32>
        %add3A_327 = arith.addf %get3A_325, %mul3A_326 : vector<16xf32>
        %add3A_328 = arith.constant 1280 : i32
        %add3A_329 = arith.addi %add3A_328, %mul3A_120 : i32
        %swap3A_330 = arith.constant 1 : i32
        %swap3A_331 = arith.index_cast %swap3A_330 : i32 to index
        %swap3A_332 = arith.index_cast %add3A_329 : i32 to index
        %swap3A_333 = tpu.vector_load %arg10[%swap3A_331, %swap3A_332] {strides = array<i32>} : memref<4x4352xf32, #tpu.memory_space<vmem>>, vector<1x16xf32>,
        %swap3A_334 = vector.shape_cast %swap3A_333 : vector<1x16xf32> to vector<16xf32>
        %swap3A_335 = vector.shape_cast %add3A_327 : vector<16xf32> to vector<1x16xf32>
        tpu.vector_store %arg10[%swap3A_331, %swap3A_332], %swap3A_335 {strides = array<i32>} : memref<4x4352xf32, #tpu.memory_space<vmem>>, vector<1x16xf32>,
        %add3A_336 = arith.constant 1280 : i32
        %add3A_337 = arith.addi %add3A_336, %mul3A_120 : i32
        %get3A_338 = arith.constant 1 : i32
        %get3A_339 = arith.index_cast %get3A_338 : i32 to index
        %get3A_340 = arith.index_cast %add3A_337 : i32 to index
        %get3A_341 = tpu.vector_load %arg8[%get3A_339, %get3A_340] {strides = array<i32>} : memref<4x4096xf32, #tpu.memory_space<vmem>>, vector<1x16xf32>,
        %get3A_342 = vector.shape_cast %get3A_341 : vector<1x16xf32> to vector<16xf32>
        %mul3A_343 = arith.constant -1.000000e+00 : f32
        %mul3A_344 = vector.broadcast %mul3A_343 : f32 to vector<16xf32>
        %mul3A_345 = arith.mulf %mul3A_344, %get3A_342 : vector<16xf32>
        %sub3A_346 = arith.subf %sub3A_318, %mul3A_345 : vector<16xf32>
        %add3A_347 = arith.constant 1536 : i32
        %add3A_348 = arith.addi %add3A_347, %mul3A_120 : i32
        %get3A_349 = arith.constant 1 : i32
        %get3A_350 = arith.index_cast %get3A_349 : i32 to index
        %get3A_351 = arith.index_cast %add3A_348 : i32 to index
        %get3A_352 = tpu.vector_load %arg7[%get3A_350, %get3A_351] {strides = array<i32>} : memref<4x4352xf32, #tpu.memory_space<vmem>>, vector<1x16xf32>,
        %get3A_353 = vector.shape_cast %get3A_352 : vector<1x16xf32> to vector<16xf32>
        %mul3A_354 = arith.mulf %get3A_2, %sub3A_346 : vector<16xf32>
        %add3A_355 = arith.addf %get3A_353, %mul3A_354 : vector<16xf32>
        %add3A_356 = arith.constant 1536 : i32
        %add3A_357 = arith.addi %add3A_356, %mul3A_120 : i32
        %swap3A_358 = arith.constant 1 : i32
        %swap3A_359 = arith.index_cast %swap3A_358 : i32 to index
        %swap3A_360 = arith.index_cast %add3A_357 : i32 to index
        %swap3A_361 = tpu.vector_load %arg10[%swap3A_359, %swap3A_360] {strides = array<i32>} : memref<4x4352xf32, #tpu.memory_space<vmem>>, vector<1x16xf32>,
        %swap3A_362 = vector.shape_cast %swap3A_361 : vector<1x16xf32> to vector<16xf32>
        %swap3A_363 = vector.shape_cast %add3A_355 : vector<16xf32> to vector<1x16xf32>
        tpu.vector_store %arg10[%swap3A_359, %swap3A_360], %swap3A_363 {strides = array<i32>} : memref<4x4352xf32, #tpu.memory_space<vmem>>, vector<1x16xf32>,
        %add3A_364 = arith.constant 1536 : i32
        %add3A_365 = arith.addi %add3A_364, %mul3A_120 : i32
        %get3A_366 = arith.constant 1 : i32
        %get3A_367 = arith.index_cast %get3A_366 : i32 to index
        %get3A_368 = arith.index_cast %add3A_365 : i32 to index
        %get3A_369 = tpu.vector_load %arg8[%get3A_367, %get3A_368] {strides = array<i32>} : memref<4x4096xf32, #tpu.memory_space<vmem>>, vector<1x16xf32>,
        %get3A_370 = vector.shape_cast %get3A_369 : vector<1x16xf32> to vector<16xf32>
        %mul3A_371 = arith.constant 1.000000e+00 : f32
        %mul3A_372 = vector.broadcast %mul3A_371 : f32 to vector<16xf32>
        %mul3A_373 = arith.mulf %mul3A_372, %get3A_370 : vector<16xf32>
        %sub3A_374 = arith.subf %mul3A_181, %mul3A_373 : vector<16xf32>
        %add3A_375 = arith.constant 1792 : i32
        %add3A_376 = arith.addi %add3A_375, %mul3A_120 : i32
        %get3A_377 = arith.constant 1 : i32
        %get3A_378 = arith.index_cast %get3A_377 : i32 to index
        %get3A_379 = arith.index_cast %add3A_376 : i32 to index
        %get3A_380 = tpu.vector_load %arg7[%get3A_378, %get3A_379] {strides = array<i32>} : memref<4x4352xf32, #tpu.memory_space<vmem>>, vector<1x16xf32>,
        %get3A_381 = vector.shape_cast %get3A_380 : vector<1x16xf32> to vector<16xf32>
        %mul3A_382 = arith.mulf %get3A_2, %sub3A_374 : vector<16xf32>
        %add3A_383 = arith.addf %get3A_381, %mul3A_382 : vector<16xf32>
        %add3A_384 = arith.constant 1792 : i32
        %add3A_385 = arith.addi %add3A_384, %mul3A_120 : i32
        %swap3A_386 = arith.constant 1 : i32
        %swap3A_387 = arith.index_cast %swap3A_386 : i32 to index
        %swap3A_388 = arith.index_cast %add3A_385 : i32 to index
        %swap3A_389 = tpu.vector_load %arg10[%swap3A_387, %swap3A_388] {strides = array<i32>} : memref<4x4352xf32, #tpu.memory_space<vmem>>, vector<1x16xf32>,
        %swap3A_390 = vector.shape_cast %swap3A_389 : vector<1x16xf32> to vector<16xf32>
        %swap3A_391 = vector.shape_cast %add3A_383 : vector<16xf32> to vector<1x16xf32>
        tpu.vector_store %arg10[%swap3A_387, %swap3A_388], %swap3A_391 {strides = array<i32>} : memref<4x4352xf32, #tpu.memory_space<vmem>>, vector<1x16xf32>,
        %add3A_392 = arith.constant 1792 : i32
        %add3A_393 = arith.addi %add3A_392, %mul3A_120 : i32
        %get3A_394 = arith.constant 1 : i32
        %get3A_395 = arith.index_cast %get3A_394 : i32 to index
        %get3A_396 = arith.index_cast %add3A_393 : i32 to index
        %get3A_397 = tpu.vector_load %arg8[%get3A_395, %get3A_396] {strides = array<i32>} : memref<4x4096xf32, #tpu.memory_space<vmem>>, vector<1x16xf32>,
        %get3A_398 = vector.shape_cast %get3A_397 : vector<1x16xf32> to vector<16xf32>
        %mul3A_399 = arith.constant -1.000000e+00 : f32
        %mul3A_400 = vector.broadcast %mul3A_399 : f32 to vector<16xf32>
        %mul3A_401 = arith.mulf %mul3A_400, %get3A_398 : vector<16xf32>
        %sub3A_402 = arith.subf %sub3A_374, %mul3A_401 : vector<16xf32>
        %add3A_403 = arith.constant 2048 : i32
        %add3A_404 = arith.addi %add3A_403, %mul3A_120 : i32
        %get3A_405 = arith.constant 1 : i32
        %get3A_406 = arith.index_cast %get3A_405 : i32 to index
        %get3A_407 = arith.index_cast %add3A_404 : i32 to index
        %get3A_408 = tpu.vector_load %arg7[%get3A_406, %get3A_407] {strides = array<i32>} : memref<4x4352xf32, #tpu.memory_space<vmem>>, vector<1x16xf32>,
        %get3A_409 = vector.shape_cast %get3A_408 : vector<1x16xf32> to vector<16xf32>
        %mul3A_410 = arith.mulf %get3A_2, %sub3A_402 : vector<16xf32>
        %add3A_411 = arith.addf %get3A_409, %mul3A_410 : vector<16xf32>
        %add3A_412 = arith.constant 2048 : i32
        %add3A_413 = arith.addi %add3A_412, %mul3A_120 : i32
        %swap3A_414 = arith.constant 1 : i32
        %swap3A_415 = arith.index_cast %swap3A_414 : i32 to index
        %swap3A_416 = arith.index_cast %add3A_413 : i32 to index
        %swap3A_417 = tpu.vector_load %arg10[%swap3A_415, %swap3A_416] {strides = array<i32>} : memref<4x4352xf32, #tpu.memory_space<vmem>>, vector<1x16xf32>,
        %swap3A_418 = vector.shape_cast %swap3A_417 : vector<1x16xf32> to vector<16xf32>
        %swap3A_419 = vector.shape_cast %add3A_411 : vector<16xf32> to vector<1x16xf32>
        tpu.vector_store %arg10[%swap3A_415, %swap3A_416], %swap3A_419 {strides = array<i32>} : memref<4x4352xf32, #tpu.memory_space<vmem>>, vector<1x16xf32>,
        %add3A_420 = arith.constant 2048 : i32
        %add3A_421 = arith.addi %add3A_420, %mul3A_120 : i32
        %get3A_422 = arith.constant 1 : i32
        %get3A_423 = arith.index_cast %get3A_422 : i32 to index
        %get3A_424 = arith.index_cast %add3A_421 : i32 to index
        %get3A_425 = tpu.vector_load %arg8[%get3A_423, %get3A_424] {strides = array<i32>} : memref<4x4096xf32, #tpu.memory_space<vmem>>, vector<1x16xf32>,
        %get3A_426 = vector.shape_cast %get3A_425 : vector<1x16xf32> to vector<16xf32>
        %mul3A_427 = arith.constant 1.000000e+00 : f32
        %mul3A_428 = vector.broadcast %mul3A_427 : f32 to vector<16xf32>
        %mul3A_429 = arith.mulf %mul3A_428, %get3A_426 : vector<16xf32>
        %sub3A_430 = arith.subf %sub3A_402, %mul3A_429 : vector<16xf32>
        %add3A_431 = arith.constant 2304 : i32
        %add3A_432 = arith.addi %add3A_431, %mul3A_120 : i32
        %get3A_433 = arith.constant 1 : i32
        %get3A_434 = arith.index_cast %get3A_433 : i32 to index
        %get3A_435 = arith.index_cast %add3A_432 : i32 to index
        %get3A_436 = tpu.vector_load %arg7[%get3A_434, %get3A_435] {strides = array<i32>} : memref<4x4352xf32, #tpu.memory_space<vmem>>, vector<1x16xf32>,
        %get3A_437 = vector.shape_cast %get3A_436 : vector<1x16xf32> to vector<16xf32>
        %mul3A_438 = arith.mulf %get3A_2, %sub3A_430 : vector<16xf32>
        %add3A_439 = arith.addf %get3A_437, %mul3A_438 : vector<16xf32>
        %add3A_440 = arith.constant 2304 : i32
        %add3A_441 = arith.addi %add3A_440, %mul3A_120 : i32
        %swap3A_442 = arith.constant 1 : i32
        %swap3A_443 = arith.index_cast %swap3A_442 : i32 to index
        %swap3A_444 = arith.index_cast %add3A_441 : i32 to index
        %swap3A_445 = tpu.vector_load %arg10[%swap3A_443, %swap3A_444] {strides = array<i32>} : memref<4x4352xf32, #tpu.memory_space<vmem>>, vector<1x16xf32>,
        %swap3A_446 = vector.shape_cast %swap3A_445 : vector<1x16xf32> to vector<16xf32>
        %swap3A_447 = vector.shape_cast %add3A_439 : vector<16xf32> to vector<1x16xf32>
        tpu.vector_store %arg10[%swap3A_443, %swap3A_444], %swap3A_447 {strides = array<i32>} : memref<4x4352xf32, #tpu.memory_space<vmem>>, vector<1x16xf32>,
        %add3A_448 = arith.constant 2304 : i32
        %add3A_449 = arith.addi %add3A_448, %mul3A_120 : i32
        %get3A_450 = arith.constant 1 : i32
        %get3A_451 = arith.index_cast %get3A_450 : i32 to index
        %get3A_452 = arith.index_cast %add3A_449 : i32 to index
        %get3A_453 = tpu.vector_load %arg8[%get3A_451, %get3A_452] {strides = array<i32>} : memref<4x4096xf32, #tpu.memory_space<vmem>>, vector<1x16xf32>,
        %get3A_454 = vector.shape_cast %get3A_453 : vector<1x16xf32> to vector<16xf32>
        %mul3A_455 = arith.constant -1.000000e+00 : f32
        %mul3A_456 = vector.broadcast %mul3A_455 : f32 to vector<16xf32>
        %mul3A_457 = arith.mulf %mul3A_456, %get3A_454 : vector<16xf32>
        %sub3A_458 = arith.subf %sub3A_430, %mul3A_457 : vector<16xf32>
        %add3A_459 = arith.constant 2560 : i32
        %add3A_460 = arith.addi %add3A_459, %mul3A_120 : i32
        %get3A_461 = arith.constant 1 : i32
        %get3A_462 = arith.index_cast %get3A_461 : i32 to index
        %get3A_463 = arith.index_cast %add3A_460 : i32 to index
        %get3A_464 = tpu.vector_load %arg7[%get3A_462, %get3A_463] {strides = array<i32>} : memref<4x4352xf32, #tpu.memory_space<vmem>>, vector<1x16xf32>,
        %get3A_465 = vector.shape_cast %get3A_464 : vector<1x16xf32> to vector<16xf32>
        %mul3A_466 = arith.mulf %get3A_2, %sub3A_458 : vector<16xf32>
        %add3A_467 = arith.addf %get3A_465, %mul3A_466 : vector<16xf32>
        %add3A_468 = arith.constant 2560 : i32
        %add3A_469 = arith.addi %add3A_468, %mul3A_120 : i32
        %swap3A_470 = arith.constant 1 : i32
        %swap3A_471 = arith.index_cast %swap3A_470 : i32 to index
        %swap3A_472 = arith.index_cast %add3A_469 : i32 to index
        %swap3A_473 = tpu.vector_load %arg10[%swap3A_471, %swap3A_472] {strides = array<i32>} : memref<4x4352xf32, #tpu.memory_space<vmem>>, vector<1x16xf32>,
        %swap3A_474 = vector.shape_cast %swap3A_473 : vector<1x16xf32> to vector<16xf32>
        %swap3A_475 = vector.shape_cast %add3A_467 : vector<16xf32> to vector<1x16xf32>
        tpu.vector_store %arg10[%swap3A_471, %swap3A_472], %swap3A_475 {strides = array<i32>} : memref<4x4352xf32, #tpu.memory_space<vmem>>, vector<1x16xf32>,
        %add3A_476 = arith.constant 2560 : i32
        %add3A_477 = arith.addi %add3A_476, %mul3A_120 : i32
        %get3A_478 = arith.constant 1 : i32
        %get3A_479 = arith.index_cast %get3A_478 : i32 to index
        %get3A_480 = arith.index_cast %add3A_477 : i32 to index
        %get3A_481 = tpu.vector_load %arg8[%get3A_479, %get3A_480] {strides = array<i32>} : memref<4x4096xf32, #tpu.memory_space<vmem>>, vector<1x16xf32>,
        %get3A_482 = vector.shape_cast %get3A_481 : vector<1x16xf32> to vector<16xf32>
        %mul3A_483 = arith.constant 1.000000e+00 : f32
        %mul3A_484 = vector.broadcast %mul3A_483 : f32 to vector<16xf32>
        %mul3A_485 = arith.mulf %mul3A_484, %get3A_482 : vector<16xf32>
        %sub3A_486 = arith.subf %sub3A_402, %mul3A_485 : vector<16xf32>
        %add3A_487 = arith.constant 2816 : i32
        %add3A_488 = arith.addi %add3A_487, %mul3A_120 : i32
        %get3A_489 = arith.constant 1 : i32
        %get3A_490 = arith.index_cast %get3A_489 : i32 to index
        %get3A_491 = arith.index_cast %add3A_488 : i32 to index
        %get3A_492 = tpu.vector_load %arg7[%get3A_490, %get3A_491] {strides = array<i32>} : memref<4x4352xf32, #tpu.memory_space<vmem>>, vector<1x16xf32>,
        %get3A_493 = vector.shape_cast %get3A_492 : vector<1x16xf32> to vector<16xf32>
        %mul3A_494 = arith.mulf %get3A_2, %sub3A_486 : vector<16xf32>
        %add3A_495 = arith.addf %get3A_493, %mul3A_494 : vector<16xf32>
        %add3A_496 = arith.constant 2816 : i32
        %add3A_497 = arith.addi %add3A_496, %mul3A_120 : i32
        %swap3A_498 = arith.constant 1 : i32
        %swap3A_499 = arith.index_cast %swap3A_498 : i32 to index
        %swap3A_500 = arith.index_cast %add3A_497 : i32 to index
        %swap3A_501 = tpu.vector_load %arg10[%swap3A_499, %swap3A_500] {strides = array<i32>} : memref<4x4352xf32, #tpu.memory_space<vmem>>, vector<1x16xf32>,
        %swap3A_502 = vector.shape_cast %swap3A_501 : vector<1x16xf32> to vector<16xf32>
        %swap3A_503 = vector.shape_cast %add3A_495 : vector<16xf32> to vector<1x16xf32>
        tpu.vector_store %arg10[%swap3A_499, %swap3A_500], %swap3A_503 {strides = array<i32>} : memref<4x4352xf32, #tpu.memory_space<vmem>>, vector<1x16xf32>,
        %add3A_504 = arith.constant 2816 : i32
        %add3A_505 = arith.addi %add3A_504, %mul3A_120 : i32
        %get3A_506 = arith.constant 1 : i32
        %get3A_507 = arith.index_cast %get3A_506 : i32 to index
        %get3A_508 = arith.index_cast %add3A_505 : i32 to index
        %get3A_509 = tpu.vector_load %arg8[%get3A_507, %get3A_508] {strides = array<i32>} : memref<4x4096xf32, #tpu.memory_space<vmem>>, vector<1x16xf32>,
        %get3A_510 = vector.shape_cast %get3A_509 : vector<1x16xf32> to vector<16xf32>
        %mul3A_511 = arith.constant -1.000000e+00 : f32
        %mul3A_512 = vector.broadcast %mul3A_511 : f32 to vector<16xf32>
        %mul3A_513 = arith.mulf %mul3A_512, %get3A_510 : vector<16xf32>
        %sub3A_514 = arith.subf %sub3A_486, %mul3A_513 : vector<16xf32>
        %add3A_515 = arith.constant 3072 : i32
        %add3A_516 = arith.addi %add3A_515, %mul3A_120 : i32
        %get3A_517 = arith.constant 1 : i32
        %get3A_518 = arith.index_cast %get3A_517 : i32 to index
        %get3A_519 = arith.index_cast %add3A_516 : i32 to index
        %get3A_520 = tpu.vector_load %arg7[%get3A_518, %get3A_519] {strides = array<i32>} : memref<4x4352xf32, #tpu.memory_space<vmem>>, vector<1x16xf32>,
        %get3A_521 = vector.shape_cast %get3A_520 : vector<1x16xf32> to vector<16xf32>
        %mul3A_522 = arith.mulf %get3A_2, %sub3A_514 : vector<16xf32>
        %add3A_523 = arith.addf %get3A_521, %mul3A_522 : vector<16xf32>
        %add3A_524 = arith.constant 3072 : i32
        %add3A_525 = arith.addi %add3A_524, %mul3A_120 : i32
        %swap3A_526 = arith.constant 1 : i32
        %swap3A_527 = arith.index_cast %swap3A_526 : i32 to index
        %swap3A_528 = arith.index_cast %add3A_525 : i32 to index
        %swap3A_529 = tpu.vector_load %arg10[%swap3A_527, %swap3A_528] {strides = array<i32>} : memref<4x4352xf32, #tpu.memory_space<vmem>>, vector<1x16xf32>,
        %swap3A_530 = vector.shape_cast %swap3A_529 : vector<1x16xf32> to vector<16xf32>
        %swap3A_531 = vector.shape_cast %add3A_523 : vector<16xf32> to vector<1x16xf32>
        tpu.vector_store %arg10[%swap3A_527, %swap3A_528], %swap3A_531 {strides = array<i32>} : memref<4x4352xf32, #tpu.memory_space<vmem>>, vector<1x16xf32>,
        %add3A_532 = arith.constant 3072 : i32
        %add3A_533 = arith.addi %add3A_532, %mul3A_120 : i32
        %get3A_534 = arith.constant 1 : i32
        %get3A_535 = arith.index_cast %get3A_534 : i32 to index
        %get3A_536 = arith.index_cast %add3A_533 : i32 to index
        %get3A_537 = tpu.vector_load %arg8[%get3A_535, %get3A_536] {strides = array<i32>} : memref<4x4096xf32, #tpu.memory_space<vmem>>, vector<1x16xf32>,
        %get3A_538 = vector.shape_cast %get3A_537 : vector<1x16xf32> to vector<16xf32>
        %mul3A_539 = arith.constant 1.000000e+00 : f32
        %mul3A_540 = vector.broadcast %mul3A_539 : f32 to vector<16xf32>
        %mul3A_541 = arith.mulf %mul3A_540, %get3A_538 : vector<16xf32>
        %sub3A_542 = arith.subf %sub3A_514, %mul3A_541 : vector<16xf32>
        %add3A_543 = arith.constant 3328 : i32
        %add3A_544 = arith.addi %add3A_543, %mul3A_120 : i32
        %get3A_545 = arith.constant 1 : i32
        %get3A_546 = arith.index_cast %get3A_545 : i32 to index
        %get3A_547 = arith.index_cast %add3A_544 : i32 to index
        %get3A_548 = tpu.vector_load %arg7[%get3A_546, %get3A_547] {strides = array<i32>} : memref<4x4352xf32, #tpu.memory_space<vmem>>, vector<1x16xf32>,
        %get3A_549 = vector.shape_cast %get3A_548 : vector<1x16xf32> to vector<16xf32>
        %mul3A_550 = arith.mulf %get3A_2, %sub3A_542 : vector<16xf32>
        %add3A_551 = arith.addf %get3A_549, %mul3A_550 : vector<16xf32>
        %add3A_552 = arith.constant 3328 : i32
        %add3A_553 = arith.addi %add3A_552, %mul3A_120 : i32
        %swap3A_554 = arith.constant 1 : i32
        %swap3A_555 = arith.index_cast %swap3A_554 : i32 to index
        %swap3A_556 = arith.index_cast %add3A_553 : i32 to index
        %swap3A_557 = tpu.vector_load %arg10[%swap3A_555, %swap3A_556] {strides = array<i32>} : memref<4x4352xf32, #tpu.memory_space<vmem>>, vector<1x16xf32>,
        %swap3A_558 = vector.shape_cast %swap3A_557 : vector<1x16xf32> to vector<16xf32>
        %swap3A_559 = vector.shape_cast %add3A_551 : vector<16xf32> to vector<1x16xf32>
        tpu.vector_store %arg10[%swap3A_555, %swap3A_556], %swap3A_559 {strides = array<i32>} : memref<4x4352xf32, #tpu.memory_space<vmem>>, vector<1x16xf32>,
        %add3A_560 = arith.constant 3328 : i32
        %add3A_561 = arith.addi %add3A_560, %mul3A_120 : i32
        %get3A_562 = arith.constant 1 : i32
        %get3A_563 = arith.index_cast %get3A_562 : i32 to index
        %get3A_564 = arith.index_cast %add3A_561 : i32 to index
        %get3A_565 = tpu.vector_load %arg8[%get3A_563, %get3A_564] {strides = array<i32>} : memref<4x4096xf32, #tpu.memory_space<vmem>>, vector<1x16xf32>,
        %get3A_566 = vector.shape_cast %get3A_565 : vector<1x16xf32> to vector<16xf32>
        %mul3A_567 = arith.constant -1.000000e+00 : f32
        %mul3A_568 = vector.broadcast %mul3A_567 : f32 to vector<16xf32>
        %mul3A_569 = arith.mulf %mul3A_568, %get3A_566 : vector<16xf32>
        %sub3A_570 = arith.subf %sub3A_402, %mul3A_569 : vector<16xf32>
        %add3A_571 = arith.constant 3584 : i32
        %add3A_572 = arith.addi %add3A_571, %mul3A_120 : i32
        %get3A_573 = arith.constant 1 : i32
        %get3A_574 = arith.index_cast %get3A_573 : i32 to index
        %get3A_575 = arith.index_cast %add3A_572 : i32 to index
        %get3A_576 = tpu.vector_load %arg7[%get3A_574, %get3A_575] {strides = array<i32>} : memref<4x4352xf32, #tpu.memory_space<vmem>>, vector<1x16xf32>,
        %get3A_577 = vector.shape_cast %get3A_576 : vector<1x16xf32> to vector<16xf32>
        %mul3A_578 = arith.mulf %get3A_2, %sub3A_570 : vector<16xf32>
        %add3A_579 = arith.addf %get3A_577, %mul3A_578 : vector<16xf32>
        %add3A_580 = arith.constant 3584 : i32
        %add3A_581 = arith.addi %add3A_580, %mul3A_120 : i32
        %swap3A_582 = arith.constant 1 : i32
        %swap3A_583 = arith.index_cast %swap3A_582 : i32 to index
        %swap3A_584 = arith.index_cast %add3A_581 : i32 to index
        %swap3A_585 = tpu.vector_load %arg10[%swap3A_583, %swap3A_584] {strides = array<i32>} : memref<4x4352xf32, #tpu.memory_space<vmem>>, vector<1x16xf32>,
        %swap3A_586 = vector.shape_cast %swap3A_585 : vector<1x16xf32> to vector<16xf32>
        %swap3A_587 = vector.shape_cast %add3A_579 : vector<16xf32> to vector<1x16xf32>
        tpu.vector_store %arg10[%swap3A_583, %swap3A_584], %swap3A_587 {strides = array<i32>} : memref<4x4352xf32, #tpu.memory_space<vmem>>, vector<1x16xf32>,
        %add3A_588 = arith.constant 3584 : i32
        %add3A_589 = arith.addi %add3A_588, %mul3A_120 : i32
        %get3A_590 = arith.constant 1 : i32
        %get3A_591 = arith.index_cast %get3A_590 : i32 to index
        %get3A_592 = arith.index_cast %add3A_589 : i32 to index
        %get3A_593 = tpu.vector_load %arg8[%get3A_591, %get3A_592] {strides = array<i32>} : memref<4x4096xf32, #tpu.memory_space<vmem>>, vector<1x16xf32>,
        %get3A_594 = vector.shape_cast %get3A_593 : vector<1x16xf32> to vector<16xf32>
        %mul3A_595 = arith.constant 1.000000e+00 : f32
        %mul3A_596 = vector.broadcast %mul3A_595 : f32 to vector<16xf32>
        %mul3A_597 = arith.mulf %mul3A_596, %get3A_594 : vector<16xf32>
        %sub3A_598 = arith.subf %sub3A_570, %mul3A_597 : vector<16xf32>
        %add3A_599 = arith.constant 3840 : i32
        %add3A_600 = arith.addi %add3A_599, %mul3A_120 : i32
        %get3A_601 = arith.constant 1 : i32
        %get3A_602 = arith.index_cast %get3A_601 : i32 to index
        %get3A_603 = arith.index_cast %add3A_600 : i32 to index
        %get3A_604 = tpu.vector_load %arg7[%get3A_602, %get3A_603] {strides = array<i32>} : memref<4x4352xf32, #tpu.memory_space<vmem>>, vector<1x16xf32>,
        %get3A_605 = vector.shape_cast %get3A_604 : vector<1x16xf32> to vector<16xf32>
        %mul3A_606 = arith.mulf %get3A_2, %sub3A_598 : vector<16xf32>
        %add3A_607 = arith.addf %get3A_605, %mul3A_606 : vector<16xf32>
        %add3A_608 = arith.constant 3840 : i32
        %add3A_609 = arith.addi %add3A_608, %mul3A_120 : i32
        %swap3A_610 = arith.constant 1 : i32
        %swap3A_611 = arith.index_cast %swap3A_610 : i32 to index
        %swap3A_612 = arith.index_cast %add3A_609 : i32 to index
        %swap3A_613 = tpu.vector_load %arg10[%swap3A_611, %swap3A_612] {strides = array<i32>} : memref<4x4352xf32, #tpu.memory_space<vmem>>, vector<1x16xf32>,
        %swap3A_614 = vector.shape_cast %swap3A_613 : vector<1x16xf32> to vector<16xf32>
        %swap3A_615 = vector.shape_cast %add3A_607 : vector<16xf32> to vector<1x16xf32>
        tpu.vector_store %arg10[%swap3A_611, %swap3A_612], %swap3A_615 {strides = array<i32>} : memref<4x4352xf32, #tpu.memory_space<vmem>>, vector<1x16xf32>,
        %add3A_616 = arith.constant 3840 : i32
        %add3A_617 = arith.addi %add3A_616, %mul3A_120 : i32
        %get3A_618 = arith.constant 1 : i32
        %get3A_619 = arith.index_cast %get3A_618 : i32 to index
        %get3A_620 = arith.index_cast %add3A_617 : i32 to index
        %get3A_621 = tpu.vector_load %arg8[%get3A_619, %get3A_620] {strides = array<i32>} : memref<4x4096xf32, #tpu.memory_space<vmem>>, vector<1x16xf32>,
        %get3A_622 = vector.shape_cast %get3A_621 : vector<1x16xf32> to vector<16xf32>
        %mul3A_623 = arith.constant -1.000000e+00 : f32
        %mul3A_624 = vector.broadcast %mul3A_623 : f32 to vector<16xf32>
        %mul3A_625 = arith.mulf %mul3A_624, %get3A_622 : vector<16xf32>
        %sub3A_626 = arith.subf %sub3A_598, %mul3A_625 : vector<16xf32>
        %add3A_627 = arith.constant 4096 : i32
        %add3A_628 = arith.addi %add3A_627, %mul3A_120 : i32
        %get3A_629 = arith.constant 1 : i32
        %get3A_630 = arith.index_cast %get3A_629 : i32 to index
        %get3A_631 = arith.index_cast %add3A_628 : i32 to index
        %get3A_632 = tpu.vector_load %arg7[%get3A_630, %get3A_631] {strides = array<i32>} : memref<4x4352xf32, #tpu.memory_space<vmem>>, vector<1x16xf32>,
        %get3A_633 = vector.shape_cast %get3A_632 : vector<1x16xf32> to vector<16xf32>
        %mul3A_634 = arith.mulf %get3A_2, %sub3A_626 : vector<16xf32>
        %add3A_635 = arith.addf %get3A_633, %mul3A_634 : vector<16xf32>
        %add3A_636 = arith.constant 4096 : i32
        %add3A_637 = arith.addi %add3A_636, %mul3A_120 : i32
        %swap3A_638 = arith.constant 1 : i32
        %swap3A_639 = arith.index_cast %swap3A_638 : i32 to index
        %swap3A_640 = arith.index_cast %add3A_637 : i32 to index
        %swap3A_641 = tpu.vector_load %arg10[%swap3A_639, %swap3A_640] {strides = array<i32>} : memref<4x4352xf32, #tpu.memory_space<vmem>>, vector<1x16xf32>,
        %swap3A_642 = vector.shape_cast %swap3A_641 : vector<1x16xf32> to vector<16xf32>
        %swap3A_643 = vector.shape_cast %add3A_635 : vector<16xf32> to vector<1x16xf32>
        tpu.vector_store %arg10[%swap3A_639, %swap3A_640], %swap3A_643 {strides = array<i32>} : memref<4x4352xf32, #tpu.memory_space<vmem>>, vector<1x16xf32>,
      }
      %scan3A_65 = arith.constant 16 : i32
      %get3A_66 = arith.constant 2 : i32
      %get3A_67 = arith.index_cast %get3A_66 : i32 to index
      %get3A_68 = arith.constant 0 : index
      %get3A_69 = tpu.vector_load %arg9[%get3A_67, %get3A_68] {strides = array<i32>} : memref<4x64xf32, #tpu.memory_space<vmem>>, vector<1x16xf32>,
      %get3A_70 = vector.shape_cast %get3A_69 : vector<1x16xf32> to vector<16xf32>
      %get3A_71 = arith.constant 2 : i32
      %get3A_72 = arith.index_cast %get3A_71 : i32 to index
      %get3A_73 = arith.constant 16 : index
      %get3A_74 = tpu.vector_load %arg9[%get3A_72, %get3A_73] {strides = array<i32>} : memref<4x64xf32, #tpu.memory_space<vmem>>, vector<1x16xf32>,
      %get3A_75 = vector.shape_cast %get3A_74 : vector<1x16xf32> to vector<16xf32>
      %get3A_76 = arith.constant 2 : i32
      %get3A_77 = arith.index_cast %get3A_76 : i32 to index
      %get3A_78 = arith.constant 32 : index
      %get3A_79 = tpu.vector_load %arg9[%get3A_77, %get3A_78] {strides = array<i32>} : memref<4x64xf32, #tpu.memory_space<vmem>>, vector<1x16xf32>,
      %get3A_80 = vector.shape_cast %get3A_79 : vector<1x16xf32> to vector<16xf32>
      %get3A_81 = arith.constant 2 : i32
      %get3A_82 = arith.index_cast %get3A_81 : i32 to index
      %get3A_83 = arith.constant 48 : index
      %get3A_84 = tpu.vector_load %arg9[%get3A_82, %get3A_83] {strides = array<i32>} : memref<4x64xf32, #tpu.memory_space<vmem>>, vector<1x16xf32>,
      %get3A_85 = vector.shape_cast %get3A_84 : vector<1x16xf32> to vector<16xf32>
      %scan3A_86 = arith.constant 0 : i32
      %scan3A_87 = arith.constant 0 : i32
      %scan3A_88 = arith.constant 16 : i32
      %scan3A_89 = arith.addi %scan3A_87, %scan3A_88 : i32
      %scan3A_90 = arith.constant 1 : i32
      scf.for %scan3A_118 = %scan3A_87 to %scan3A_89 step %scan3A_90  : i32 {
        %mul3A_119 = arith.constant 16 : i32
        %mul3A_120 = arith.muli %scan3A_118, %mul3A_119 : i32
        %add3A_121 = arith.constant 0 : i32
        %add3A_122 = arith.addi %add3A_121, %mul3A_120 : i32
        %get3A_123 = arith.constant 2 : i32
        %get3A_124 = arith.index_cast %get3A_123 : i32 to index
        %get3A_125 = arith.index_cast %add3A_122 : i32 to index
        %get3A_126 = tpu.vector_load %arg7[%get3A_124, %get3A_125] {strides = array<i32>} : memref<4x4352xf32, #tpu.memory_space<vmem>>, vector<1x16xf32>,
        %get3A_127 = vector.shape_cast %get3A_126 : vector<1x16xf32> to vector<16xf32>
        %add3A_128 = arith.constant 256 : i32
        %add3A_129 = arith.addi %add3A_128, %mul3A_120 : i32
        %get3A_130 = arith.constant 2 : i32
        %get3A_131 = arith.index_cast %get3A_130 : i32 to index
        %get3A_132 = arith.index_cast %add3A_129 : i32 to index
        %get3A_133 = tpu.vector_load %arg7[%get3A_131, %get3A_132] {strides = array<i32>} : memref<4x4352xf32, #tpu.memory_space<vmem>>, vector<1x16xf32>,
        %get3A_134 = vector.shape_cast %get3A_133 : vector<1x16xf32> to vector<16xf32>
        %add3A_135 = arith.constant 0 : i32
        %add3A_136 = arith.addi %add3A_135, %mul3A_120 : i32
        %get3A_137 = arith.constant 2 : i32
        %get3A_138 = arith.index_cast %get3A_137 : i32 to index
        %get3A_139 = arith.index_cast %add3A_136 : i32 to index
        %get3A_140 = tpu.vector_load %arg8[%get3A_138, %get3A_139] {strides = array<i32>} : memref<4x4096xf32, #tpu.memory_space<vmem>>, vector<1x16xf32>,
        %get3A_141 = vector.shape_cast %get3A_140 : vector<1x16xf32> to vector<16xf32>
        %add3A_142 = arith.addf %get3A_134, %get3A_141 : vector<16xf32>
        %add3A_143 = arith.constant 1024 : i32
        %add3A_144 = arith.addi %add3A_143, %mul3A_120 : i32
        %get3A_145 = arith.constant 2 : i32
        %get3A_146 = arith.index_cast %get3A_145 : i32 to index
        %get3A_147 = arith.index_cast %add3A_144 : i32 to index
        %get3A_148 = tpu.vector_load %arg7[%get3A_146, %get3A_147] {strides = array<i32>} : memref<4x4352xf32, #tpu.memory_space<vmem>>, vector<1x16xf32>,
        %get3A_149 = vector.shape_cast %get3A_148 : vector<1x16xf32> to vector<16xf32>
        %add3A_150 = arith.constant 768 : i32
        %add3A_151 = arith.addi %add3A_150, %mul3A_120 : i32
        %get3A_152 = arith.constant 2 : i32
        %get3A_153 = arith.index_cast %get3A_152 : i32 to index
        %get3A_154 = arith.index_cast %add3A_151 : i32 to index
        %get3A_155 = tpu.vector_load %arg8[%get3A_153, %get3A_154] {strides = array<i32>} : memref<4x4096xf32, #tpu.memory_space<vmem>>, vector<1x16xf32>,
        %get3A_156 = vector.shape_cast %get3A_155 : vector<1x16xf32> to vector<16xf32>
        %sub3A = arith.subf %get3A_149, %get3A_156 : vector<16xf32>
        %add3A_157 = arith.constant 1792 : i32
        %add3A_158 = arith.addi %add3A_157, %mul3A_120 : i32
        %get3A_159 = arith.constant 2 : i32
        %get3A_160 = arith.index_cast %get3A_159 : i32 to index
        %get3A_161 = arith.index_cast %add3A_158 : i32 to index
        %get3A_162 = tpu.vector_load %arg7[%get3A_160, %get3A_161] {strides = array<i32>} : memref<4x4352xf32, #tpu.memory_space<vmem>>, vector<1x16xf32>,
        %get3A_163 = vector.shape_cast %get3A_162 : vector<1x16xf32> to vector<16xf32>
        %add3A_164 = arith.constant 1536 : i32
        %add3A_165 = arith.addi %add3A_164, %mul3A_120 : i32
        %get3A_166 = arith.constant 2 : i32
        %get3A_167 = arith.index_cast %get3A_166 : i32 to index
        %get3A_168 = arith.index_cast %add3A_165 : i32 to index
        %get3A_169 = tpu.vector_load %arg8[%get3A_167, %get3A_168] {strides = array<i32>} : memref<4x4096xf32, #tpu.memory_space<vmem>>, vector<1x16xf32>,
        %get3A_170 = vector.shape_cast %get3A_169 : vector<1x16xf32> to vector<16xf32>
        %add3A_171 = arith.addf %get3A_163, %get3A_170 : vector<16xf32>
        %mul3A_172 = arith.mulf %get3A_70, %get3A_127 : vector<16xf32>
        %mul3A_173 = arith.mulf %get3A_75, %add3A_142 : vector<16xf32>
        %add3A_174 = arith.addf %mul3A_172, %mul3A_173 : vector<16xf32>
        %mul3A_175 = arith.mulf %get3A_80, %sub3A : vector<16xf32>
        %add3A_176 = arith.addf %add3A_174, %mul3A_175 : vector<16xf32>
        %mul3A_177 = arith.mulf %get3A_85, %add3A_171 : vector<16xf32>
        %add3A_178 = arith.addf %add3A_176, %mul3A_177 : vector<16xf32>
        %mul3A_179 = arith.constant 5.000000e-01 : f32
        %mul3A_180 = vector.broadcast %mul3A_179 : f32 to vector<16xf32>
        %mul3A_181 = arith.mulf %mul3A_180, %add3A_178 : vector<16xf32>
        %add3A_182 = arith.constant 0 : i32
        %add3A_183 = arith.addi %add3A_182, %mul3A_120 : i32
        %get3A_184 = arith.constant 2 : i32
        %get3A_185 = arith.index_cast %get3A_184 : i32 to index
        %get3A_186 = arith.index_cast %add3A_183 : i32 to index
        %get3A_187 = tpu.vector_load %arg7[%get3A_185, %get3A_186] {strides = array<i32>} : memref<4x4352xf32, #tpu.memory_space<vmem>>, vector<1x16xf32>,
        %get3A_188 = vector.shape_cast %get3A_187 : vector<1x16xf32> to vector<16xf32>
        %mul3A_189 = arith.mulf %get3A_2, %mul3A_181 : vector<16xf32>
        %add3A_190 = arith.addf %get3A_188, %mul3A_189 : vector<16xf32>
        %swap3A = arith.constant 2 : i32
        %swap3A_191 = arith.index_cast %swap3A : i32 to index
        %swap3A_192 = arith.index_cast %mul3A_120 : i32 to index
        %swap3A_193 = tpu.vector_load %arg10[%swap3A_191, %swap3A_192] {strides = array<i32>} : memref<4x4352xf32, #tpu.memory_space<vmem>>, vector<1x16xf32>,
        %swap3A_194 = vector.shape_cast %swap3A_193 : vector<1x16xf32> to vector<16xf32>
        %swap3A_195 = vector.shape_cast %add3A_190 : vector<16xf32> to vector<1x16xf32>
        tpu.vector_store %arg10[%swap3A_191, %swap3A_192], %swap3A_195 {strides = array<i32>} : memref<4x4352xf32, #tpu.memory_space<vmem>>, vector<1x16xf32>,
        %add3A_196 = arith.constant 0 : i32
        %add3A_197 = arith.addi %add3A_196, %mul3A_120 : i32
        %get3A_198 = arith.constant 2 : i32
        %get3A_199 = arith.index_cast %get3A_198 : i32 to index
        %get3A_200 = arith.index_cast %add3A_197 : i32 to index
        %get3A_201 = tpu.vector_load %arg8[%get3A_199, %get3A_200] {strides = array<i32>} : memref<4x4096xf32, #tpu.memory_space<vmem>>, vector<1x16xf32>,
        %get3A_202 = vector.shape_cast %get3A_201 : vector<1x16xf32> to vector<16xf32>
        %mul3A_203 = arith.constant 1.000000e+00 : f32
        %mul3A_204 = vector.broadcast %mul3A_203 : f32 to vector<16xf32>
        %mul3A_205 = arith.mulf %mul3A_204, %get3A_202 : vector<16xf32>
        %sub3A_206 = arith.subf %mul3A_181, %mul3A_205 : vector<16xf32>
        %add3A_207 = arith.constant 256 : i32
        %add3A_208 = arith.addi %add3A_207, %mul3A_120 : i32
        %get3A_209 = arith.constant 2 : i32
        %get3A_210 = arith.index_cast %get3A_209 : i32 to index
        %get3A_211 = arith.index_cast %add3A_208 : i32 to index
        %get3A_212 = tpu.vector_load %arg7[%get3A_210, %get3A_211] {strides = array<i32>} : memref<4x4352xf32, #tpu.memory_space<vmem>>, vector<1x16xf32>,
        %get3A_213 = vector.shape_cast %get3A_212 : vector<1x16xf32> to vector<16xf32>
        %mul3A_214 = arith.mulf %get3A_2, %sub3A_206 : vector<16xf32>
        %add3A_215 = arith.addf %get3A_213, %mul3A_214 : vector<16xf32>
        %add3A_216 = arith.constant 256 : i32
        %add3A_217 = arith.addi %add3A_216, %mul3A_120 : i32
        %swap3A_218 = arith.constant 2 : i32
        %swap3A_219 = arith.index_cast %swap3A_218 : i32 to index
        %swap3A_220 = arith.index_cast %add3A_217 : i32 to index
        %swap3A_221 = tpu.vector_load %arg10[%swap3A_219, %swap3A_220] {strides = array<i32>} : memref<4x4352xf32, #tpu.memory_space<vmem>>, vector<1x16xf32>,
        %swap3A_222 = vector.shape_cast %swap3A_221 : vector<1x16xf32> to vector<16xf32>
        %swap3A_223 = vector.shape_cast %add3A_215 : vector<16xf32> to vector<1x16xf32>
        tpu.vector_store %arg10[%swap3A_219, %swap3A_220], %swap3A_223 {strides = array<i32>} : memref<4x4352xf32, #tpu.memory_space<vmem>>, vector<1x16xf32>,
        %add3A_224 = arith.constant 256 : i32
        %add3A_225 = arith.addi %add3A_224, %mul3A_120 : i32
        %get3A_226 = arith.constant 2 : i32
        %get3A_227 = arith.index_cast %get3A_226 : i32 to index
        %get3A_228 = arith.index_cast %add3A_225 : i32 to index
        %get3A_229 = tpu.vector_load %arg8[%get3A_227, %get3A_228] {strides = array<i32>} : memref<4x4096xf32, #tpu.memory_space<vmem>>, vector<1x16xf32>,
        %get3A_230 = vector.shape_cast %get3A_229 : vector<1x16xf32> to vector<16xf32>
        %mul3A_231 = arith.constant -1.000000e+00 : f32
        %mul3A_232 = vector.broadcast %mul3A_231 : f32 to vector<16xf32>
        %mul3A_233 = arith.mulf %mul3A_232, %get3A_230 : vector<16xf32>
        %sub3A_234 = arith.subf %sub3A_206, %mul3A_233 : vector<16xf32>
        %add3A_235 = arith.constant 512 : i32
        %add3A_236 = arith.addi %add3A_235, %mul3A_120 : i32
        %get3A_237 = arith.constant 2 : i32
        %get3A_238 = arith.index_cast %get3A_237 : i32 to index
        %get3A_239 = arith.index_cast %add3A_236 : i32 to index
        %get3A_240 = tpu.vector_load %arg7[%get3A_238, %get3A_239] {strides = array<i32>} : memref<4x4352xf32, #tpu.memory_space<vmem>>, vector<1x16xf32>,
        %get3A_241 = vector.shape_cast %get3A_240 : vector<1x16xf32> to vector<16xf32>
        %mul3A_242 = arith.mulf %get3A_2, %sub3A_234 : vector<16xf32>
        %add3A_243 = arith.addf %get3A_241, %mul3A_242 : vector<16xf32>
        %add3A_244 = arith.constant 512 : i32
        %add3A_245 = arith.addi %add3A_244, %mul3A_120 : i32
        %swap3A_246 = arith.constant 2 : i32
        %swap3A_247 = arith.index_cast %swap3A_246 : i32 to index
        %swap3A_248 = arith.index_cast %add3A_245 : i32 to index
        %swap3A_249 = tpu.vector_load %arg10[%swap3A_247, %swap3A_248] {strides = array<i32>} : memref<4x4352xf32, #tpu.memory_space<vmem>>, vector<1x16xf32>,
        %swap3A_250 = vector.shape_cast %swap3A_249 : vector<1x16xf32> to vector<16xf32>
        %swap3A_251 = vector.shape_cast %add3A_243 : vector<16xf32> to vector<1x16xf32>
        tpu.vector_store %arg10[%swap3A_247, %swap3A_248], %swap3A_251 {strides = array<i32>} : memref<4x4352xf32, #tpu.memory_space<vmem>>, vector<1x16xf32>,
        %add3A_252 = arith.constant 512 : i32
        %add3A_253 = arith.addi %add3A_252, %mul3A_120 : i32
        %get3A_254 = arith.constant 2 : i32
        %get3A_255 = arith.index_cast %get3A_254 : i32 to index
        %get3A_256 = arith.index_cast %add3A_253 : i32 to index
        %get3A_257 = tpu.vector_load %arg8[%get3A_255, %get3A_256] {strides = array<i32>} : memref<4x4096xf32, #tpu.memory_space<vmem>>, vector<1x16xf32>,
        %get3A_258 = vector.shape_cast %get3A_257 : vector<1x16xf32> to vector<16xf32>
        %mul3A_259 = arith.constant 1.000000e+00 : f32
        %mul3A_260 = vector.broadcast %mul3A_259 : f32 to vector<16xf32>
        %mul3A_261 = arith.mulf %mul3A_260, %get3A_258 : vector<16xf32>
        %sub3A_262 = arith.subf %sub3A_234, %mul3A_261 : vector<16xf32>
        %add3A_263 = arith.constant 768 : i32
        %add3A_264 = arith.addi %add3A_263, %mul3A_120 : i32
        %get3A_265 = arith.constant 2 : i32
        %get3A_266 = arith.index_cast %get3A_265 : i32 to index
        %get3A_267 = arith.index_cast %add3A_264 : i32 to index
        %get3A_268 = tpu.vector_load %arg7[%get3A_266, %get3A_267] {strides = array<i32>} : memref<4x4352xf32, #tpu.memory_space<vmem>>, vector<1x16xf32>,
        %get3A_269 = vector.shape_cast %get3A_268 : vector<1x16xf32> to vector<16xf32>
        %mul3A_270 = arith.mulf %get3A_2, %sub3A_262 : vector<16xf32>
        %add3A_271 = arith.addf %get3A_269, %mul3A_270 : vector<16xf32>
        %add3A_272 = arith.constant 768 : i32
        %add3A_273 = arith.addi %add3A_272, %mul3A_120 : i32
        %swap3A_274 = arith.constant 2 : i32
        %swap3A_275 = arith.index_cast %swap3A_274 : i32 to index
        %swap3A_276 = arith.index_cast %add3A_273 : i32 to index
        %swap3A_277 = tpu.vector_load %arg10[%swap3A_275, %swap3A_276] {strides = array<i32>} : memref<4x4352xf32, #tpu.memory_space<vmem>>, vector<1x16xf32>,
        %swap3A_278 = vector.shape_cast %swap3A_277 : vector<1x16xf32> to vector<16xf32>
        %swap3A_279 = vector.shape_cast %add3A_271 : vector<16xf32> to vector<1x16xf32>
        tpu.vector_store %arg10[%swap3A_275, %swap3A_276], %swap3A_279 {strides = array<i32>} : memref<4x4352xf32, #tpu.memory_space<vmem>>, vector<1x16xf32>,
        %add3A_280 = arith.constant 768 : i32
        %add3A_281 = arith.addi %add3A_280, %mul3A_120 : i32
        %get3A_282 = arith.constant 2 : i32
        %get3A_283 = arith.index_cast %get3A_282 : i32 to index
        %get3A_284 = arith.index_cast %add3A_281 : i32 to index
        %get3A_285 = tpu.vector_load %arg8[%get3A_283, %get3A_284] {strides = array<i32>} : memref<4x4096xf32, #tpu.memory_space<vmem>>, vector<1x16xf32>,
        %get3A_286 = vector.shape_cast %get3A_285 : vector<1x16xf32> to vector<16xf32>
        %mul3A_287 = arith.constant -1.000000e+00 : f32
        %mul3A_288 = vector.broadcast %mul3A_287 : f32 to vector<16xf32>
        %mul3A_289 = arith.mulf %mul3A_288, %get3A_286 : vector<16xf32>
        %sub3A_290 = arith.subf %mul3A_181, %mul3A_289 : vector<16xf32>
        %add3A_291 = arith.constant 1024 : i32
        %add3A_292 = arith.addi %add3A_291, %mul3A_120 : i32
        %get3A_293 = arith.constant 2 : i32
        %get3A_294 = arith.index_cast %get3A_293 : i32 to index
        %get3A_295 = arith.index_cast %add3A_292 : i32 to index
        %get3A_296 = tpu.vector_load %arg7[%get3A_294, %get3A_295] {strides = array<i32>} : memref<4x4352xf32, #tpu.memory_space<vmem>>, vector<1x16xf32>,
        %get3A_297 = vector.shape_cast %get3A_296 : vector<1x16xf32> to vector<16xf32>
        %mul3A_298 = arith.mulf %get3A_2, %sub3A_290 : vector<16xf32>
        %add3A_299 = arith.addf %get3A_297, %mul3A_298 : vector<16xf32>
        %add3A_300 = arith.constant 1024 : i32
        %add3A_301 = arith.addi %add3A_300, %mul3A_120 : i32
        %swap3A_302 = arith.constant 2 : i32
        %swap3A_303 = arith.index_cast %swap3A_302 : i32 to index
        %swap3A_304 = arith.index_cast %add3A_301 : i32 to index
        %swap3A_305 = tpu.vector_load %arg10[%swap3A_303, %swap3A_304] {strides = array<i32>} : memref<4x4352xf32, #tpu.memory_space<vmem>>, vector<1x16xf32>,
        %swap3A_306 = vector.shape_cast %swap3A_305 : vector<1x16xf32> to vector<16xf32>
        %swap3A_307 = vector.shape_cast %add3A_299 : vector<16xf32> to vector<1x16xf32>
        tpu.vector_store %arg10[%swap3A_303, %swap3A_304], %swap3A_307 {strides = array<i32>} : memref<4x4352xf32, #tpu.memory_space<vmem>>, vector<1x16xf32>,
        %add3A_308 = arith.constant 1024 : i32
        %add3A_309 = arith.addi %add3A_308, %mul3A_120 : i32
        %get3A_310 = arith.constant 2 : i32
        %get3A_311 = arith.index_cast %get3A_310 : i32 to index
        %get3A_312 = arith.index_cast %add3A_309 : i32 to index
        %get3A_313 = tpu.vector_load %arg8[%get3A_311, %get3A_312] {strides = array<i32>} : memref<4x4096xf32, #tpu.memory_space<vmem>>, vector<1x16xf32>,
        %get3A_314 = vector.shape_cast %get3A_313 : vector<1x16xf32> to vector<16xf32>
        %mul3A_315 = arith.constant 1.000000e+00 : f32
        %mul3A_316 = vector.broadcast %mul3A_315 : f32 to vector<16xf32>
        %mul3A_317 = arith.mulf %mul3A_316, %get3A_314 : vector<16xf32>
        %sub3A_318 = arith.subf %sub3A_290, %mul3A_317 : vector<16xf32>
        %add3A_319 = arith.constant 1280 : i32
        %add3A_320 = arith.addi %add3A_319, %mul3A_120 : i32
        %get3A_321 = arith.constant 2 : i32
        %get3A_322 = arith.index_cast %get3A_321 : i32 to index
        %get3A_323 = arith.index_cast %add3A_320 : i32 to index
        %get3A_324 = tpu.vector_load %arg7[%get3A_322, %get3A_323] {strides = array<i32>} : memref<4x4352xf32, #tpu.memory_space<vmem>>, vector<1x16xf32>,
        %get3A_325 = vector.shape_cast %get3A_324 : vector<1x16xf32> to vector<16xf32>
        %mul3A_326 = arith.mulf %get3A_2, %sub3A_318 : vector<16xf32>
        %add3A_327 = arith.addf %get3A_325, %mul3A_326 : vector<16xf32>
        %add3A_328 = arith.constant 1280 : i32
        %add3A_329 = arith.addi %add3A_328, %mul3A_120 : i32
        %swap3A_330 = arith.constant 2 : i32
        %swap3A_331 = arith.index_cast %swap3A_330 : i32 to index
        %swap3A_332 = arith.index_cast %add3A_329 : i32 to index
        %swap3A_333 = tpu.vector_load %arg10[%swap3A_331, %swap3A_332] {strides = array<i32>} : memref<4x4352xf32, #tpu.memory_space<vmem>>, vector<1x16xf32>,
        %swap3A_334 = vector.shape_cast %swap3A_333 : vector<1x16xf32> to vector<16xf32>
        %swap3A_335 = vector.shape_cast %add3A_327 : vector<16xf32> to vector<1x16xf32>
        tpu.vector_store %arg10[%swap3A_331, %swap3A_332], %swap3A_335 {strides = array<i32>} : memref<4x4352xf32, #tpu.memory_space<vmem>>, vector<1x16xf32>,
        %add3A_336 = arith.constant 1280 : i32
        %add3A_337 = arith.addi %add3A_336, %mul3A_120 : i32
        %get3A_338 = arith.constant 2 : i32
        %get3A_339 = arith.index_cast %get3A_338 : i32 to index
        %get3A_340 = arith.index_cast %add3A_337 : i32 to index
        %get3A_341 = tpu.vector_load %arg8[%get3A_339, %get3A_340] {strides = array<i32>} : memref<4x4096xf32, #tpu.memory_space<vmem>>, vector<1x16xf32>,
        %get3A_342 = vector.shape_cast %get3A_341 : vector<1x16xf32> to vector<16xf32>
        %mul3A_343 = arith.constant -1.000000e+00 : f32
        %mul3A_344 = vector.broadcast %mul3A_343 : f32 to vector<16xf32>
        %mul3A_345 = arith.mulf %mul3A_344, %get3A_342 : vector<16xf32>
        %sub3A_346 = arith.subf %sub3A_318, %mul3A_345 : vector<16xf32>
        %add3A_347 = arith.constant 1536 : i32
        %add3A_348 = arith.addi %add3A_347, %mul3A_120 : i32
        %get3A_349 = arith.constant 2 : i32
        %get3A_350 = arith.index_cast %get3A_349 : i32 to index
        %get3A_351 = arith.index_cast %add3A_348 : i32 to index
        %get3A_352 = tpu.vector_load %arg7[%get3A_350, %get3A_351] {strides = array<i32>} : memref<4x4352xf32, #tpu.memory_space<vmem>>, vector<1x16xf32>,
        %get3A_353 = vector.shape_cast %get3A_352 : vector<1x16xf32> to vector<16xf32>
        %mul3A_354 = arith.mulf %get3A_2, %sub3A_346 : vector<16xf32>
        %add3A_355 = arith.addf %get3A_353, %mul3A_354 : vector<16xf32>
        %add3A_356 = arith.constant 1536 : i32
        %add3A_357 = arith.addi %add3A_356, %mul3A_120 : i32
        %swap3A_358 = arith.constant 2 : i32
        %swap3A_359 = arith.index_cast %swap3A_358 : i32 to index
        %swap3A_360 = arith.index_cast %add3A_357 : i32 to index
        %swap3A_361 = tpu.vector_load %arg10[%swap3A_359, %swap3A_360] {strides = array<i32>} : memref<4x4352xf32, #tpu.memory_space<vmem>>, vector<1x16xf32>,
        %swap3A_362 = vector.shape_cast %swap3A_361 : vector<1x16xf32> to vector<16xf32>
        %swap3A_363 = vector.shape_cast %add3A_355 : vector<16xf32> to vector<1x16xf32>
        tpu.vector_store %arg10[%swap3A_359, %swap3A_360], %swap3A_363 {strides = array<i32>} : memref<4x4352xf32, #tpu.memory_space<vmem>>, vector<1x16xf32>,
        %add3A_364 = arith.constant 1536 : i32
        %add3A_365 = arith.addi %add3A_364, %mul3A_120 : i32
        %get3A_366 = arith.constant 2 : i32
        %get3A_367 = arith.index_cast %get3A_366 : i32 to index
        %get3A_368 = arith.index_cast %add3A_365 : i32 to index
        %get3A_369 = tpu.vector_load %arg8[%get3A_367, %get3A_368] {strides = array<i32>} : memref<4x4096xf32, #tpu.memory_space<vmem>>, vector<1x16xf32>,
        %get3A_370 = vector.shape_cast %get3A_369 : vector<1x16xf32> to vector<16xf32>
        %mul3A_371 = arith.constant 1.000000e+00 : f32
        %mul3A_372 = vector.broadcast %mul3A_371 : f32 to vector<16xf32>
        %mul3A_373 = arith.mulf %mul3A_372, %get3A_370 : vector<16xf32>
        %sub3A_374 = arith.subf %mul3A_181, %mul3A_373 : vector<16xf32>
        %add3A_375 = arith.constant 1792 : i32
        %add3A_376 = arith.addi %add3A_375, %mul3A_120 : i32
        %get3A_377 = arith.constant 2 : i32
        %get3A_378 = arith.index_cast %get3A_377 : i32 to index
        %get3A_379 = arith.index_cast %add3A_376 : i32 to index
        %get3A_380 = tpu.vector_load %arg7[%get3A_378, %get3A_379] {strides = array<i32>} : memref<4x4352xf32, #tpu.memory_space<vmem>>, vector<1x16xf32>,
        %get3A_381 = vector.shape_cast %get3A_380 : vector<1x16xf32> to vector<16xf32>
        %mul3A_382 = arith.mulf %get3A_2, %sub3A_374 : vector<16xf32>
        %add3A_383 = arith.addf %get3A_381, %mul3A_382 : vector<16xf32>
        %add3A_384 = arith.constant 1792 : i32
        %add3A_385 = arith.addi %add3A_384, %mul3A_120 : i32
        %swap3A_386 = arith.constant 2 : i32
        %swap3A_387 = arith.index_cast %swap3A_386 : i32 to index
        %swap3A_388 = arith.index_cast %add3A_385 : i32 to index
        %swap3A_389 = tpu.vector_load %arg10[%swap3A_387, %swap3A_388] {strides = array<i32>} : memref<4x4352xf32, #tpu.memory_space<vmem>>, vector<1x16xf32>,
        %swap3A_390 = vector.shape_cast %swap3A_389 : vector<1x16xf32> to vector<16xf32>
        %swap3A_391 = vector.shape_cast %add3A_383 : vector<16xf32> to vector<1x16xf32>
        tpu.vector_store %arg10[%swap3A_387, %swap3A_388], %swap3A_391 {strides = array<i32>} : memref<4x4352xf32, #tpu.memory_space<vmem>>, vector<1x16xf32>,
        %add3A_392 = arith.constant 1792 : i32
        %add3A_393 = arith.addi %add3A_392, %mul3A_120 : i32
        %get3A_394 = arith.constant 2 : i32
        %get3A_395 = arith.index_cast %get3A_394 : i32 to index
        %get3A_396 = arith.index_cast %add3A_393 : i32 to index
        %get3A_397 = tpu.vector_load %arg8[%get3A_395, %get3A_396] {strides = array<i32>} : memref<4x4096xf32, #tpu.memory_space<vmem>>, vector<1x16xf32>,
        %get3A_398 = vector.shape_cast %get3A_397 : vector<1x16xf32> to vector<16xf32>
        %mul3A_399 = arith.constant -1.000000e+00 : f32
        %mul3A_400 = vector.broadcast %mul3A_399 : f32 to vector<16xf32>
        %mul3A_401 = arith.mulf %mul3A_400, %get3A_398 : vector<16xf32>
        %sub3A_402 = arith.subf %sub3A_374, %mul3A_401 : vector<16xf32>
        %add3A_403 = arith.constant 2048 : i32
        %add3A_404 = arith.addi %add3A_403, %mul3A_120 : i32
        %get3A_405 = arith.constant 2 : i32
        %get3A_406 = arith.index_cast %get3A_405 : i32 to index
        %get3A_407 = arith.index_cast %add3A_404 : i32 to index
        %get3A_408 = tpu.vector_load %arg7[%get3A_406, %get3A_407] {strides = array<i32>} : memref<4x4352xf32, #tpu.memory_space<vmem>>, vector<1x16xf32>,
        %get3A_409 = vector.shape_cast %get3A_408 : vector<1x16xf32> to vector<16xf32>
        %mul3A_410 = arith.mulf %get3A_2, %sub3A_402 : vector<16xf32>
        %add3A_411 = arith.addf %get3A_409, %mul3A_410 : vector<16xf32>
        %add3A_412 = arith.constant 2048 : i32
        %add3A_413 = arith.addi %add3A_412, %mul3A_120 : i32
        %swap3A_414 = arith.constant 2 : i32
        %swap3A_415 = arith.index_cast %swap3A_414 : i32 to index
        %swap3A_416 = arith.index_cast %add3A_413 : i32 to index
        %swap3A_417 = tpu.vector_load %arg10[%swap3A_415, %swap3A_416] {strides = array<i32>} : memref<4x4352xf32, #tpu.memory_space<vmem>>, vector<1x16xf32>,
        %swap3A_418 = vector.shape_cast %swap3A_417 : vector<1x16xf32> to vector<16xf32>
        %swap3A_419 = vector.shape_cast %add3A_411 : vector<16xf32> to vector<1x16xf32>
        tpu.vector_store %arg10[%swap3A_415, %swap3A_416], %swap3A_419 {strides = array<i32>} : memref<4x4352xf32, #tpu.memory_space<vmem>>, vector<1x16xf32>,
        %add3A_420 = arith.constant 2048 : i32
        %add3A_421 = arith.addi %add3A_420, %mul3A_120 : i32
        %get3A_422 = arith.constant 2 : i32
        %get3A_423 = arith.index_cast %get3A_422 : i32 to index
        %get3A_424 = arith.index_cast %add3A_421 : i32 to index
        %get3A_425 = tpu.vector_load %arg8[%get3A_423, %get3A_424] {strides = array<i32>} : memref<4x4096xf32, #tpu.memory_space<vmem>>, vector<1x16xf32>,
        %get3A_426 = vector.shape_cast %get3A_425 : vector<1x16xf32> to vector<16xf32>
        %mul3A_427 = arith.constant 1.000000e+00 : f32
        %mul3A_428 = vector.broadcast %mul3A_427 : f32 to vector<16xf32>
        %mul3A_429 = arith.mulf %mul3A_428, %get3A_426 : vector<16xf32>
        %sub3A_430 = arith.subf %sub3A_402, %mul3A_429 : vector<16xf32>
        %add3A_431 = arith.constant 2304 : i32
        %add3A_432 = arith.addi %add3A_431, %mul3A_120 : i32
        %get3A_433 = arith.constant 2 : i32
        %get3A_434 = arith.index_cast %get3A_433 : i32 to index
        %get3A_435 = arith.index_cast %add3A_432 : i32 to index
        %get3A_436 = tpu.vector_load %arg7[%get3A_434, %get3A_435] {strides = array<i32>} : memref<4x4352xf32, #tpu.memory_space<vmem>>, vector<1x16xf32>,
        %get3A_437 = vector.shape_cast %get3A_436 : vector<1x16xf32> to vector<16xf32>
        %mul3A_438 = arith.mulf %get3A_2, %sub3A_430 : vector<16xf32>
        %add3A_439 = arith.addf %get3A_437, %mul3A_438 : vector<16xf32>
        %add3A_440 = arith.constant 2304 : i32
        %add3A_441 = arith.addi %add3A_440, %mul3A_120 : i32
        %swap3A_442 = arith.constant 2 : i32
        %swap3A_443 = arith.index_cast %swap3A_442 : i32 to index
        %swap3A_444 = arith.index_cast %add3A_441 : i32 to index
        %swap3A_445 = tpu.vector_load %arg10[%swap3A_443, %swap3A_444] {strides = array<i32>} : memref<4x4352xf32, #tpu.memory_space<vmem>>, vector<1x16xf32>,
        %swap3A_446 = vector.shape_cast %swap3A_445 : vector<1x16xf32> to vector<16xf32>
        %swap3A_447 = vector.shape_cast %add3A_439 : vector<16xf32> to vector<1x16xf32>
        tpu.vector_store %arg10[%swap3A_443, %swap3A_444], %swap3A_447 {strides = array<i32>} : memref<4x4352xf32, #tpu.memory_space<vmem>>, vector<1x16xf32>,
        %add3A_448 = arith.constant 2304 : i32
        %add3A_449 = arith.addi %add3A_448, %mul3A_120 : i32
        %get3A_450 = arith.constant 2 : i32
        %get3A_451 = arith.index_cast %get3A_450 : i32 to index
        %get3A_452 = arith.index_cast %add3A_449 : i32 to index
        %get3A_453 = tpu.vector_load %arg8[%get3A_451, %get3A_452] {strides = array<i32>} : memref<4x4096xf32, #tpu.memory_space<vmem>>, vector<1x16xf32>,
        %get3A_454 = vector.shape_cast %get3A_453 : vector<1x16xf32> to vector<16xf32>
        %mul3A_455 = arith.constant -1.000000e+00 : f32
        %mul3A_456 = vector.broadcast %mul3A_455 : f32 to vector<16xf32>
        %mul3A_457 = arith.mulf %mul3A_456, %get3A_454 : vector<16xf32>
        %sub3A_458 = arith.subf %sub3A_430, %mul3A_457 : vector<16xf32>
        %add3A_459 = arith.constant 2560 : i32
        %add3A_460 = arith.addi %add3A_459, %mul3A_120 : i32
        %get3A_461 = arith.constant 2 : i32
        %get3A_462 = arith.index_cast %get3A_461 : i32 to index
        %get3A_463 = arith.index_cast %add3A_460 : i32 to index
        %get3A_464 = tpu.vector_load %arg7[%get3A_462, %get3A_463] {strides = array<i32>} : memref<4x4352xf32, #tpu.memory_space<vmem>>, vector<1x16xf32>,
        %get3A_465 = vector.shape_cast %get3A_464 : vector<1x16xf32> to vector<16xf32>
        %mul3A_466 = arith.mulf %get3A_2, %sub3A_458 : vector<16xf32>
        %add3A_467 = arith.addf %get3A_465, %mul3A_466 : vector<16xf32>
        %add3A_468 = arith.constant 2560 : i32
        %add3A_469 = arith.addi %add3A_468, %mul3A_120 : i32
        %swap3A_470 = arith.constant 2 : i32
        %swap3A_471 = arith.index_cast %swap3A_470 : i32 to index
        %swap3A_472 = arith.index_cast %add3A_469 : i32 to index
        %swap3A_473 = tpu.vector_load %arg10[%swap3A_471, %swap3A_472] {strides = array<i32>} : memref<4x4352xf32, #tpu.memory_space<vmem>>, vector<1x16xf32>,
        %swap3A_474 = vector.shape_cast %swap3A_473 : vector<1x16xf32> to vector<16xf32>
        %swap3A_475 = vector.shape_cast %add3A_467 : vector<16xf32> to vector<1x16xf32>
        tpu.vector_store %arg10[%swap3A_471, %swap3A_472], %swap3A_475 {strides = array<i32>} : memref<4x4352xf32, #tpu.memory_space<vmem>>, vector<1x16xf32>,
        %add3A_476 = arith.constant 2560 : i32
        %add3A_477 = arith.addi %add3A_476, %mul3A_120 : i32
        %get3A_478 = arith.constant 2 : i32
        %get3A_479 = arith.index_cast %get3A_478 : i32 to index
        %get3A_480 = arith.index_cast %add3A_477 : i32 to index
        %get3A_481 = tpu.vector_load %arg8[%get3A_479, %get3A_480] {strides = array<i32>} : memref<4x4096xf32, #tpu.memory_space<vmem>>, vector<1x16xf32>,
        %get3A_482 = vector.shape_cast %get3A_481 : vector<1x16xf32> to vector<16xf32>
        %mul3A_483 = arith.constant 1.000000e+00 : f32
        %mul3A_484 = vector.broadcast %mul3A_483 : f32 to vector<16xf32>
        %mul3A_485 = arith.mulf %mul3A_484, %get3A_482 : vector<16xf32>
        %sub3A_486 = arith.subf %sub3A_402, %mul3A_485 : vector<16xf32>
        %add3A_487 = arith.constant 2816 : i32
        %add3A_488 = arith.addi %add3A_487, %mul3A_120 : i32
        %get3A_489 = arith.constant 2 : i32
        %get3A_490 = arith.index_cast %get3A_489 : i32 to index
        %get3A_491 = arith.index_cast %add3A_488 : i32 to index
        %get3A_492 = tpu.vector_load %arg7[%get3A_490, %get3A_491] {strides = array<i32>} : memref<4x4352xf32, #tpu.memory_space<vmem>>, vector<1x16xf32>,
        %get3A_493 = vector.shape_cast %get3A_492 : vector<1x16xf32> to vector<16xf32>
        %mul3A_494 = arith.mulf %get3A_2, %sub3A_486 : vector<16xf32>
        %add3A_495 = arith.addf %get3A_493, %mul3A_494 : vector<16xf32>
        %add3A_496 = arith.constant 2816 : i32
        %add3A_497 = arith.addi %add3A_496, %mul3A_120 : i32
        %swap3A_498 = arith.constant 2 : i32
        %swap3A_499 = arith.index_cast %swap3A_498 : i32 to index
        %swap3A_500 = arith.index_cast %add3A_497 : i32 to index
        %swap3A_501 = tpu.vector_load %arg10[%swap3A_499, %swap3A_500] {strides = array<i32>} : memref<4x4352xf32, #tpu.memory_space<vmem>>, vector<1x16xf32>,
        %swap3A_502 = vector.shape_cast %swap3A_501 : vector<1x16xf32> to vector<16xf32>
        %swap3A_503 = vector.shape_cast %add3A_495 : vector<16xf32> to vector<1x16xf32>
        tpu.vector_store %arg10[%swap3A_499, %swap3A_500], %swap3A_503 {strides = array<i32>} : memref<4x4352xf32, #tpu.memory_space<vmem>>, vector<1x16xf32>,
        %add3A_504 = arith.constant 2816 : i32
        %add3A_505 = arith.addi %add3A_504, %mul3A_120 : i32
        %get3A_506 = arith.constant 2 : i32
        %get3A_507 = arith.index_cast %get3A_506 : i32 to index
        %get3A_508 = arith.index_cast %add3A_505 : i32 to index
        %get3A_509 = tpu.vector_load %arg8[%get3A_507, %get3A_508] {strides = array<i32>} : memref<4x4096xf32, #tpu.memory_space<vmem>>, vector<1x16xf32>,
        %get3A_510 = vector.shape_cast %get3A_509 : vector<1x16xf32> to vector<16xf32>
        %mul3A_511 = arith.constant -1.000000e+00 : f32
        %mul3A_512 = vector.broadcast %mul3A_511 : f32 to vector<16xf32>
        %mul3A_513 = arith.mulf %mul3A_512, %get3A_510 : vector<16xf32>
        %sub3A_514 = arith.subf %sub3A_486, %mul3A_513 : vector<16xf32>
        %add3A_515 = arith.constant 3072 : i32
        %add3A_516 = arith.addi %add3A_515, %mul3A_120 : i32
        %get3A_517 = arith.constant 2 : i32
        %get3A_518 = arith.index_cast %get3A_517 : i32 to index
        %get3A_519 = arith.index_cast %add3A_516 : i32 to index
        %get3A_520 = tpu.vector_load %arg7[%get3A_518, %get3A_519] {strides = array<i32>} : memref<4x4352xf32, #tpu.memory_space<vmem>>, vector<1x16xf32>,
        %get3A_521 = vector.shape_cast %get3A_520 : vector<1x16xf32> to vector<16xf32>
        %mul3A_522 = arith.mulf %get3A_2, %sub3A_514 : vector<16xf32>
        %add3A_523 = arith.addf %get3A_521, %mul3A_522 : vector<16xf32>
        %add3A_524 = arith.constant 3072 : i32
        %add3A_525 = arith.addi %add3A_524, %mul3A_120 : i32
        %swap3A_526 = arith.constant 2 : i32
        %swap3A_527 = arith.index_cast %swap3A_526 : i32 to index
        %swap3A_528 = arith.index_cast %add3A_525 : i32 to index
        %swap3A_529 = tpu.vector_load %arg10[%swap3A_527, %swap3A_528] {strides = array<i32>} : memref<4x4352xf32, #tpu.memory_space<vmem>>, vector<1x16xf32>,
        %swap3A_530 = vector.shape_cast %swap3A_529 : vector<1x16xf32> to vector<16xf32>
        %swap3A_531 = vector.shape_cast %add3A_523 : vector<16xf32> to vector<1x16xf32>
        tpu.vector_store %arg10[%swap3A_527, %swap3A_528], %swap3A_531 {strides = array<i32>} : memref<4x4352xf32, #tpu.memory_space<vmem>>, vector<1x16xf32>,
        %add3A_532 = arith.constant 3072 : i32
        %add3A_533 = arith.addi %add3A_532, %mul3A_120 : i32
        %get3A_534 = arith.constant 2 : i32
        %get3A_535 = arith.index_cast %get3A_534 : i32 to index
        %get3A_536 = arith.index_cast %add3A_533 : i32 to index
        %get3A_537 = tpu.vector_load %arg8[%get3A_535, %get3A_536] {strides = array<i32>} : memref<4x4096xf32, #tpu.memory_space<vmem>>, vector<1x16xf32>,
        %get3A_538 = vector.shape_cast %get3A_537 : vector<1x16xf32> to vector<16xf32>
        %mul3A_539 = arith.constant 1.000000e+00 : f32
        %mul3A_540 = vector.broadcast %mul3A_539 : f32 to vector<16xf32>
        %mul3A_541 = arith.mulf %mul3A_540, %get3A_538 : vector<16xf32>
        %sub3A_542 = arith.subf %sub3A_514, %mul3A_541 : vector<16xf32>
        %add3A_543 = arith.constant 3328 : i32
        %add3A_544 = arith.addi %add3A_543, %mul3A_120 : i32
        %get3A_545 = arith.constant 2 : i32
        %get3A_546 = arith.index_cast %get3A_545 : i32 to index
        %get3A_547 = arith.index_cast %add3A_544 : i32 to index
        %get3A_548 = tpu.vector_load %arg7[%get3A_546, %get3A_547] {strides = array<i32>} : memref<4x4352xf32, #tpu.memory_space<vmem>>, vector<1x16xf32>,
        %get3A_549 = vector.shape_cast %get3A_548 : vector<1x16xf32> to vector<16xf32>
        %mul3A_550 = arith.mulf %get3A_2, %sub3A_542 : vector<16xf32>
        %add3A_551 = arith.addf %get3A_549, %mul3A_550 : vector<16xf32>
        %add3A_552 = arith.constant 3328 : i32
        %add3A_553 = arith.addi %add3A_552, %mul3A_120 : i32
        %swap3A_554 = arith.constant 2 : i32
        %swap3A_555 = arith.index_cast %swap3A_554 : i32 to index
        %swap3A_556 = arith.index_cast %add3A_553 : i32 to index
        %swap3A_557 = tpu.vector_load %arg10[%swap3A_555, %swap3A_556] {strides = array<i32>} : memref<4x4352xf32, #tpu.memory_space<vmem>>, vector<1x16xf32>,
        %swap3A_558 = vector.shape_cast %swap3A_557 : vector<1x16xf32> to vector<16xf32>
        %swap3A_559 = vector.shape_cast %add3A_551 : vector<16xf32> to vector<1x16xf32>
        tpu.vector_store %arg10[%swap3A_555, %swap3A_556], %swap3A_559 {strides = array<i32>} : memref<4x4352xf32, #tpu.memory_space<vmem>>, vector<1x16xf32>,
        %add3A_560 = arith.constant 3328 : i32
        %add3A_561 = arith.addi %add3A_560, %mul3A_120 : i32
        %get3A_562 = arith.constant 2 : i32
        %get3A_563 = arith.index_cast %get3A_562 : i32 to index
        %get3A_564 = arith.index_cast %add3A_561 : i32 to index
        %get3A_565 = tpu.vector_load %arg8[%get3A_563, %get3A_564] {strides = array<i32>} : memref<4x4096xf32, #tpu.memory_space<vmem>>, vector<1x16xf32>,
        %get3A_566 = vector.shape_cast %get3A_565 : vector<1x16xf32> to vector<16xf32>
        %mul3A_567 = arith.constant -1.000000e+00 : f32
        %mul3A_568 = vector.broadcast %mul3A_567 : f32 to vector<16xf32>
        %mul3A_569 = arith.mulf %mul3A_568, %get3A_566 : vector<16xf32>
        %sub3A_570 = arith.subf %sub3A_402, %mul3A_569 : vector<16xf32>
        %add3A_571 = arith.constant 3584 : i32
        %add3A_572 = arith.addi %add3A_571, %mul3A_120 : i32
        %get3A_573 = arith.constant 2 : i32
        %get3A_574 = arith.index_cast %get3A_573 : i32 to index
        %get3A_575 = arith.index_cast %add3A_572 : i32 to index
        %get3A_576 = tpu.vector_load %arg7[%get3A_574, %get3A_575] {strides = array<i32>} : memref<4x4352xf32, #tpu.memory_space<vmem>>, vector<1x16xf32>,
        %get3A_577 = vector.shape_cast %get3A_576 : vector<1x16xf32> to vector<16xf32>
        %mul3A_578 = arith.mulf %get3A_2, %sub3A_570 : vector<16xf32>
        %add3A_579 = arith.addf %get3A_577, %mul3A_578 : vector<16xf32>
        %add3A_580 = arith.constant 3584 : i32
        %add3A_581 = arith.addi %add3A_580, %mul3A_120 : i32
        %swap3A_582 = arith.constant 2 : i32
        %swap3A_583 = arith.index_cast %swap3A_582 : i32 to index
        %swap3A_584 = arith.index_cast %add3A_581 : i32 to index
        %swap3A_585 = tpu.vector_load %arg10[%swap3A_583, %swap3A_584] {strides = array<i32>} : memref<4x4352xf32, #tpu.memory_space<vmem>>, vector<1x16xf32>,
        %swap3A_586 = vector.shape_cast %swap3A_585 : vector<1x16xf32> to vector<16xf32>
        %swap3A_587 = vector.shape_cast %add3A_579 : vector<16xf32> to vector<1x16xf32>
        tpu.vector_store %arg10[%swap3A_583, %swap3A_584], %swap3A_587 {strides = array<i32>} : memref<4x4352xf32, #tpu.memory_space<vmem>>, vector<1x16xf32>,
        %add3A_588 = arith.constant 3584 : i32
        %add3A_589 = arith.addi %add3A_588, %mul3A_120 : i32
        %get3A_590 = arith.constant 2 : i32
        %get3A_591 = arith.index_cast %get3A_590 : i32 to index
        %get3A_592 = arith.index_cast %add3A_589 : i32 to index
        %get3A_593 = tpu.vector_load %arg8[%get3A_591, %get3A_592] {strides = array<i32>} : memref<4x4096xf32, #tpu.memory_space<vmem>>, vector<1x16xf32>,
        %get3A_594 = vector.shape_cast %get3A_593 : vector<1x16xf32> to vector<16xf32>
        %mul3A_595 = arith.constant 1.000000e+00 : f32
        %mul3A_596 = vector.broadcast %mul3A_595 : f32 to vector<16xf32>
        %mul3A_597 = arith.mulf %mul3A_596, %get3A_594 : vector<16xf32>
        %sub3A_598 = arith.subf %sub3A_570, %mul3A_597 : vector<16xf32>
        %add3A_599 = arith.constant 3840 : i32
        %add3A_600 = arith.addi %add3A_599, %mul3A_120 : i32
        %get3A_601 = arith.constant 2 : i32
        %get3A_602 = arith.index_cast %get3A_601 : i32 to index
        %get3A_603 = arith.index_cast %add3A_600 : i32 to index
        %get3A_604 = tpu.vector_load %arg7[%get3A_602, %get3A_603] {strides = array<i32>} : memref<4x4352xf32, #tpu.memory_space<vmem>>, vector<1x16xf32>,
        %get3A_605 = vector.shape_cast %get3A_604 : vector<1x16xf32> to vector<16xf32>
        %mul3A_606 = arith.mulf %get3A_2, %sub3A_598 : vector<16xf32>
        %add3A_607 = arith.addf %get3A_605, %mul3A_606 : vector<16xf32>
        %add3A_608 = arith.constant 3840 : i32
        %add3A_609 = arith.addi %add3A_608, %mul3A_120 : i32
        %swap3A_610 = arith.constant 2 : i32
        %swap3A_611 = arith.index_cast %swap3A_610 : i32 to index
        %swap3A_612 = arith.index_cast %add3A_609 : i32 to index
        %swap3A_613 = tpu.vector_load %arg10[%swap3A_611, %swap3A_612] {strides = array<i32>} : memref<4x4352xf32, #tpu.memory_space<vmem>>, vector<1x16xf32>,
        %swap3A_614 = vector.shape_cast %swap3A_613 : vector<1x16xf32> to vector<16xf32>
        %swap3A_615 = vector.shape_cast %add3A_607 : vector<16xf32> to vector<1x16xf32>
        tpu.vector_store %arg10[%swap3A_611, %swap3A_612], %swap3A_615 {strides = array<i32>} : memref<4x4352xf32, #tpu.memory_space<vmem>>, vector<1x16xf32>,
        %add3A_616 = arith.constant 3840 : i32
        %add3A_617 = arith.addi %add3A_616, %mul3A_120 : i32
        %get3A_618 = arith.constant 2 : i32
        %get3A_619 = arith.index_cast %get3A_618 : i32 to index
        %get3A_620 = arith.index_cast %add3A_617 : i32 to index
        %get3A_621 = tpu.vector_load %arg8[%get3A_619, %get3A_620] {strides = array<i32>} : memref<4x4096xf32, #tpu.memory_space<vmem>>, vector<1x16xf32>,
        %get3A_622 = vector.shape_cast %get3A_621 : vector<1x16xf32> to vector<16xf32>
        %mul3A_623 = arith.constant -1.000000e+00 : f32
        %mul3A_624 = vector.broadcast %mul3A_623 : f32 to vector<16xf32>
        %mul3A_625 = arith.mulf %mul3A_624, %get3A_622 : vector<16xf32>
        %sub3A_626 = arith.subf %sub3A_598, %mul3A_625 : vector<16xf32>
        %add3A_627 = arith.constant 4096 : i32
        %add3A_628 = arith.addi %add3A_627, %mul3A_120 : i32
        %get3A_629 = arith.constant 2 : i32
        %get3A_630 = arith.index_cast %get3A_629 : i32 to index
        %get3A_631 = arith.index_cast %add3A_628 : i32 to index
        %get3A_632 = tpu.vector_load %arg7[%get3A_630, %get3A_631] {strides = array<i32>} : memref<4x4352xf32, #tpu.memory_space<vmem>>, vector<1x16xf32>,
        %get3A_633 = vector.shape_cast %get3A_632 : vector<1x16xf32> to vector<16xf32>
        %mul3A_634 = arith.mulf %get3A_2, %sub3A_626 : vector<16xf32>
        %add3A_635 = arith.addf %get3A_633, %mul3A_634 : vector<16xf32>
        %add3A_636 = arith.constant 4096 : i32
        %add3A_637 = arith.addi %add3A_636, %mul3A_120 : i32
        %swap3A_638 = arith.constant 2 : i32
        %swap3A_639 = arith.index_cast %swap3A_638 : i32 to index
        %swap3A_640 = arith.index_cast %add3A_637 : i32 to index
        %swap3A_641 = tpu.vector_load %arg10[%swap3A_639, %swap3A_640] {strides = array<i32>} : memref<4x4352xf32, #tpu.memory_space<vmem>>, vector<1x16xf32>,
        %swap3A_642 = vector.shape_cast %swap3A_641 : vector<1x16xf32> to vector<16xf32>
        %swap3A_643 = vector.shape_cast %add3A_635 : vector<16xf32> to vector<1x16xf32>
        tpu.vector_store %arg10[%swap3A_639, %swap3A_640], %swap3A_643 {strides = array<i32>} : memref<4x4352xf32, #tpu.memory_space<vmem>>, vector<1x16xf32>,
      }
      %scan3A_91 = arith.constant 16 : i32
      %get3A_92 = arith.constant 3 : i32
      %get3A_93 = arith.index_cast %get3A_92 : i32 to index
      %get3A_94 = arith.constant 0 : index
      %get3A_95 = tpu.vector_load %arg9[%get3A_93, %get3A_94] {strides = array<i32>} : memref<4x64xf32, #tpu.memory_space<vmem>>, vector<1x16xf32>,
      %get3A_96 = vector.shape_cast %get3A_95 : vector<1x16xf32> to vector<16xf32>
      %get3A_97 = arith.constant 3 : i32
      %get3A_98 = arith.index_cast %get3A_97 : i32 to index
      %get3A_99 = arith.constant 16 : index
      %get3A_100 = tpu.vector_load %arg9[%get3A_98, %get3A_99] {strides = array<i32>} : memref<4x64xf32, #tpu.memory_space<vmem>>, vector<1x16xf32>,
      %get3A_101 = vector.shape_cast %get3A_100 : vector<1x16xf32> to vector<16xf32>
      %get3A_102 = arith.constant 3 : i32
      %get3A_103 = arith.index_cast %get3A_102 : i32 to index
      %get3A_104 = arith.constant 32 : index
      %get3A_105 = tpu.vector_load %arg9[%get3A_103, %get3A_104] {strides = array<i32>} : memref<4x64xf32, #tpu.memory_space<vmem>>, vector<1x16xf32>,
      %get3A_106 = vector.shape_cast %get3A_105 : vector<1x16xf32> to vector<16xf32>
      %get3A_107 = arith.constant 3 : i32
      %get3A_108 = arith.index_cast %get3A_107 : i32 to index
      %get3A_109 = arith.constant 48 : index
      %get3A_110 = tpu.vector_load %arg9[%get3A_108, %get3A_109] {strides = array<i32>} : memref<4x64xf32, #tpu.memory_space<vmem>>, vector<1x16xf32>,
      %get3A_111 = vector.shape_cast %get3A_110 : vector<1x16xf32> to vector<16xf32>
      %scan3A_112 = arith.constant 0 : i32
      %scan3A_113 = arith.constant 0 : i32
      %scan3A_114 = arith.constant 16 : i32
      %scan3A_115 = arith.addi %scan3A_113, %scan3A_114 : i32
      %scan3A_116 = arith.constant 1 : i32
      scf.for %scan3A_118 = %scan3A_113 to %scan3A_115 step %scan3A_116  : i32 {
        %mul3A_119 = arith.constant 16 : i32
        %mul3A_120 = arith.muli %scan3A_118, %mul3A_119 : i32
        %add3A_121 = arith.constant 0 : i32
        %add3A_122 = arith.addi %add3A_121, %mul3A_120 : i32
        %get3A_123 = arith.constant 3 : i32
        %get3A_124 = arith.index_cast %get3A_123 : i32 to index
        %get3A_125 = arith.index_cast %add3A_122 : i32 to index
        %get3A_126 = tpu.vector_load %arg7[%get3A_124, %get3A_125] {strides = array<i32>} : memref<4x4352xf32, #tpu.memory_space<vmem>>, vector<1x16xf32>,
        %get3A_127 = vector.shape_cast %get3A_126 : vector<1x16xf32> to vector<16xf32>
        %add3A_128 = arith.constant 256 : i32
        %add3A_129 = arith.addi %add3A_128, %mul3A_120 : i32
        %get3A_130 = arith.constant 3 : i32
        %get3A_131 = arith.index_cast %get3A_130 : i32 to index
        %get3A_132 = arith.index_cast %add3A_129 : i32 to index
        %get3A_133 = tpu.vector_load %arg7[%get3A_131, %get3A_132] {strides = array<i32>} : memref<4x4352xf32, #tpu.memory_space<vmem>>, vector<1x16xf32>,
        %get3A_134 = vector.shape_cast %get3A_133 : vector<1x16xf32> to vector<16xf32>
        %add3A_135 = arith.constant 0 : i32
        %add3A_136 = arith.addi %add3A_135, %mul3A_120 : i32
        %get3A_137 = arith.constant 3 : i32
        %get3A_138 = arith.index_cast %get3A_137 : i32 to index
        %get3A_139 = arith.index_cast %add3A_136 : i32 to index
        %get3A_140 = tpu.vector_load %arg8[%get3A_138, %get3A_139] {strides = array<i32>} : memref<4x4096xf32, #tpu.memory_space<vmem>>, vector<1x16xf32>,
        %get3A_141 = vector.shape_cast %get3A_140 : vector<1x16xf32> to vector<16xf32>
        %add3A_142 = arith.addf %get3A_134, %get3A_141 : vector<16xf32>
        %add3A_143 = arith.constant 1024 : i32
        %add3A_144 = arith.addi %add3A_143, %mul3A_120 : i32
        %get3A_145 = arith.constant 3 : i32
        %get3A_146 = arith.index_cast %get3A_145 : i32 to index
        %get3A_147 = arith.index_cast %add3A_144 : i32 to index
        %get3A_148 = tpu.vector_load %arg7[%get3A_146, %get3A_147] {strides = array<i32>} : memref<4x4352xf32, #tpu.memory_space<vmem>>, vector<1x16xf32>,
        %get3A_149 = vector.shape_cast %get3A_148 : vector<1x16xf32> to vector<16xf32>
        %add3A_150 = arith.constant 768 : i32
        %add3A_151 = arith.addi %add3A_150, %mul3A_120 : i32
        %get3A_152 = arith.constant 3 : i32
        %get3A_153 = arith.index_cast %get3A_152 : i32 to index
        %get3A_154 = arith.index_cast %add3A_151 : i32 to index
        %get3A_155 = tpu.vector_load %arg8[%get3A_153, %get3A_154] {strides = array<i32>} : memref<4x4096xf32, #tpu.memory_space<vmem>>, vector<1x16xf32>,
        %get3A_156 = vector.shape_cast %get3A_155 : vector<1x16xf32> to vector<16xf32>
        %sub3A = arith.subf %get3A_149, %get3A_156 : vector<16xf32>
        %add3A_157 = arith.constant 1792 : i32
        %add3A_158 = arith.addi %add3A_157, %mul3A_120 : i32
        %get3A_159 = arith.constant 3 : i32
        %get3A_160 = arith.index_cast %get3A_159 : i32 to index
        %get3A_161 = arith.index_cast %add3A_158 : i32 to index
        %get3A_162 = tpu.vector_load %arg7[%get3A_160, %get3A_161] {strides = array<i32>} : memref<4x4352xf32, #tpu.memory_space<vmem>>, vector<1x16xf32>,
        %get3A_163 = vector.shape_cast %get3A_162 : vector<1x16xf32> to vector<16xf32>
        %add3A_164 = arith.constant 1536 : i32
        %add3A_165 = arith.addi %add3A_164, %mul3A_120 : i32
        %get3A_166 = arith.constant 3 : i32
        %get3A_167 = arith.index_cast %get3A_166 : i32 to index
        %get3A_168 = arith.index_cast %add3A_165 : i32 to index
        %get3A_169 = tpu.vector_load %arg8[%get3A_167, %get3A_168] {strides = array<i32>} : memref<4x4096xf32, #tpu.memory_space<vmem>>, vector<1x16xf32>,
        %get3A_170 = vector.shape_cast %get3A_169 : vector<1x16xf32> to vector<16xf32>
        %add3A_171 = arith.addf %get3A_163, %get3A_170 : vector<16xf32>
        %mul3A_172 = arith.mulf %get3A_96, %get3A_127 : vector<16xf32>
        %mul3A_173 = arith.mulf %get3A_101, %add3A_142 : vector<16xf32>
        %add3A_174 = arith.addf %mul3A_172, %mul3A_173 : vector<16xf32>
        %mul3A_175 = arith.mulf %get3A_106, %sub3A : vector<16xf32>
        %add3A_176 = arith.addf %add3A_174, %mul3A_175 : vector<16xf32>
        %mul3A_177 = arith.mulf %get3A_111, %add3A_171 : vector<16xf32>
        %add3A_178 = arith.addf %add3A_176, %mul3A_177 : vector<16xf32>
        %mul3A_179 = arith.constant 5.000000e-01 : f32
        %mul3A_180 = vector.broadcast %mul3A_179 : f32 to vector<16xf32>
        %mul3A_181 = arith.mulf %mul3A_180, %add3A_178 : vector<16xf32>
        %add3A_182 = arith.constant 0 : i32
        %add3A_183 = arith.addi %add3A_182, %mul3A_120 : i32
        %get3A_184 = arith.constant 3 : i32
        %get3A_185 = arith.index_cast %get3A_184 : i32 to index
        %get3A_186 = arith.index_cast %add3A_183 : i32 to index
        %get3A_187 = tpu.vector_load %arg7[%get3A_185, %get3A_186] {strides = array<i32>} : memref<4x4352xf32, #tpu.memory_space<vmem>>, vector<1x16xf32>,
        %get3A_188 = vector.shape_cast %get3A_187 : vector<1x16xf32> to vector<16xf32>
        %mul3A_189 = arith.mulf %get3A_2, %mul3A_181 : vector<16xf32>
        %add3A_190 = arith.addf %get3A_188, %mul3A_189 : vector<16xf32>
        %swap3A = arith.constant 3 : i32
        %swap3A_191 = arith.index_cast %swap3A : i32 to index
        %swap3A_192 = arith.index_cast %mul3A_120 : i32 to index
        %swap3A_193 = tpu.vector_load %arg10[%swap3A_191, %swap3A_192] {strides = array<i32>} : memref<4x4352xf32, #tpu.memory_space<vmem>>, vector<1x16xf32>,
        %swap3A_194 = vector.shape_cast %swap3A_193 : vector<1x16xf32> to vector<16xf32>
        %swap3A_195 = vector.shape_cast %add3A_190 : vector<16xf32> to vector<1x16xf32>
        tpu.vector_store %arg10[%swap3A_191, %swap3A_192], %swap3A_195 {strides = array<i32>} : memref<4x4352xf32, #tpu.memory_space<vmem>>, vector<1x16xf32>,
        %add3A_196 = arith.constant 0 : i32
        %add3A_197 = arith.addi %add3A_196, %mul3A_120 : i32
        %get3A_198 = arith.constant 3 : i32
        %get3A_199 = arith.index_cast %get3A_198 : i32 to index
        %get3A_200 = arith.index_cast %add3A_197 : i32 to index
        %get3A_201 = tpu.vector_load %arg8[%get3A_199, %get3A_200] {strides = array<i32>} : memref<4x4096xf32, #tpu.memory_space<vmem>>, vector<1x16xf32>,
        %get3A_202 = vector.shape_cast %get3A_201 : vector<1x16xf32> to vector<16xf32>
        %mul3A_203 = arith.constant 1.000000e+00 : f32
        %mul3A_204 = vector.broadcast %mul3A_203 : f32 to vector<16xf32>
        %mul3A_205 = arith.mulf %mul3A_204, %get3A_202 : vector<16xf32>
        %sub3A_206 = arith.subf %mul3A_181, %mul3A_205 : vector<16xf32>
        %add3A_207 = arith.constant 256 : i32
        %add3A_208 = arith.addi %add3A_207, %mul3A_120 : i32
        %get3A_209 = arith.constant 3 : i32
        %get3A_210 = arith.index_cast %get3A_209 : i32 to index
        %get3A_211 = arith.index_cast %add3A_208 : i32 to index
        %get3A_212 = tpu.vector_load %arg7[%get3A_210, %get3A_211] {strides = array<i32>} : memref<4x4352xf32, #tpu.memory_space<vmem>>, vector<1x16xf32>,
        %get3A_213 = vector.shape_cast %get3A_212 : vector<1x16xf32> to vector<16xf32>
        %mul3A_214 = arith.mulf %get3A_2, %sub3A_206 : vector<16xf32>
        %add3A_215 = arith.addf %get3A_213, %mul3A_214 : vector<16xf32>
        %add3A_216 = arith.constant 256 : i32
        %add3A_217 = arith.addi %add3A_216, %mul3A_120 : i32
        %swap3A_218 = arith.constant 3 : i32
        %swap3A_219 = arith.index_cast %swap3A_218 : i32 to index
        %swap3A_220 = arith.index_cast %add3A_217 : i32 to index
        %swap3A_221 = tpu.vector_load %arg10[%swap3A_219, %swap3A_220] {strides = array<i32>} : memref<4x4352xf32, #tpu.memory_space<vmem>>, vector<1x16xf32>,
        %swap3A_222 = vector.shape_cast %swap3A_221 : vector<1x16xf32> to vector<16xf32>
        %swap3A_223 = vector.shape_cast %add3A_215 : vector<16xf32> to vector<1x16xf32>
        tpu.vector_store %arg10[%swap3A_219, %swap3A_220], %swap3A_223 {strides = array<i32>} : memref<4x4352xf32, #tpu.memory_space<vmem>>, vector<1x16xf32>,
        %add3A_224 = arith.constant 256 : i32
        %add3A_225 = arith.addi %add3A_224, %mul3A_120 : i32
        %get3A_226 = arith.constant 3 : i32
        %get3A_227 = arith.index_cast %get3A_226 : i32 to index
        %get3A_228 = arith.index_cast %add3A_225 : i32 to index
        %get3A_229 = tpu.vector_load %arg8[%get3A_227, %get3A_228] {strides = array<i32>} : memref<4x4096xf32, #tpu.memory_space<vmem>>, vector<1x16xf32>,
        %get3A_230 = vector.shape_cast %get3A_229 : vector<1x16xf32> to vector<16xf32>
        %mul3A_231 = arith.constant -1.000000e+00 : f32
        %mul3A_232 = vector.broadcast %mul3A_231 : f32 to vector<16xf32>
        %mul3A_233 = arith.mulf %mul3A_232, %get3A_230 : vector<16xf32>
        %sub3A_234 = arith.subf %sub3A_206, %mul3A_233 : vector<16xf32>
        %add3A_235 = arith.constant 512 : i32
        %add3A_236 = arith.addi %add3A_235, %mul3A_120 : i32
        %get3A_237 = arith.constant 3 : i32
        %get3A_238 = arith.index_cast %get3A_237 : i32 to index
        %get3A_239 = arith.index_cast %add3A_236 : i32 to index
        %get3A_240 = tpu.vector_load %arg7[%get3A_238, %get3A_239] {strides = array<i32>} : memref<4x4352xf32, #tpu.memory_space<vmem>>, vector<1x16xf32>,
        %get3A_241 = vector.shape_cast %get3A_240 : vector<1x16xf32> to vector<16xf32>
        %mul3A_242 = arith.mulf %get3A_2, %sub3A_234 : vector<16xf32>
        %add3A_243 = arith.addf %get3A_241, %mul3A_242 : vector<16xf32>
        %add3A_244 = arith.constant 512 : i32
        %add3A_245 = arith.addi %add3A_244, %mul3A_120 : i32
        %swap3A_246 = arith.constant 3 : i32
        %swap3A_247 = arith.index_cast %swap3A_246 : i32 to index
        %swap3A_248 = arith.index_cast %add3A_245 : i32 to index
        %swap3A_249 = tpu.vector_load %arg10[%swap3A_247, %swap3A_248] {strides = array<i32>} : memref<4x4352xf32, #tpu.memory_space<vmem>>, vector<1x16xf32>,
        %swap3A_250 = vector.shape_cast %swap3A_249 : vector<1x16xf32> to vector<16xf32>
        %swap3A_251 = vector.shape_cast %add3A_243 : vector<16xf32> to vector<1x16xf32>
        tpu.vector_store %arg10[%swap3A_247, %swap3A_248], %swap3A_251 {strides = array<i32>} : memref<4x4352xf32, #tpu.memory_space<vmem>>, vector<1x16xf32>,
        %add3A_252 = arith.constant 512 : i32
        %add3A_253 = arith.addi %add3A_252, %mul3A_120 : i32
        %get3A_254 = arith.constant 3 : i32
        %get3A_255 = arith.index_cast %get3A_254 : i32 to index
        %get3A_256 = arith.index_cast %add3A_253 : i32 to index
        %get3A_257 = tpu.vector_load %arg8[%get3A_255, %get3A_256] {strides = array<i32>} : memref<4x4096xf32, #tpu.memory_space<vmem>>, vector<1x16xf32>,
        %get3A_258 = vector.shape_cast %get3A_257 : vector<1x16xf32> to vector<16xf32>
        %mul3A_259 = arith.constant 1.000000e+00 : f32
        %mul3A_260 = vector.broadcast %mul3A_259 : f32 to vector<16xf32>
        %mul3A_261 = arith.mulf %mul3A_260, %get3A_258 : vector<16xf32>
        %sub3A_262 = arith.subf %sub3A_234, %mul3A_261 : vector<16xf32>
        %add3A_263 = arith.constant 768 : i32
        %add3A_264 = arith.addi %add3A_263, %mul3A_120 : i32
        %get3A_265 = arith.constant 3 : i32
        %get3A_266 = arith.index_cast %get3A_265 : i32 to index
        %get3A_267 = arith.index_cast %add3A_264 : i32 to index
        %get3A_268 = tpu.vector_load %arg7[%get3A_266, %get3A_267] {strides = array<i32>} : memref<4x4352xf32, #tpu.memory_space<vmem>>, vector<1x16xf32>,
        %get3A_269 = vector.shape_cast %get3A_268 : vector<1x16xf32> to vector<16xf32>
        %mul3A_270 = arith.mulf %get3A_2, %sub3A_262 : vector<16xf32>
        %add3A_271 = arith.addf %get3A_269, %mul3A_270 : vector<16xf32>
        %add3A_272 = arith.constant 768 : i32
        %add3A_273 = arith.addi %add3A_272, %mul3A_120 : i32
        %swap3A_274 = arith.constant 3 : i32
        %swap3A_275 = arith.index_cast %swap3A_274 : i32 to index
        %swap3A_276 = arith.index_cast %add3A_273 : i32 to index
        %swap3A_277 = tpu.vector_load %arg10[%swap3A_275, %swap3A_276] {strides = array<i32>} : memref<4x4352xf32, #tpu.memory_space<vmem>>, vector<1x16xf32>,
        %swap3A_278 = vector.shape_cast %swap3A_277 : vector<1x16xf32> to vector<16xf32>
        %swap3A_279 = vector.shape_cast %add3A_271 : vector<16xf32> to vector<1x16xf32>
        tpu.vector_store %arg10[%swap3A_275, %swap3A_276], %swap3A_279 {strides = array<i32>} : memref<4x4352xf32, #tpu.memory_space<vmem>>, vector<1x16xf32>,
        %add3A_280 = arith.constant 768 : i32
        %add3A_281 = arith.addi %add3A_280, %mul3A_120 : i32
        %get3A_282 = arith.constant 3 : i32
        %get3A_283 = arith.index_cast %get3A_282 : i32 to index
        %get3A_284 = arith.index_cast %add3A_281 : i32 to index
        %get3A_285 = tpu.vector_load %arg8[%get3A_283, %get3A_284] {strides = array<i32>} : memref<4x4096xf32, #tpu.memory_space<vmem>>, vector<1x16xf32>,
        %get3A_286 = vector.shape_cast %get3A_285 : vector<1x16xf32> to vector<16xf32>
        %mul3A_287 = arith.constant -1.000000e+00 : f32
        %mul3A_288 = vector.broadcast %mul3A_287 : f32 to vector<16xf32>
        %mul3A_289 = arith.mulf %mul3A_288, %get3A_286 : vector<16xf32>
        %sub3A_290 = arith.subf %mul3A_181, %mul3A_289 : vector<16xf32>
        %add3A_291 = arith.constant 1024 : i32
        %add3A_292 = arith.addi %add3A_291, %mul3A_120 : i32
        %get3A_293 = arith.constant 3 : i32
        %get3A_294 = arith.index_cast %get3A_293 : i32 to index
        %get3A_295 = arith.index_cast %add3A_292 : i32 to index
        %get3A_296 = tpu.vector_load %arg7[%get3A_294, %get3A_295] {strides = array<i32>} : memref<4x4352xf32, #tpu.memory_space<vmem>>, vector<1x16xf32>,
        %get3A_297 = vector.shape_cast %get3A_296 : vector<1x16xf32> to vector<16xf32>
        %mul3A_298 = arith.mulf %get3A_2, %sub3A_290 : vector<16xf32>
        %add3A_299 = arith.addf %get3A_297, %mul3A_298 : vector<16xf32>
        %add3A_300 = arith.constant 1024 : i32
        %add3A_301 = arith.addi %add3A_300, %mul3A_120 : i32
        %swap3A_302 = arith.constant 3 : i32
        %swap3A_303 = arith.index_cast %swap3A_302 : i32 to index
        %swap3A_304 = arith.index_cast %add3A_301 : i32 to index
        %swap3A_305 = tpu.vector_load %arg10[%swap3A_303, %swap3A_304] {strides = array<i32>} : memref<4x4352xf32, #tpu.memory_space<vmem>>, vector<1x16xf32>,
        %swap3A_306 = vector.shape_cast %swap3A_305 : vector<1x16xf32> to vector<16xf32>
        %swap3A_307 = vector.shape_cast %add3A_299 : vector<16xf32> to vector<1x16xf32>
        tpu.vector_store %arg10[%swap3A_303, %swap3A_304], %swap3A_307 {strides = array<i32>} : memref<4x4352xf32, #tpu.memory_space<vmem>>, vector<1x16xf32>,
        %add3A_308 = arith.constant 1024 : i32
        %add3A_309 = arith.addi %add3A_308, %mul3A_120 : i32
        %get3A_310 = arith.constant 3 : i32
        %get3A_311 = arith.index_cast %get3A_310 : i32 to index
        %get3A_312 = arith.index_cast %add3A_309 : i32 to index
        %get3A_313 = tpu.vector_load %arg8[%get3A_311, %get3A_312] {strides = array<i32>} : memref<4x4096xf32, #tpu.memory_space<vmem>>, vector<1x16xf32>,
        %get3A_314 = vector.shape_cast %get3A_313 : vector<1x16xf32> to vector<16xf32>
        %mul3A_315 = arith.constant 1.000000e+00 : f32
        %mul3A_316 = vector.broadcast %mul3A_315 : f32 to vector<16xf32>
        %mul3A_317 = arith.mulf %mul3A_316, %get3A_314 : vector<16xf32>
        %sub3A_318 = arith.subf %sub3A_290, %mul3A_317 : vector<16xf32>
        %add3A_319 = arith.constant 1280 : i32
        %add3A_320 = arith.addi %add3A_319, %mul3A_120 : i32
        %get3A_321 = arith.constant 3 : i32
        %get3A_322 = arith.index_cast %get3A_321 : i32 to index
        %get3A_323 = arith.index_cast %add3A_320 : i32 to index
        %get3A_324 = tpu.vector_load %arg7[%get3A_322, %get3A_323] {strides = array<i32>} : memref<4x4352xf32, #tpu.memory_space<vmem>>, vector<1x16xf32>,
        %get3A_325 = vector.shape_cast %get3A_324 : vector<1x16xf32> to vector<16xf32>
        %mul3A_326 = arith.mulf %get3A_2, %sub3A_318 : vector<16xf32>
        %add3A_327 = arith.addf %get3A_325, %mul3A_326 : vector<16xf32>
        %add3A_328 = arith.constant 1280 : i32
        %add3A_329 = arith.addi %add3A_328, %mul3A_120 : i32
        %swap3A_330 = arith.constant 3 : i32
        %swap3A_331 = arith.index_cast %swap3A_330 : i32 to index
        %swap3A_332 = arith.index_cast %add3A_329 : i32 to index
        %swap3A_333 = tpu.vector_load %arg10[%swap3A_331, %swap3A_332] {strides = array<i32>} : memref<4x4352xf32, #tpu.memory_space<vmem>>, vector<1x16xf32>,
        %swap3A_334 = vector.shape_cast %swap3A_333 : vector<1x16xf32> to vector<16xf32>
        %swap3A_335 = vector.shape_cast %add3A_327 : vector<16xf32> to vector<1x16xf32>
        tpu.vector_store %arg10[%swap3A_331, %swap3A_332], %swap3A_335 {strides = array<i32>} : memref<4x4352xf32, #tpu.memory_space<vmem>>, vector<1x16xf32>,
        %add3A_336 = arith.constant 1280 : i32
        %add3A_337 = arith.addi %add3A_336, %mul3A_120 : i32
        %get3A_338 = arith.constant 3 : i32
        %get3A_339 = arith.index_cast %get3A_338 : i32 to index
        %get3A_340 = arith.index_cast %add3A_337 : i32 to index
        %get3A_341 = tpu.vector_load %arg8[%get3A_339, %get3A_340] {strides = array<i32>} : memref<4x4096xf32, #tpu.memory_space<vmem>>, vector<1x16xf32>,
        %get3A_342 = vector.shape_cast %get3A_341 : vector<1x16xf32> to vector<16xf32>
        %mul3A_343 = arith.constant -1.000000e+00 : f32
        %mul3A_344 = vector.broadcast %mul3A_343 : f32 to vector<16xf32>
        %mul3A_345 = arith.mulf %mul3A_344, %get3A_342 : vector<16xf32>
        %sub3A_346 = arith.subf %sub3A_318, %mul3A_345 : vector<16xf32>
        %add3A_347 = arith.constant 1536 : i32
        %add3A_348 = arith.addi %add3A_347, %mul3A_120 : i32
        %get3A_349 = arith.constant 3 : i32
        %get3A_350 = arith.index_cast %get3A_349 : i32 to index
        %get3A_351 = arith.index_cast %add3A_348 : i32 to index
        %get3A_352 = tpu.vector_load %arg7[%get3A_350, %get3A_351] {strides = array<i32>} : memref<4x4352xf32, #tpu.memory_space<vmem>>, vector<1x16xf32>,
        %get3A_353 = vector.shape_cast %get3A_352 : vector<1x16xf32> to vector<16xf32>
        %mul3A_354 = arith.mulf %get3A_2, %sub3A_346 : vector<16xf32>
        %add3A_355 = arith.addf %get3A_353, %mul3A_354 : vector<16xf32>
        %add3A_356 = arith.constant 1536 : i32
        %add3A_357 = arith.addi %add3A_356, %mul3A_120 : i32
        %swap3A_358 = arith.constant 3 : i32
        %swap3A_359 = arith.index_cast %swap3A_358 : i32 to index
        %swap3A_360 = arith.index_cast %add3A_357 : i32 to index
        %swap3A_361 = tpu.vector_load %arg10[%swap3A_359, %swap3A_360] {strides = array<i32>} : memref<4x4352xf32, #tpu.memory_space<vmem>>, vector<1x16xf32>,
        %swap3A_362 = vector.shape_cast %swap3A_361 : vector<1x16xf32> to vector<16xf32>
        %swap3A_363 = vector.shape_cast %add3A_355 : vector<16xf32> to vector<1x16xf32>
        tpu.vector_store %arg10[%swap3A_359, %swap3A_360], %swap3A_363 {strides = array<i32>} : memref<4x4352xf32, #tpu.memory_space<vmem>>, vector<1x16xf32>,
        %add3A_364 = arith.constant 1536 : i32
        %add3A_365 = arith.addi %add3A_364, %mul3A_120 : i32
        %get3A_366 = arith.constant 3 : i32
        %get3A_367 = arith.index_cast %get3A_366 : i32 to index
        %get3A_368 = arith.index_cast %add3A_365 : i32 to index
        %get3A_369 = tpu.vector_load %arg8[%get3A_367, %get3A_368] {strides = array<i32>} : memref<4x4096xf32, #tpu.memory_space<vmem>>, vector<1x16xf32>,
        %get3A_370 = vector.shape_cast %get3A_369 : vector<1x16xf32> to vector<16xf32>
        %mul3A_371 = arith.constant 1.000000e+00 : f32
        %mul3A_372 = vector.broadcast %mul3A_371 : f32 to vector<16xf32>
        %mul3A_373 = arith.mulf %mul3A_372, %get3A_370 : vector<16xf32>
        %sub3A_374 = arith.subf %mul3A_181, %mul3A_373 : vector<16xf32>
        %add3A_375 = arith.constant 1792 : i32
        %add3A_376 = arith.addi %add3A_375, %mul3A_120 : i32
        %get3A_377 = arith.constant 3 : i32
        %get3A_378 = arith.index_cast %get3A_377 : i32 to index
        %get3A_379 = arith.index_cast %add3A_376 : i32 to index
        %get3A_380 = tpu.vector_load %arg7[%get3A_378, %get3A_379] {strides = array<i32>} : memref<4x4352xf32, #tpu.memory_space<vmem>>, vector<1x16xf32>,
        %get3A_381 = vector.shape_cast %get3A_380 : vector<1x16xf32> to vector<16xf32>
        %mul3A_382 = arith.mulf %get3A_2, %sub3A_374 : vector<16xf32>
        %add3A_383 = arith.addf %get3A_381, %mul3A_382 : vector<16xf32>
        %add3A_384 = arith.constant 1792 : i32
        %add3A_385 = arith.addi %add3A_384, %mul3A_120 : i32
        %swap3A_386 = arith.constant 3 : i32
        %swap3A_387 = arith.index_cast %swap3A_386 : i32 to index
        %swap3A_388 = arith.index_cast %add3A_385 : i32 to index
        %swap3A_389 = tpu.vector_load %arg10[%swap3A_387, %swap3A_388] {strides = array<i32>} : memref<4x4352xf32, #tpu.memory_space<vmem>>, vector<1x16xf32>,
        %swap3A_390 = vector.shape_cast %swap3A_389 : vector<1x16xf32> to vector<16xf32>
        %swap3A_391 = vector.shape_cast %add3A_383 : vector<16xf32> to vector<1x16xf32>
        tpu.vector_store %arg10[%swap3A_387, %swap3A_388], %swap3A_391 {strides = array<i32>} : memref<4x4352xf32, #tpu.memory_space<vmem>>, vector<1x16xf32>,
        %add3A_392 = arith.constant 1792 : i32
        %add3A_393 = arith.addi %add3A_392, %mul3A_120 : i32
        %get3A_394 = arith.constant 3 : i32
        %get3A_395 = arith.index_cast %get3A_394 : i32 to index
        %get3A_396 = arith.index_cast %add3A_393 : i32 to index
        %get3A_397 = tpu.vector_load %arg8[%get3A_395, %get3A_396] {strides = array<i32>} : memref<4x4096xf32, #tpu.memory_space<vmem>>, vector<1x16xf32>,
        %get3A_398 = vector.shape_cast %get3A_397 : vector<1x16xf32> to vector<16xf32>
        %mul3A_399 = arith.constant -1.000000e+00 : f32
        %mul3A_400 = vector.broadcast %mul3A_399 : f32 to vector<16xf32>
        %mul3A_401 = arith.mulf %mul3A_400, %get3A_398 : vector<16xf32>
        %sub3A_402 = arith.subf %sub3A_374, %mul3A_401 : vector<16xf32>
        %add3A_403 = arith.constant 2048 : i32
        %add3A_404 = arith.addi %add3A_403, %mul3A_120 : i32
        %get3A_405 = arith.constant 3 : i32
        %get3A_406 = arith.index_cast %get3A_405 : i32 to index
        %get3A_407 = arith.index_cast %add3A_404 : i32 to index
        %get3A_408 = tpu.vector_load %arg7[%get3A_406, %get3A_407] {strides = array<i32>} : memref<4x4352xf32, #tpu.memory_space<vmem>>, vector<1x16xf32>,
        %get3A_409 = vector.shape_cast %get3A_408 : vector<1x16xf32> to vector<16xf32>
        %mul3A_410 = arith.mulf %get3A_2, %sub3A_402 : vector<16xf32>
        %add3A_411 = arith.addf %get3A_409, %mul3A_410 : vector<16xf32>
        %add3A_412 = arith.constant 2048 : i32
        %add3A_413 = arith.addi %add3A_412, %mul3A_120 : i32
        %swap3A_414 = arith.constant 3 : i32
        %swap3A_415 = arith.index_cast %swap3A_414 : i32 to index
        %swap3A_416 = arith.index_cast %add3A_413 : i32 to index
        %swap3A_417 = tpu.vector_load %arg10[%swap3A_415, %swap3A_416] {strides = array<i32>} : memref<4x4352xf32, #tpu.memory_space<vmem>>, vector<1x16xf32>,
        %swap3A_418 = vector.shape_cast %swap3A_417 : vector<1x16xf32> to vector<16xf32>
        %swap3A_419 = vector.shape_cast %add3A_411 : vector<16xf32> to vector<1x16xf32>
        tpu.vector_store %arg10[%swap3A_415, %swap3A_416], %swap3A_419 {strides = array<i32>} : memref<4x4352xf32, #tpu.memory_space<vmem>>, vector<1x16xf32>,
        %add3A_420 = arith.constant 2048 : i32
        %add3A_421 = arith.addi %add3A_420, %mul3A_120 : i32
        %get3A_422 = arith.constant 3 : i32
        %get3A_423 = arith.index_cast %get3A_422 : i32 to index
        %get3A_424 = arith.index_cast %add3A_421 : i32 to index
        %get3A_425 = tpu.vector_load %arg8[%get3A_423, %get3A_424] {strides = array<i32>} : memref<4x4096xf32, #tpu.memory_space<vmem>>, vector<1x16xf32>,
        %get3A_426 = vector.shape_cast %get3A_425 : vector<1x16xf32> to vector<16xf32>
        %mul3A_427 = arith.constant 1.000000e+00 : f32
        %mul3A_428 = vector.broadcast %mul3A_427 : f32 to vector<16xf32>
        %mul3A_429 = arith.mulf %mul3A_428, %get3A_426 : vector<16xf32>
        %sub3A_430 = arith.subf %sub3A_402, %mul3A_429 : vector<16xf32>
        %add3A_431 = arith.constant 2304 : i32
        %add3A_432 = arith.addi %add3A_431, %mul3A_120 : i32
        %get3A_433 = arith.constant 3 : i32
        %get3A_434 = arith.index_cast %get3A_433 : i32 to index
        %get3A_435 = arith.index_cast %add3A_432 : i32 to index
        %get3A_436 = tpu.vector_load %arg7[%get3A_434, %get3A_435] {strides = array<i32>} : memref<4x4352xf32, #tpu.memory_space<vmem>>, vector<1x16xf32>,
        %get3A_437 = vector.shape_cast %get3A_436 : vector<1x16xf32> to vector<16xf32>
        %mul3A_438 = arith.mulf %get3A_2, %sub3A_430 : vector<16xf32>
        %add3A_439 = arith.addf %get3A_437, %mul3A_438 : vector<16xf32>
        %add3A_440 = arith.constant 2304 : i32
        %add3A_441 = arith.addi %add3A_440, %mul3A_120 : i32
        %swap3A_442 = arith.constant 3 : i32
        %swap3A_443 = arith.index_cast %swap3A_442 : i32 to index
        %swap3A_444 = arith.index_cast %add3A_441 : i32 to index
        %swap3A_445 = tpu.vector_load %arg10[%swap3A_443, %swap3A_444] {strides = array<i32>} : memref<4x4352xf32, #tpu.memory_space<vmem>>, vector<1x16xf32>,
        %swap3A_446 = vector.shape_cast %swap3A_445 : vector<1x16xf32> to vector<16xf32>
        %swap3A_447 = vector.shape_cast %add3A_439 : vector<16xf32> to vector<1x16xf32>
        tpu.vector_store %arg10[%swap3A_443, %swap3A_444], %swap3A_447 {strides = array<i32>} : memref<4x4352xf32, #tpu.memory_space<vmem>>, vector<1x16xf32>,
        %add3A_448 = arith.constant 2304 : i32
        %add3A_449 = arith.addi %add3A_448, %mul3A_120 : i32
        %get3A_450 = arith.constant 3 : i32
        %get3A_451 = arith.index_cast %get3A_450 : i32 to index
        %get3A_452 = arith.index_cast %add3A_449 : i32 to index
        %get3A_453 = tpu.vector_load %arg8[%get3A_451, %get3A_452] {strides = array<i32>} : memref<4x4096xf32, #tpu.memory_space<vmem>>, vector<1x16xf32>,
        %get3A_454 = vector.shape_cast %get3A_453 : vector<1x16xf32> to vector<16xf32>
        %mul3A_455 = arith.constant -1.000000e+00 : f32
        %mul3A_456 = vector.broadcast %mul3A_455 : f32 to vector<16xf32>
        %mul3A_457 = arith.mulf %mul3A_456, %get3A_454 : vector<16xf32>
        %sub3A_458 = arith.subf %sub3A_430, %mul3A_457 : vector<16xf32>
        %add3A_459 = arith.constant 2560 : i32
        %add3A_460 = arith.addi %add3A_459, %mul3A_120 : i32
        %get3A_461 = arith.constant 3 : i32
        %get3A_462 = arith.index_cast %get3A_461 : i32 to index
        %get3A_463 = arith.index_cast %add3A_460 : i32 to index
        %get3A_464 = tpu.vector_load %arg7[%get3A_462, %get3A_463] {strides = array<i32>} : memref<4x4352xf32, #tpu.memory_space<vmem>>, vector<1x16xf32>,
        %get3A_465 = vector.shape_cast %get3A_464 : vector<1x16xf32> to vector<16xf32>
        %mul3A_466 = arith.mulf %get3A_2, %sub3A_458 : vector<16xf32>
        %add3A_467 = arith.addf %get3A_465, %mul3A_466 : vector<16xf32>
        %add3A_468 = arith.constant 2560 : i32
        %add3A_469 = arith.addi %add3A_468, %mul3A_120 : i32
        %swap3A_470 = arith.constant 3 : i32
        %swap3A_471 = arith.index_cast %swap3A_470 : i32 to index
        %swap3A_472 = arith.index_cast %add3A_469 : i32 to index
        %swap3A_473 = tpu.vector_load %arg10[%swap3A_471, %swap3A_472] {strides = array<i32>} : memref<4x4352xf32, #tpu.memory_space<vmem>>, vector<1x16xf32>,
        %swap3A_474 = vector.shape_cast %swap3A_473 : vector<1x16xf32> to vector<16xf32>
        %swap3A_475 = vector.shape_cast %add3A_467 : vector<16xf32> to vector<1x16xf32>
        tpu.vector_store %arg10[%swap3A_471, %swap3A_472], %swap3A_475 {strides = array<i32>} : memref<4x4352xf32, #tpu.memory_space<vmem>>, vector<1x16xf32>,
        %add3A_476 = arith.constant 2560 : i32
        %add3A_477 = arith.addi %add3A_476, %mul3A_120 : i32
        %get3A_478 = arith.constant 3 : i32
        %get3A_479 = arith.index_cast %get3A_478 : i32 to index
        %get3A_480 = arith.index_cast %add3A_477 : i32 to index
        %get3A_481 = tpu.vector_load %arg8[%get3A_479, %get3A_480] {strides = array<i32>} : memref<4x4096xf32, #tpu.memory_space<vmem>>, vector<1x16xf32>,
        %get3A_482 = vector.shape_cast %get3A_481 : vector<1x16xf32> to vector<16xf32>
        %mul3A_483 = arith.constant 1.000000e+00 : f32
        %mul3A_484 = vector.broadcast %mul3A_483 : f32 to vector<16xf32>
        %mul3A_485 = arith.mulf %mul3A_484, %get3A_482 : vector<16xf32>
        %sub3A_486 = arith.subf %sub3A_402, %mul3A_485 : vector<16xf32>
        %add3A_487 = arith.constant 2816 : i32
        %add3A_488 = arith.addi %add3A_487, %mul3A_120 : i32
        %get3A_489 = arith.constant 3 : i32
        %get3A_490 = arith.index_cast %get3A_489 : i32 to index
        %get3A_491 = arith.index_cast %add3A_488 : i32 to index
        %get3A_492 = tpu.vector_load %arg7[%get3A_490, %get3A_491] {strides = array<i32>} : memref<4x4352xf32, #tpu.memory_space<vmem>>, vector<1x16xf32>,
        %get3A_493 = vector.shape_cast %get3A_492 : vector<1x16xf32> to vector<16xf32>
        %mul3A_494 = arith.mulf %get3A_2, %sub3A_486 : vector<16xf32>
        %add3A_495 = arith.addf %get3A_493, %mul3A_494 : vector<16xf32>
        %add3A_496 = arith.constant 2816 : i32
        %add3A_497 = arith.addi %add3A_496, %mul3A_120 : i32
        %swap3A_498 = arith.constant 3 : i32
        %swap3A_499 = arith.index_cast %swap3A_498 : i32 to index
        %swap3A_500 = arith.index_cast %add3A_497 : i32 to index
        %swap3A_501 = tpu.vector_load %arg10[%swap3A_499, %swap3A_500] {strides = array<i32>} : memref<4x4352xf32, #tpu.memory_space<vmem>>, vector<1x16xf32>,
        %swap3A_502 = vector.shape_cast %swap3A_501 : vector<1x16xf32> to vector<16xf32>
        %swap3A_503 = vector.shape_cast %add3A_495 : vector<16xf32> to vector<1x16xf32>
        tpu.vector_store %arg10[%swap3A_499, %swap3A_500], %swap3A_503 {strides = array<i32>} : memref<4x4352xf32, #tpu.memory_space<vmem>>, vector<1x16xf32>,
        %add3A_504 = arith.constant 2816 : i32
        %add3A_505 = arith.addi %add3A_504, %mul3A_120 : i32
        %get3A_506 = arith.constant 3 : i32
        %get3A_507 = arith.index_cast %get3A_506 : i32 to index
        %get3A_508 = arith.index_cast %add3A_505 : i32 to index
        %get3A_509 = tpu.vector_load %arg8[%get3A_507, %get3A_508] {strides = array<i32>} : memref<4x4096xf32, #tpu.memory_space<vmem>>, vector<1x16xf32>,
        %get3A_510 = vector.shape_cast %get3A_509 : vector<1x16xf32> to vector<16xf32>
        %mul3A_511 = arith.constant -1.000000e+00 : f32
        %mul3A_512 = vector.broadcast %mul3A_511 : f32 to vector<16xf32>
        %mul3A_513 = arith.mulf %mul3A_512, %get3A_510 : vector<16xf32>
        %sub3A_514 = arith.subf %sub3A_486, %mul3A_513 : vector<16xf32>
        %add3A_515 = arith.constant 3072 : i32
        %add3A_516 = arith.addi %add3A_515, %mul3A_120 : i32
        %get3A_517 = arith.constant 3 : i32
        %get3A_518 = arith.index_cast %get3A_517 : i32 to index
        %get3A_519 = arith.index_cast %add3A_516 : i32 to index
        %get3A_520 = tpu.vector_load %arg7[%get3A_518, %get3A_519] {strides = array<i32>} : memref<4x4352xf32, #tpu.memory_space<vmem>>, vector<1x16xf32>,
        %get3A_521 = vector.shape_cast %get3A_520 : vector<1x16xf32> to vector<16xf32>
        %mul3A_522 = arith.mulf %get3A_2, %sub3A_514 : vector<16xf32>
        %add3A_523 = arith.addf %get3A_521, %mul3A_522 : vector<16xf32>
        %add3A_524 = arith.constant 3072 : i32
        %add3A_525 = arith.addi %add3A_524, %mul3A_120 : i32
        %swap3A_526 = arith.constant 3 : i32
        %swap3A_527 = arith.index_cast %swap3A_526 : i32 to index
        %swap3A_528 = arith.index_cast %add3A_525 : i32 to index
        %swap3A_529 = tpu.vector_load %arg10[%swap3A_527, %swap3A_528] {strides = array<i32>} : memref<4x4352xf32, #tpu.memory_space<vmem>>, vector<1x16xf32>,
        %swap3A_530 = vector.shape_cast %swap3A_529 : vector<1x16xf32> to vector<16xf32>
        %swap3A_531 = vector.shape_cast %add3A_523 : vector<16xf32> to vector<1x16xf32>
        tpu.vector_store %arg10[%swap3A_527, %swap3A_528], %swap3A_531 {strides = array<i32>} : memref<4x4352xf32, #tpu.memory_space<vmem>>, vector<1x16xf32>,
        %add3A_532 = arith.constant 3072 : i32
        %add3A_533 = arith.addi %add3A_532, %mul3A_120 : i32
        %get3A_534 = arith.constant 3 : i32
        %get3A_535 = arith.index_cast %get3A_534 : i32 to index
        %get3A_536 = arith.index_cast %add3A_533 : i32 to index
        %get3A_537 = tpu.vector_load %arg8[%get3A_535, %get3A_536] {strides = array<i32>} : memref<4x4096xf32, #tpu.memory_space<vmem>>, vector<1x16xf32>,
        %get3A_538 = vector.shape_cast %get3A_537 : vector<1x16xf32> to vector<16xf32>
        %mul3A_539 = arith.constant 1.000000e+00 : f32
        %mul3A_540 = vector.broadcast %mul3A_539 : f32 to vector<16xf32>
        %mul3A_541 = arith.mulf %mul3A_540, %get3A_538 : vector<16xf32>
        %sub3A_542 = arith.subf %sub3A_514, %mul3A_541 : vector<16xf32>
        %add3A_543 = arith.constant 3328 : i32
        %add3A_544 = arith.addi %add3A_543, %mul3A_120 : i32
        %get3A_545 = arith.constant 3 : i32
        %get3A_546 = arith.index_cast %get3A_545 : i32 to index
        %get3A_547 = arith.index_cast %add3A_544 : i32 to index
        %get3A_548 = tpu.vector_load %arg7[%get3A_546, %get3A_547] {strides = array<i32>} : memref<4x4352xf32, #tpu.memory_space<vmem>>, vector<1x16xf32>,
        %get3A_549 = vector.shape_cast %get3A_548 : vector<1x16xf32> to vector<16xf32>
        %mul3A_550 = arith.mulf %get3A_2, %sub3A_542 : vector<16xf32>
        %add3A_551 = arith.addf %get3A_549, %mul3A_550 : vector<16xf32>
        %add3A_552 = arith.constant 3328 : i32
        %add3A_553 = arith.addi %add3A_552, %mul3A_120 : i32
        %swap3A_554 = arith.constant 3 : i32
        %swap3A_555 = arith.index_cast %swap3A_554 : i32 to index
        %swap3A_556 = arith.index_cast %add3A_553 : i32 to index
        %swap3A_557 = tpu.vector_load %arg10[%swap3A_555, %swap3A_556] {strides = array<i32>} : memref<4x4352xf32, #tpu.memory_space<vmem>>, vector<1x16xf32>,
        %swap3A_558 = vector.shape_cast %swap3A_557 : vector<1x16xf32> to vector<16xf32>
        %swap3A_559 = vector.shape_cast %add3A_551 : vector<16xf32> to vector<1x16xf32>
        tpu.vector_store %arg10[%swap3A_555, %swap3A_556], %swap3A_559 {strides = array<i32>} : memref<4x4352xf32, #tpu.memory_space<vmem>>, vector<1x16xf32>,
        %add3A_560 = arith.constant 3328 : i32
        %add3A_561 = arith.addi %add3A_560, %mul3A_120 : i32
        %get3A_562 = arith.constant 3 : i32
        %get3A_563 = arith.index_cast %get3A_562 : i32 to index
        %get3A_564 = arith.index_cast %add3A_561 : i32 to index
        %get3A_565 = tpu.vector_load %arg8[%get3A_563, %get3A_564] {strides = array<i32>} : memref<4x4096xf32, #tpu.memory_space<vmem>>, vector<1x16xf32>,
        %get3A_566 = vector.shape_cast %get3A_565 : vector<1x16xf32> to vector<16xf32>
        %mul3A_567 = arith.constant -1.000000e+00 : f32
        %mul3A_568 = vector.broadcast %mul3A_567 : f32 to vector<16xf32>
        %mul3A_569 = arith.mulf %mul3A_568, %get3A_566 : vector<16xf32>
        %sub3A_570 = arith.subf %sub3A_402, %mul3A_569 : vector<16xf32>
        %add3A_571 = arith.constant 3584 : i32
        %add3A_572 = arith.addi %add3A_571, %mul3A_120 : i32
        %get3A_573 = arith.constant 3 : i32
        %get3A_574 = arith.index_cast %get3A_573 : i32 to index
        %get3A_575 = arith.index_cast %add3A_572 : i32 to index
        %get3A_576 = tpu.vector_load %arg7[%get3A_574, %get3A_575] {strides = array<i32>} : memref<4x4352xf32, #tpu.memory_space<vmem>>, vector<1x16xf32>,
        %get3A_577 = vector.shape_cast %get3A_576 : vector<1x16xf32> to vector<16xf32>
        %mul3A_578 = arith.mulf %get3A_2, %sub3A_570 : vector<16xf32>
        %add3A_579 = arith.addf %get3A_577, %mul3A_578 : vector<16xf32>
        %add3A_580 = arith.constant 3584 : i32
        %add3A_581 = arith.addi %add3A_580, %mul3A_120 : i32
        %swap3A_582 = arith.constant 3 : i32
        %swap3A_583 = arith.index_cast %swap3A_582 : i32 to index
        %swap3A_584 = arith.index_cast %add3A_581 : i32 to index
        %swap3A_585 = tpu.vector_load %arg10[%swap3A_583, %swap3A_584] {strides = array<i32>} : memref<4x4352xf32, #tpu.memory_space<vmem>>, vector<1x16xf32>,
        %swap3A_586 = vector.shape_cast %swap3A_585 : vector<1x16xf32> to vector<16xf32>
        %swap3A_587 = vector.shape_cast %add3A_579 : vector<16xf32> to vector<1x16xf32>
        tpu.vector_store %arg10[%swap3A_583, %swap3A_584], %swap3A_587 {strides = array<i32>} : memref<4x4352xf32, #tpu.memory_space<vmem>>, vector<1x16xf32>,
        %add3A_588 = arith.constant 3584 : i32
        %add3A_589 = arith.addi %add3A_588, %mul3A_120 : i32
        %get3A_590 = arith.constant 3 : i32
        %get3A_591 = arith.index_cast %get3A_590 : i32 to index
        %get3A_592 = arith.index_cast %add3A_589 : i32 to index
        %get3A_593 = tpu.vector_load %arg8[%get3A_591, %get3A_592] {strides = array<i32>} : memref<4x4096xf32, #tpu.memory_space<vmem>>, vector<1x16xf32>,
        %get3A_594 = vector.shape_cast %get3A_593 : vector<1x16xf32> to vector<16xf32>
        %mul3A_595 = arith.constant 1.000000e+00 : f32
        %mul3A_596 = vector.broadcast %mul3A_595 : f32 to vector<16xf32>
        %mul3A_597 = arith.mulf %mul3A_596, %get3A_594 : vector<16xf32>
        %sub3A_598 = arith.subf %sub3A_570, %mul3A_597 : vector<16xf32>
        %add3A_599 = arith.constant 3840 : i32
        %add3A_600 = arith.addi %add3A_599, %mul3A_120 : i32
        %get3A_601 = arith.constant 3 : i32
        %get3A_602 = arith.index_cast %get3A_601 : i32 to index
        %get3A_603 = arith.index_cast %add3A_600 : i32 to index
        %get3A_604 = tpu.vector_load %arg7[%get3A_602, %get3A_603] {strides = array<i32>} : memref<4x4352xf32, #tpu.memory_space<vmem>>, vector<1x16xf32>,
        %get3A_605 = vector.shape_cast %get3A_604 : vector<1x16xf32> to vector<16xf32>
        %mul3A_606 = arith.mulf %get3A_2, %sub3A_598 : vector<16xf32>
        %add3A_607 = arith.addf %get3A_605, %mul3A_606 : vector<16xf32>
        %add3A_608 = arith.constant 3840 : i32
        %add3A_609 = arith.addi %add3A_608, %mul3A_120 : i32
        %swap3A_610 = arith.constant 3 : i32
        %swap3A_611 = arith.index_cast %swap3A_610 : i32 to index
        %swap3A_612 = arith.index_cast %add3A_609 : i32 to index
        %swap3A_613 = tpu.vector_load %arg10[%swap3A_611, %swap3A_612] {strides = array<i32>} : memref<4x4352xf32, #tpu.memory_space<vmem>>, vector<1x16xf32>,
        %swap3A_614 = vector.shape_cast %swap3A_613 : vector<1x16xf32> to vector<16xf32>
        %swap3A_615 = vector.shape_cast %add3A_607 : vector<16xf32> to vector<1x16xf32>
        tpu.vector_store %arg10[%swap3A_611, %swap3A_612], %swap3A_615 {strides = array<i32>} : memref<4x4352xf32, #tpu.memory_space<vmem>>, vector<1x16xf32>,
        %add3A_616 = arith.constant 3840 : i32
        %add3A_617 = arith.addi %add3A_616, %mul3A_120 : i32
        %get3A_618 = arith.constant 3 : i32
        %get3A_619 = arith.index_cast %get3A_618 : i32 to index
        %get3A_620 = arith.index_cast %add3A_617 : i32 to index
        %get3A_621 = tpu.vector_load %arg8[%get3A_619, %get3A_620] {strides = array<i32>} : memref<4x4096xf32, #tpu.memory_space<vmem>>, vector<1x16xf32>,
        %get3A_622 = vector.shape_cast %get3A_621 : vector<1x16xf32> to vector<16xf32>
        %mul3A_623 = arith.constant -1.000000e+00 : f32
        %mul3A_624 = vector.broadcast %mul3A_623 : f32 to vector<16xf32>
        %mul3A_625 = arith.mulf %mul3A_624, %get3A_622 : vector<16xf32>
        %sub3A_626 = arith.subf %sub3A_598, %mul3A_625 : vector<16xf32>
        %add3A_627 = arith.constant 4096 : i32
        %add3A_628 = arith.addi %add3A_627, %mul3A_120 : i32
        %get3A_629 = arith.constant 3 : i32
        %get3A_630 = arith.index_cast %get3A_629 : i32 to index
        %get3A_631 = arith.index_cast %add3A_628 : i32 to index
        %get3A_632 = tpu.vector_load %arg7[%get3A_630, %get3A_631] {strides = array<i32>} : memref<4x4352xf32, #tpu.memory_space<vmem>>, vector<1x16xf32>,
        %get3A_633 = vector.shape_cast %get3A_632 : vector<1x16xf32> to vector<16xf32>
        %mul3A_634 = arith.mulf %get3A_2, %sub3A_626 : vector<16xf32>
        %add3A_635 = arith.addf %get3A_633, %mul3A_634 : vector<16xf32>
        %add3A_636 = arith.constant 4096 : i32
        %add3A_637 = arith.addi %add3A_636, %mul3A_120 : i32
        %swap3A_638 = arith.constant 3 : i32
        %swap3A_639 = arith.index_cast %swap3A_638 : i32 to index
        %swap3A_640 = arith.index_cast %add3A_637 : i32 to index
        %swap3A_641 = tpu.vector_load %arg10[%swap3A_639, %swap3A_640] {strides = array<i32>} : memref<4x4352xf32, #tpu.memory_space<vmem>>, vector<1x16xf32>,
        %swap3A_642 = vector.shape_cast %swap3A_641 : vector<1x16xf32> to vector<16xf32>
        %swap3A_643 = vector.shape_cast %add3A_635 : vector<16xf32> to vector<1x16xf32>
        tpu.vector_store %arg10[%swap3A_639, %swap3A_640], %swap3A_643 {strides = array<i32>} : memref<4x4352xf32, #tpu.memory_space<vmem>>, vector<1x16xf32>,
      }
      %scan3A_117 = arith.constant 16 : i32
      "tpu.region"() ({
        %run_scoped3A = tpu.sem_alloc : memref<!tpu.dma_semaphore, #tpu.memory_space<semaphore_mem>>
        %dma_start3A = arith.constant 0 : i32
        %dma_start3A_118 = tpu.memref_slice %arg6[%add3A_13, %dma_start3A] : memref<4096x4352xf32, #tpu.memory_space<hbm>> -> memref<4x4352xf32, #tpu.memory_space<hbm>>
        %dma_start3A_119 = arith.constant 0 : i32
        %dma_start3A_120 = tpu.memref_slice %arg6[%add3A_13, %dma_start3A_119] : memref<4096x4352xf32, #tpu.memory_space<hbm>> -> memref<4x4352xf32, #tpu.memory_space<hbm>>
        tpu.enqueue_dma source(%arg10 : memref<4x4352xf32, #tpu.memory_space<vmem>>) target(%dma_start3A_120 : memref<4x4352xf32, #tpu.memory_space<hbm>>) target_semaphore(%run_scoped3A : memref<!tpu.dma_semaphore, #tpu.memory_space<semaphore_mem>>)
        %dma_wait3A = arith.constant 0 : i32
        %dma_wait3A_121 = tpu.memref_slice %arg6[%add3A_13, %dma_wait3A] : memref<4096x4352xf32, #tpu.memory_space<hbm>> -> memref<4x4352xf32, #tpu.memory_space<hbm>>
        %dma_wait3A_122 = arith.constant 0 : i32
        %dma_wait3A_123 = tpu.memref_slice %arg6[%add3A_13, %dma_wait3A_122] : memref<4096x4352xf32, #tpu.memory_space<hbm>> -> memref<4x4352xf32, #tpu.memory_space<hbm>>
        tpu.wait_dma2 semaphore(%run_scoped3A : memref<!tpu.dma_semaphore, #tpu.memory_space<semaphore_mem>>) src(%arg10 : memref<4x4352xf32, #tpu.memory_space<vmem>>) dst(%dma_wait3A_123 : memref<4x4352xf32, #tpu.memory_space<hbm>>)
        tpu.yield
      }) : () -> ()
    }
    %scan3A_7 = arith.constant 32 : i32
    return
  }
}

module attributes {stable_mosaic.version = 14 : i64} {
  func.func @_wts_body(%arg0: i32, %arg1: memref<256x2312xf32, #tpu.memory_space<vmem>>, %arg2: memref<256x64xf32, #tpu.memory_space<vmem>>) attributes {dimension_semantics = [#tpu.dimension_semantics<arbitrary>], iteration_bounds = array<i64: 16>, scalar_prefetch = 0 : i64, scratch_operands = 0 : i64, tpu.core_type = #tpu.core_type<tc>, window_params = [{transform_indices = @transform_0, window_bounds = array<i64: 256, 2312>}, {transform_indices = @transform_1, window_bounds = array<i64: 256, 64>}]} {
    %get3A = arith.constant 0 : index
    %get3A_0 = arith.constant 0 : index
    %get3A_1 = vector.load %arg1[%get3A, %get3A_0] : memref<256x2312xf32, #tpu.memory_space<vmem>>, vector<256x2312xf32>
    %reshape3A = vector.shape_cast %get3A_1 : vector<256x2312xf32> to vector<256x8x17x17xf32>
    %reduce_sum3A = arith.constant dense<0.000000e+00> : vector<256x17xf32>
    %reduce_sum3A_2 = vector.multi_reduction <add>, %reshape3A, %reduce_sum3A [1, 3] : vector<256x8x17x17xf32> to vector<256x17xf32>
    %iota3A = tpu.iota {dimensions = array<i32: 1>} : vector<256x17xi32>
    %reduce_max3A = arith.constant dense<0xFF800000> : vector<256xf32>
    %reduce_max3A_3 = vector.multi_reduction <maximumf>, %reduce_sum3A_2, %reduce_max3A [1] : vector<256x17xf32> to vector<256xf32>
    %broadcast_in_dim3A = vector.shape_cast %reduce_max3A_3 : vector<256xf32> to vector<256x1xf32>
    %eq3A = vector.broadcast %broadcast_in_dim3A : vector<256x1xf32> to vector<256x17xf32>
    %eq3A_4 = arith.cmpf oeq, %reduce_sum3A_2, %eq3A : vector<256x17xf32>
    %jit3A = arith.constant 17 : i32
    %broadcast_in_dim3A_5 = vector.broadcast %jit3A : i32 to vector<256x17xi32>
    %select_n3A = arith.select %eq3A_4, %iota3A, %broadcast_in_dim3A_5 : vector<256x17xi1>, vector<256x17xi32>
    %reduce_min3A = arith.constant dense<2147483647> : vector<256xi32>
    %reduce_min3A_6 = vector.multi_reduction <minsi>, %select_n3A, %reduce_min3A [1] : vector<256x17xi32> to vector<256xi32>
    %broadcast_in_dim3A_7 = vector.shape_cast %reduce_min3A_6 : vector<256xi32> to vector<256x1xi32>
    %eq3A_8 = vector.broadcast %broadcast_in_dim3A_7 : vector<256x1xi32> to vector<256x17xi32>
    %eq3A_9 = arith.cmpi eq, %iota3A, %eq3A_8 : vector<256x17xi32>
    %jit3A_10 = arith.constant 0xFF800000 : f32
    %broadcast_in_dim3A_11 = vector.broadcast %jit3A_10 : f32 to vector<256x17xf32>
    %select_n3A_12 = arith.select %eq3A_9, %broadcast_in_dim3A_11, %reduce_sum3A_2 : vector<256x17xi1>, vector<256x17xf32>
    %reduce_max3A_13 = arith.constant dense<0xFF800000> : vector<256xf32>
    %reduce_max3A_14 = vector.multi_reduction <maximumf>, %select_n3A_12, %reduce_max3A_13 [1] : vector<256x17xf32> to vector<256xf32>
    %broadcast_in_dim3A_15 = vector.shape_cast %reduce_max3A_14 : vector<256xf32> to vector<256x1xf32>
    %eq3A_16 = vector.broadcast %broadcast_in_dim3A_15 : vector<256x1xf32> to vector<256x17xf32>
    %eq3A_17 = arith.cmpf oeq, %select_n3A_12, %eq3A_16 : vector<256x17xf32>
    %jit3A_18 = arith.constant 17 : i32
    %broadcast_in_dim3A_19 = vector.broadcast %jit3A_18 : i32 to vector<256x17xi32>
    %select_n3A_20 = arith.select %eq3A_17, %iota3A, %broadcast_in_dim3A_19 : vector<256x17xi1>, vector<256x17xi32>
    %reduce_min3A_21 = arith.constant dense<2147483647> : vector<256xi32>
    %reduce_min3A_22 = vector.multi_reduction <minsi>, %select_n3A_20, %reduce_min3A_21 [1] : vector<256x17xi32> to vector<256xi32>
    %broadcast_in_dim3A_23 = vector.shape_cast %reduce_min3A_22 : vector<256xi32> to vector<256x1xi32>
    %eq3A_24 = arith.constant 0 : i32
    %eq3A_25 = vector.broadcast %eq3A_24 : i32 to vector<256x1xi32>
    %eq3A_26 = arith.cmpi eq, %broadcast_in_dim3A_7, %eq3A_25 : vector<256x1xi32>
    %convert_element_type3A = arith.extui %eq3A_26 : vector<256x1xi1> to vector<256x1xi32>
    %convert_element_type3A_27 = arith.sitofp %convert_element_type3A : vector<256x1xi32> to vector<256x1xf32>
    %ge3A = arith.constant 1 : i32
    %ge3A_28 = vector.broadcast %ge3A : i32 to vector<256x1xi32>
    %ge3A_29 = arith.cmpi sge, %broadcast_in_dim3A_7, %ge3A_28 : vector<256x1xi32>
    %le3A = arith.constant 3 : i32
    %le3A_30 = vector.broadcast %le3A : i32 to vector<256x1xi32>
    %le3A_31 = arith.cmpi sle, %broadcast_in_dim3A_7, %le3A_30 : vector<256x1xi32>
    %and3A = arith.andi %ge3A_29, %le3A_31 : vector<256x1xi1>
    %convert_element_type3A_32 = arith.extui %and3A : vector<256x1xi1> to vector<256x1xi32>
    %convert_element_type3A_33 = arith.sitofp %convert_element_type3A_32 : vector<256x1xi32> to vector<256x1xf32>
    %ge3A_34 = arith.constant 4 : i32
    %ge3A_35 = vector.broadcast %ge3A_34 : i32 to vector<256x1xi32>
    %ge3A_36 = arith.cmpi sge, %broadcast_in_dim3A_7, %ge3A_35 : vector<256x1xi32>
    %le3A_37 = arith.constant 6 : i32
    %le3A_38 = vector.broadcast %le3A_37 : i32 to vector<256x1xi32>
    %le3A_39 = arith.cmpi sle, %broadcast_in_dim3A_7, %le3A_38 : vector<256x1xi32>
    %and3A_40 = arith.andi %ge3A_36, %le3A_39 : vector<256x1xi1>
    %convert_element_type3A_41 = arith.extui %and3A_40 : vector<256x1xi1> to vector<256x1xi32>
    %convert_element_type3A_42 = arith.sitofp %convert_element_type3A_41 : vector<256x1xi32> to vector<256x1xf32>
    %ge3A_43 = arith.constant 7 : i32
    %ge3A_44 = vector.broadcast %ge3A_43 : i32 to vector<256x1xi32>
    %ge3A_45 = arith.cmpi sge, %broadcast_in_dim3A_7, %ge3A_44 : vector<256x1xi32>
    %convert_element_type3A_46 = arith.extui %ge3A_45 : vector<256x1xi1> to vector<256x1xi32>
    %convert_element_type3A_47 = arith.sitofp %convert_element_type3A_46 : vector<256x1xi32> to vector<256x1xf32>
    %eq3A_48 = arith.constant 0 : i32
    %eq3A_49 = vector.broadcast %eq3A_48 : i32 to vector<256x1xi32>
    %eq3A_50 = arith.cmpi eq, %broadcast_in_dim3A_23, %eq3A_49 : vector<256x1xi32>
    %convert_element_type3A_51 = arith.extui %eq3A_50 : vector<256x1xi1> to vector<256x1xi32>
    %convert_element_type3A_52 = arith.sitofp %convert_element_type3A_51 : vector<256x1xi32> to vector<256x1xf32>
    %ge3A_53 = arith.constant 1 : i32
    %ge3A_54 = vector.broadcast %ge3A_53 : i32 to vector<256x1xi32>
    %ge3A_55 = arith.cmpi sge, %broadcast_in_dim3A_23, %ge3A_54 : vector<256x1xi32>
    %le3A_56 = arith.constant 3 : i32
    %le3A_57 = vector.broadcast %le3A_56 : i32 to vector<256x1xi32>
    %le3A_58 = arith.cmpi sle, %broadcast_in_dim3A_23, %le3A_57 : vector<256x1xi32>
    %and3A_59 = arith.andi %ge3A_55, %le3A_58 : vector<256x1xi1>
    %convert_element_type3A_60 = arith.extui %and3A_59 : vector<256x1xi1> to vector<256x1xi32>
    %convert_element_type3A_61 = arith.sitofp %convert_element_type3A_60 : vector<256x1xi32> to vector<256x1xf32>
    %ge3A_62 = arith.constant 4 : i32
    %ge3A_63 = vector.broadcast %ge3A_62 : i32 to vector<256x1xi32>
    %ge3A_64 = arith.cmpi sge, %broadcast_in_dim3A_23, %ge3A_63 : vector<256x1xi32>
    %le3A_65 = arith.constant 6 : i32
    %le3A_66 = vector.broadcast %le3A_65 : i32 to vector<256x1xi32>
    %le3A_67 = arith.cmpi sle, %broadcast_in_dim3A_23, %le3A_66 : vector<256x1xi32>
    %and3A_68 = arith.andi %ge3A_64, %le3A_67 : vector<256x1xi1>
    %convert_element_type3A_69 = arith.extui %and3A_68 : vector<256x1xi1> to vector<256x1xi32>
    %convert_element_type3A_70 = arith.sitofp %convert_element_type3A_69 : vector<256x1xi32> to vector<256x1xf32>
    %ge3A_71 = arith.constant 7 : i32
    %ge3A_72 = vector.broadcast %ge3A_71 : i32 to vector<256x1xi32>
    %ge3A_73 = arith.cmpi sge, %broadcast_in_dim3A_23, %ge3A_72 : vector<256x1xi32>
    %convert_element_type3A_74 = arith.extui %ge3A_73 : vector<256x1xi1> to vector<256x1xi32>
    %convert_element_type3A_75 = arith.sitofp %convert_element_type3A_74 : vector<256x1xi32> to vector<256x1xf32>
    %add3A = arith.addf %convert_element_type3A_27, %convert_element_type3A_52 : vector<256x1xf32>
    %broadcast_in_dim3A_76 = vector.shape_cast %add3A : vector<256x1xf32> to vector<256x1xf32>
    %broadcast_in_dim3A_77 = vector.broadcast %broadcast_in_dim3A_76 : vector<256x1xf32> to vector<256x16xf32>
    %swap3A = arith.constant 0 : index
    %swap3A_78 = arith.constant 0 : index
    %swap3A_79 = vector.load %arg2[%swap3A, %swap3A_78] : memref<256x64xf32, #tpu.memory_space<vmem>>, vector<256x16xf32>
    tpu.vector_store %arg2[%swap3A, %swap3A_78], %broadcast_in_dim3A_77 {strides = array<i32>} : memref<256x64xf32, #tpu.memory_space<vmem>>, vector<256x16xf32>,
    %add3A_80 = arith.addf %convert_element_type3A_33, %convert_element_type3A_61 : vector<256x1xf32>
    %broadcast_in_dim3A_81 = vector.shape_cast %add3A_80 : vector<256x1xf32> to vector<256x1xf32>
    %broadcast_in_dim3A_82 = vector.broadcast %broadcast_in_dim3A_81 : vector<256x1xf32> to vector<256x16xf32>
    %swap3A_83 = arith.constant 0 : index
    %swap3A_84 = arith.constant 16 : index
    %swap3A_85 = vector.load %arg2[%swap3A_83, %swap3A_84] : memref<256x64xf32, #tpu.memory_space<vmem>>, vector<256x16xf32>
    tpu.vector_store %arg2[%swap3A_83, %swap3A_84], %broadcast_in_dim3A_82 {strides = array<i32>} : memref<256x64xf32, #tpu.memory_space<vmem>>, vector<256x16xf32>,
    %add3A_86 = arith.addf %convert_element_type3A_42, %convert_element_type3A_70 : vector<256x1xf32>
    %broadcast_in_dim3A_87 = vector.shape_cast %add3A_86 : vector<256x1xf32> to vector<256x1xf32>
    %broadcast_in_dim3A_88 = vector.broadcast %broadcast_in_dim3A_87 : vector<256x1xf32> to vector<256x16xf32>
    %swap3A_89 = arith.constant 0 : index
    %swap3A_90 = arith.constant 32 : index
    %swap3A_91 = vector.load %arg2[%swap3A_89, %swap3A_90] : memref<256x64xf32, #tpu.memory_space<vmem>>, vector<256x16xf32>
    tpu.vector_store %arg2[%swap3A_89, %swap3A_90], %broadcast_in_dim3A_88 {strides = array<i32>} : memref<256x64xf32, #tpu.memory_space<vmem>>, vector<256x16xf32>,
    %add3A_92 = arith.addf %convert_element_type3A_47, %convert_element_type3A_75 : vector<256x1xf32>
    %broadcast_in_dim3A_93 = vector.shape_cast %add3A_92 : vector<256x1xf32> to vector<256x1xf32>
    %broadcast_in_dim3A_94 = vector.broadcast %broadcast_in_dim3A_93 : vector<256x1xf32> to vector<256x16xf32>
    %swap3A_95 = arith.constant 0 : index
    %swap3A_96 = arith.constant 48 : index
    %swap3A_97 = vector.load %arg2[%swap3A_95, %swap3A_96] : memref<256x64xf32, #tpu.memory_space<vmem>>, vector<256x16xf32>
    tpu.vector_store %arg2[%swap3A_95, %swap3A_96], %broadcast_in_dim3A_94 {strides = array<i32>} : memref<256x64xf32, #tpu.memory_space<vmem>>, vector<256x16xf32>,
    return
  }
  func.func @transform_0(%arg0: i32) -> (i32, i32) {
    %c0_i32 = arith.constant 0 : i32
    %c0_i32_0 = arith.constant 0 : i32
    return %arg0, %c0_i32 : i32, i32
  }
  func.func @transform_1(%arg0: i32) -> (i32, i32) {
    %c0_i32 = arith.constant 0 : i32
    %c0_i32_0 = arith.constant 0 : i32
    return %arg0, %c0_i32 : i32, i32
  }
}

</mosaic_0001>

<sc_bundles>
// kernel: kernel.4.cloned.1.call-start
scs
__scs_entry_jumppad:
0x0: {  	(pc) =	sbr.rel $0x88, $3  }
0x1: {  	(tag) =	ssettag $0x0;
	lr =	simm.s32 $0x1  }
0x2: {  	[smem:$0x3F9D] =	sst lr;
	_ =	strace $0xD0000000  }
0x3: {  	_ = 	snop  }
0x4: {  	_ = 	snop  }
0x5: {  	_ = 	snop  }
0x6: {  	_ = 	snop  }
0x7: {  	_ = 	snop  }
__scs_overlays_trampoline_lowered:
0x8: {  	[smem:$0x3FAC] =	sst s0  }
0x9: {  	[smem:$0x3FAD] =	sst s1  }
0xa: {  	[smem:$0x3FAE] =	sst s2  }
0xb: {  	[smem:$0x3FAF] =	sst s3  }
0xc: {  	[smem:$0x3FB0] =	sst s4  }
0xd: {  	[smem:$0x3FB1] =	sst s5  }
0xe: {  	[smem:$0x3FB2] =	sst s6  }
0xf: {  	[smem:$0x3FB3] =	sst s7  }
0x10: {  	[smem:$0x3FB4] =	sst s8  }
0x11: {  	[smem:$0x3FB5] =	sst s9;
	s0 =	simm.s32 @!p0 $0x0  }
0x12: {  	s1 =	sld [smem:$0x3F9B];
	s0 =	simm.s32 @p0 $0x1  }
0x13: {  	[smem:$0x3FB6] =	sst s0;
	s0 =	simm.s32 @!p1 $0x0  }
0x14: {  	s2 =	sld [smem:$0x3F9A];
	s0 =	simm.s32 @p1 $0x1  }
0x15: {  	[smem:$0x3FB7] =	sst s0;
	s0 =	simm.s32 @!p2 $0x0  }
0x16: {  	s3 =	sld [smem:$0x3FDB];
	s0 =	simm.s32 @p2 $0x1  }
0x17: {  	s4 =	simm.s32 $0x1BF5;
	[smem:$0x3FB9] =	sst s0  }
0x18: {  	s0 =	sld [smem:$0x3F9C];
	_ =	swait.ge [sflag:s4], $0x0  }
0x19: {  	s7 =	sld [smem:$0x3F9D]  }
0x1a: {  	s8 =	sadd.s32 $0xFFFFE003, lr  }
0x1b: {  	s9 =	sadd.s32 $0xFFFFFEF7, lr;
	s5 =	simm.s32 $0xFFFFFFFF;
	p2 =	slt.u32 s8, $0xFFFFF086  }
0x1c: {  	p1 =	slt.u32 s9, $0xF7A;
	s5 =	simm.s32 @!p2 $0x0  }
0x1d: {  	s5 =	simm.s32 @p1 $0x1;
	p0 =	seq.s32 s7, s2  }
0x1e: {  	s7 =	smul.u32 @!p0 $0xF7A, s2;
	p2 =	seq.s32 @!p0 s5, $0x0  }
0x1f: {  	s9 =	smul.u32 $0xF7A, s1;
	s8 =	simm.s32 @!p0 $0x1BF5;
	p2 =	por !p2, p0  }
0x20: {  	[sflag:s8] =	ssyncset.s32 @!p0 $0xFFFFF086;
	s6 =	sadd.s32 @!p0 s3, s7;
	s7 =	simm.s32 @!p0 $0x108  }
0x21: {  	s3 =	sadd.s32 s3, s9;
	s6 =	sadd.s32 @!p0 $0x88, s6;
	s7 =	simm.s32 @p2 $0x1082  }
0x22: {  	[simem:s7], [sflag:s8] =	dma.local @!p0 [hbm:s6], $0xF7A  }
0x23: {  	s9 =	sor.u32 $0xD0000000, s2;
	s6 =	simm.s32 $0x108;
	_ =	swait.ge @!p0 [sflag:s8], $0x0  }
0x24: {  	s3 =	sadd.s32 $0x88, s3;
	s6 =	simm.s32 @!p1 $0x1082;
	[sflag:s4] =	ssyncset.s32 $0xFFFFF086  }
0x25: {  	[simem:s6], [sflag:s4] =	dma.local [hbm:s3], $0xF7A  }
0x26: {  	[smem:$0x3F9D] =	sst s1;
	(tag) =	ssettag s2;
	_ =	strace s9  }
0x27: {  	s1 =	sld [smem:$0x3FAD]  }
0x28: {  	s2 =	sld [smem:$0x3FAE]  }
0x29: {  	s4 =	sld [smem:$0x3FB0]  }
0x2a: {  	p0 =	seq.s32 s5, $0x0;
	s5 =	sld [smem:$0x3FB1]  }
0x2b: {  	s6 =	sld [smem:$0x3FB2]  }
0x2c: {  	s7 =	sld [smem:$0x3FB3]  }
0x2d: {  	s3 =	simm.s32 $0x108;
	s8 =	sld [smem:$0x3FB4]  }
0x2e: {  	s3 =	simm.s32 @!p0 $0x1082;
	s9 =	sld [smem:$0x3FB5]  }
0x2f: {  	lr =	sadd.s32 s0, s3;
	s0 =	sld [smem:$0x3FAC]  }
0x30: {  	s3 =	sld [smem:$0x3FAF]  }
0x31: {  	[smem:$0x3FB8] =	sst s10  }
0x32: {  	s10 =	sld [smem:$0x3FB6];
	_ =	sdelay $0x3  }
0x33: {  	p0 =	seq.s32 s10, $0x1;
	s10 =	sld [smem:$0x3FB8];
	_ =	sdelay $0x3  }
0x34: {  	[smem:$0x3FB8] =	sst s10  }
0x35: {  	s10 =	sld [smem:$0x3FB7];
	_ =	sdelay $0x3  }
0x36: {  	p1 =	seq.s32 s10, $0x1;
	s10 =	sld [smem:$0x3FB8];
	_ =	sdelay $0x3  }
0x37: {  	[smem:$0x3FB8] =	sst s10  }
0x38: {  	s10 =	sld [smem:$0x3FB9]  }
0x39: {  	_ = 	snop;
	(pc) =	sbr.ind lr, $3  }
0x3a: {  	_ = 	snop  }
0x3b: {  	_ = 	snop  }
0x3c: {  	p2 =	seq.s32 s10, $0x1;
	s10 =	sld [smem:$0x3FB8]  }
0x3d: {  	_ =	shalt  }
0x3e: {  	_ =	shalt  }
0x3f: {  	_ =	shalt  }
0x40: {  	_ =	shalt  }
0x41: {  	_ =	shalt  }
0x42: {  	_ =	shalt  }
0x43: {  	_ =	shalt  }
0x44: {  	_ =	shalt  }
0x45: {  	_ =	shalt  }
0x46: {  	_ =	shalt  }
0x47: {  	_ =	shalt  }
0x48: {  	_ =	shalt  }
0x49: {  	_ =	shalt  }
0x4a: {  	_ =	shalt  }
0x4b: {  	_ =	shalt  }
0x4c: {  	_ =	shalt  }
0x4d: {  	_ =	shalt  }
0x4e: {  	_ =	shalt  }
0x4f: {  	_ =	shalt  }
0x50: {  	_ =	shalt  }
0x51: {  	_ =	shalt  }
0x52: {  	_ =	shalt  }
0x53: {  	_ =	shalt  }
0x54: {  	_ =	shalt  }
0x55: {  	_ =	shalt  }
0x56: {  	_ =	shalt  }
0x57: {  	_ =	shalt  }
0x58: {  	_ =	shalt  }
0x59: {  	_ =	shalt  }
0x5a: {  	_ =	shalt  }
0x5b: {  	_ =	shalt  }
0x5c: {  	_ =	shalt  }
0x5d: {  	_ =	shalt  }
0x5e: {  	_ =	shalt  }
0x5f: {  	_ =	shalt  }
0x60: {  	_ =	shalt  }
0x61: {  	_ =	shalt  }
0x62: {  	_ =	shalt  }
0x63: {  	_ =	shalt  }
0x64: {  	_ =	shalt  }
0x65: {  	_ =	shalt  }
0x66: {  	_ =	shalt  }
0x67: {  	_ =	shalt  }
0x68: {  	_ =	shalt  }
0x69: {  	_ =	shalt  }
0x6a: {  	_ =	shalt  }
0x6b: {  	_ =	shalt  }
0x6c: {  	_ =	shalt  }
0x6d: {  	_ =	shalt  }
0x6e: {  	_ =	shalt  }
0x6f: {  	_ =	shalt  }
0x70: {  	_ =	shalt  }
0x71: {  	_ =	shalt  }
0x72: {  	_ =	shalt  }
0x73: {  	_ =	shalt  }
0x74: {  	_ =	shalt  }
0x75: {  	_ =	shalt  }
0x76: {  	_ =	shalt  }
0x77: {  	_ =	shalt  }
0x78: {  	_ =	shalt  }
0x79: {  	_ =	shalt  }
0x7a: {  	_ =	shalt  }
0x7b: {  	_ =	shalt  }
0x7c: {  	_ =	shalt  }
0x7d: {  	_ =	shalt  }
0x7e: {  	_ =	shalt  }
0x7f: {  	_ =	shalt  }
0x80: {  	_ =	shalt  }
0x81: {  	_ =	shalt  }
0x82: {  	_ =	shalt  }
0x83: {  	_ =	shalt  }
0x84: {  	_ =	shalt  }
0x85: {  	_ =	shalt  }
0x86: {  	_ =	shalt  }
0x87: {  	_ =	shalt  }
.Lfunc_end0:
.L_simem_size_0:
called_computation.2_lowered:
.L_overlay_start_0:
0x88: {  	s2 =	sld [smem:$0x3FD9]  }
0x89: {  	s3 =	sld [smem:$0x3FFE];
	_ =	sdelay $0x1  }
0x8a: {  	s1 =	srdreg.scid  }
0x8b: {  	s0 =	sand.u32 $0x1, s1  }
0x8c: {  	s17 =	sshll.u32 s0, $0xA;
	s2 =	sadd.s32 s3, s2  }
0x8d: {  	s2 =	sadd.s32 s2, s17  }
0x8e: {  	[smem:$0x3FC4] =	sst s2  }
0x8f: {  	_ = 	snop  }
0x90: {  	s2 =	sld [smem:$0x3FD0];
	(tm) =	ssettm $0x1  }
0x91: {  	s18 =	sld [smem:$0x3FFB];
	_ =	sdelay $0x3  }
0x92: {  	_ =	strace s18  }
0x93: {  	s3 =	sld [smem:$0x3FFC];
	_ =	sdelay $0x3  }
0x94: {  	_ =	strace s3  }
0x95: {  	s3 =	sld [smem:$0x3FFD];
	_ =	sdelay $0x3  }
0x96: {  	_ =	strace s3  }
0x97: {  	_ =	strace $0x8FFFFFFF  }
0x98: {  	s19 =	sld [smem:$0x3FDB];
	_ =	sdelay $0x1  }
0x99: {  	s4 =	simm.s32 $_scs_section_size  }
0x9a: {  	s5 =	simm.s32 $_size__tile_overlayer_lowered;
	s6 =	simm.s32 $_tile_overlayer_lowered  }
0x9b: {  	s22 =	simm.s32 $0x1BFF;
	s21 =	sshll.u32 s6, $0x1;
	s3 =	sadd.s32 s4, s19  }
0x9c: {  	s7 =	simm.s32 $0x0;
	s20 =	sshll.u32 s5, $0x1;
	s5 =	sadd.s32 s21, s3  }
0x9d: {  	[timem:s7], [sflag:s22] =	dma.local [hbm:s5], s20  }
0x9e: {  	_ =	swait.ge [sflag:s22], s20  }
0x9f: {  	s4 =	ssub.s32 $0x0, s20;
	[sflag:s22] =	ssyncset.done $0x0  }
0xa0: {  	[sflag:s22] =	ssyncadd.s32 s4;
	_ =	sdelay $0x1  }
0xa1: {  	s23 =	simm.s32 $0x1B8B  }
0xa2: {  	_ =	swait.ge [sflag:s23], $0x1  }
0xa3: {  	[sflag:s23] =	ssyncset.done $0x0  }
0xa4: {  	s25 =	simm.s32 $0x1B8E;
	s24 =	sld [smem:$0x3FFE];
	[sflag:s23] =	ssyncadd.s32 $0xFFFFFFFF  }
0xa5: {  	s26 =	simm.s32 $execute0_lowered;
	[smem:$0x3FD2] =	sst s25  }
0xa6: {  	s5 =	sshll.u32 s26, $0x1;
	_ =	strace $0x80000049;
	[dreg:$0x1] =	wrdreg $0xFFFFFFFF  }
0xa7: {  	s28 =	simm.s32 $_size_execute0_lowered;
	s3 =	sadd.s32 s3, s5;
	[dreg:$0x0] =	wrdreg $0x0  }
0xa8: {  	s5 =	sshll.u32 s28, $0x1;
	[dreg:$0x2] =	wrdreg s3  }
0xa9: {  	[dreg:$0x3] =	wrdreg s5  }
0xaa: {  	[dreg:$0x4] =	wrdreg $0xC0  }
0xab: {  	_ =	task [dreg:s7], $0x5FFFF  }
0xac: {  	[dreg:$0x1] =	wrdreg $0xFFFFFFFF  }
0xad: {  	[dreg:$0x0] =	wrdreg $0x60  }
0xae: {  	[dreg:$0x2] =	wrdreg s24  }
0xaf: {  	[dreg:$0x3] =	wrdreg s2  }
0xb0: {  	[dreg:$0x4] =	wrdreg $0x9  }
0xb1: {  	_ =	task.clear_ibuf [dreg:s7], $0x5FFFF;
	_ =	strace $0x90000049  }
0xb2: {  	s29 =	simm.s32 $0x9;
	_ =	strace $0x8000004B  }
0xb3: {  	_ =	swait.ge [sflag:s29], $0x1  }
0xb4: {  	[sflag:s29] =	ssyncadd.s32 $0xFFFFFFFF  }
0xb5: {  	_ =	strace $0x9000004B  }
0xb6: {  	_ =	sfence  }
0xb7: {  	s30 =	sld [smem:$0x0];
	_ =	sdelay $0x2  }
0xb8: {  	s31 =	sshll.u32 s1, $0xD;
	s1 =	sshrl.u32 s1, $0x2  }
0xb9: {  	s3 =	sand.u32 $0x4000, s31;
	s1 =	sadd.s32 s1, s30  }
0xba: {  	s0 =	sor.u32 s3, s0;
	s1 =	sshll.u32 s1, $0x11  }
0xbb: {  	s0 =	sor.u32 s1, s0  }
0xbc: {  	s0 =	sadd.s32 $0x8F2B, s0  }
0xbd: {  	[sflag:s0] =	ssyncadd.remote.s32 $0x1  }
0xbe: {  	_ =	sfence.sel $0xFFFF  }
0xbf: {  	[dreg:$0x0] =	wrdreg $0xFFFFFFFF;
	(pc) =	sbr.abs _section_cstart, $3  }
0xc0: {  	[dreg:$0x1] =	wrdreg $0xFFFFFFFF  }
0xc1: {  	_ =	task.clear_ibuf [dreg:s7], $0x2FFFF;
	_ =	strace $0x9FFFFFFF  }
0xc2: {  	(tm) =	ssettm $0x7FFFFFFF  }
0xc3: {  	_ =	shalt  }
tec
execute0_lowered:
.L_overlay_start_1:
0x0: {  	(tag) =	ssettag $0x1  }
0x1: {  	s7 =	rddreg [dreg:$0x0]  }
0x2: {  	s1 =	rddreg [dreg:$0x1]  }
0x3: {  	s0 =	rddreg [dreg:$0x2];
	s2 =	simm.s32 $0x0  }
0x4: {  	s3 =	srdreg.scid;
	s12 =	simm.s32 $0x200;
	s13 =	simm.s32 $0x400  }
0x5: {  	s14 =	simm.s32 $0x4400;
	s15 =	simm.s32 $0x8400;
	s16 =	simm.s32 $0x8600  }
0x6: {  	s17 =	simm.s32 $0x0;
	[smem:$0x7FF] =	sst s2;
	s4 =	sadd.s32 $0x211000, s7  }
0x7: {  	s5 =	sadd.s32 $0xE00, s7;
	s8 =	sand.u32 $0x1, s3;
	s6 =	sadd.s32 $0x201000, s7  }
0x8: {  	s3 =	stileid.u32;
	s7 =	sadd.s32 $0x431000, s7;
	s9 =	ssub.s32 $0x2, s8  }
0x9: {  	s11 =	sshll.u32 s3, $0x8;
	s8 =	sshll.u32 s8, $0x7;
	s10 =	sshrl.u32 s9, $0x1  }
0xa: {  	_ =	strace $0x8000004A;
	s8 =	sor.u32 s8, s11;
	s9 =	ssub.s32 s9, s10  }
0xb: {  	s11 =	simm.s32 $0x1;
	s10 =	simm.s32 $0xCA00;
	s9 =	smax.u32 s9, $0x1  }
.LBB2_1:
0xc: {  	[tilespmem:s10], [sflag:$0x1] =	stream.linear.gather [hbm4b:s7+s2], $0x80, $0x38;
	[tilespmem:$0xCA80] =	vst v63  }
0xd: {  	_ =	swait.ge [sflag:s11], $0x80  }
0xe: {  	[sflag:s11] =	ssyncset.done $0x0  }
0xf: {  	[sflag:s11] =	ssyncadd.s32 $0xFFFFFF80  }
0x10: {  	s18 =	simm.s32 $0x0;
	v0 =	vld [tilespmem:$0xCA00]  }
.LBB2_2:
0x11: {  	s19 =	sshll.u32 s18, $0x2  }
0x12: {  	s19 =	sadd.s32 s8, s19  }
0x13: {  	s20 =	sshrl.u32 s19, $0x3  }
0x14: {  	s24 =	sshll.u32 s18, $0x9;
	s21 =	smul.u32 $0x8800, s20  }
0x15: {  	s22 =	sand.u32 $0x200, s24  }
0x16: {  	s19 =	sor.u32 s22, s21  }
0x17: {  	s19 =	sshrl.u32 s19, $0x3  }
0x18: {  	s23 =	simm.s32 $0x0;
	s26 =	sshll.u32 s20, $0xF;
	s25 =	sadd.s32 s4, s19  }
0x19: {  	[tilespmem:s23], [sflag:$0x1] =	stream.strided.gather [hbm4b:s25+s12], $0x4400, s13, s12, $0x38;
	[tilespmem:$0xCA80] =	vst v63  }
0x1a: {  	s21 =	sor.u32 s22, s26;
	_ =	swait.ge [sflag:s11], $0x4400  }
0x1b: {  	s21 =	sshrl.u32 s21, $0x3;
	[sflag:s11] =	ssyncset.done $0x0  }
0x1c: {  	s20 =	sshll.u32 s20, $0xA;
	s21 =	sadd.s32 s5, s21;
	[sflag:s11] =	ssyncadd.s32 $0xFFFFBC00  }
0x1d: {  	[tilespmem:s14], [sflag:$0x1] =	stream.strided.gather [hbm4b:s21+s12], $0x4000, s13, s12, $0x38;
	[tilespmem:$0xCA80] =	vst v63  }
0x1e: {  	s20 =	sor.u32 s22, s20;
	_ =	swait.ge [sflag:s11], $0x4000  }
0x1f: {  	s20 =	sshrl.u32 s20, $0x3;
	[sflag:s11] =	ssyncset.done $0x0  }
0x20: {  	s20 =	sadd.s32 s6, s20;
	[sflag:s11] =	ssyncadd.s32 $0xFFFFC000  }
0x21: {  	[tilespmem:s15], [sflag:$0x1] =	stream.linear.gather [hbm4b:s20+s23], $0x200, $0x38;
	[tilespmem:$0xCA80] =	vst v63  }
0x22: {  	_ =	swait.ge [sflag:s11], $0x200  }
0x23: {  	[sflag:s11] =	ssyncset.done $0x0  }
0x24: {  	[sflag:s11] =	ssyncadd.s32 $0xFFFFFE00  }
0x25: {  	v3 =	vld [tilespmem:$0x8400]  }
0x26: {  	s28 =	sand.u32 $0x70, s23;
	s29 =	sand.u32 $0x200, s23;
	v4 =	vld [tilespmem:$0x8410]  }
0x27: {  	s20 =	sor.u32 s28, s29;
	v2 =	vld [tilespmem:$0x8420]  }
0x28: {  	v5 =	vld [tilespmem:s20+$0x0]  }
0x29: {  	v6 =	vld [tilespmem:s20+$0x400]  }
0x2a: {  	v7 =	vld [tilespmem:s20+$0x4400]  }
0x2b: {  	v8 =	vld [tilespmem:s20+$0x1000]  }
0x2c: {  	v9 =	vld [tilespmem:s20+$0x5000]  }
0x2d: {  	v10 =	vld [tilespmem:s20+$0x1C00]  }
0x2e: {  	v11 =	vld [tilespmem:s20+$0x5C00]  }
0x2f: {  	v13 =	vadd.f32 v7, v6  }
0x30: {  	v1 =	vld [tilespmem:$0x8430]  }
0x31: {  	v8 =	vsub.f32 v8, v9;
	v16 =	vmul.f32 v5, v3;
	v13 =	vmul.f32 v13, v4  }
0x32: {  	v12 =	vld [tilespmem:s20+$0x6C00]  }
0x33: {  	v14 =	vld [tilespmem:s20+$0x4800];
	v10 =	vadd.f32 v11, v10;
	v8 =	vmul.f32 v8, v2;
	v11 =	vadd.f32 v13, v16  }
0x34: {  	v15 =	vld [tilespmem:s20+$0x5400]  }
0x35: {  	v17 =	vld [tilespmem:s20+$0x6400];
	v10 =	vmul.f32 v10, v1;
	v8 =	vadd.f32 v8, v11  }
0x36: {  	v18 =	vld [tilespmem:s20+$0x7000]  }
0x37: {  	v19 =	vld [tilespmem:s20+$0x6800];
	v8 =	vadd.f32 v10, v8  }
0x38: {  	v11 =	vld [tilespmem:s20+$0x5C00]  }
0x39: {  	v13 =	vld [tilespmem:s20+$0x4C00];
	v8 =	vmul.f32 $5.000000000e-01, v8  }
0x3a: {  	v10 =	vld [tilespmem:s20+$0x6000]  }
0x3b: {  	v21 =	vld [tilespmem:s20+$0x7800];
	v7 =	vsub.f32 v8, v7  }
0x3c: {  	v22 =	vld [tilespmem:s20+$0x800]  }
0x3d: {  	v23 =	vld [tilespmem:s20+$0x7C00];
	v11 =	vsub.f32 v8, v11;
	v14 =	vadd.f32 v14, v7  }
0x3e: {  	v24 =	vld [tilespmem:s20+$0xC00]  }
0x3f: {  	v25 =	vld [tilespmem:s20+$0x8000];
	v10 =	vadd.f32 v10, v11;
	v13 =	vsub.f32 v14, v13  }
0x40: {  	v27 =	vld [tilespmem:s20+$0x1400];
	v9 =	vadd.f32 v9, v8  }
0x41: {  	v16 =	vld [tilespmem:s20+$0x5800];
	v21 =	vadd.f32 v21, v10;
	v13 =	vmul.f32 v13, v0  }
0x42: {  	v20 =	vld [tilespmem:s20+$0x7400];
	v15 =	vsub.f32 v9, v15  }
0x43: {  	v26 =	vld [tilespmem:s20+$0x1000];
	v14 =	vmul.f32 v14, v0;
	v23 =	vsub.f32 v21, v23;
	v13 =	vadd.f32 v13, v24  }
0x44: {  	v29 =	vld [tilespmem:s20+$0x4000];
	v59 =	vmul.f32 v15, v0  }
0x45: {  	v28 =	vld [tilespmem:s20+$0x1800];
	v7 =	vmul.f32 v7, v0;
	v14 =	vadd.f32 v14, v22;
	[tilespmem:s20+$0x9200] =	vst v13;
	v13 =	vadd.f32 v25, v23  }
0x46: {  	v30 =	vld [tilespmem:s20+$0x1C00];
	v62 =	vmul.f32 v8, v0;
	v15 =	vadd.f32 v16, v15;
	v16 =	vadd.f32 v59, v27  }
0x47: {  	v58 =	vld [tilespmem:s20+$0x2000];
	v9 =	vmul.f32 v9, v0;
	v7 =	vadd.f32 v7, v6;
	[tilespmem:s20+$0x8E00] =	vst v14;
	v13 =	vmul.f32 v13, v0  }
0x48: {  	v31 =	vld [tilespmem:s20+$0x2400];
	v11 =	vmul.f32 v11, v0;
	[tilespmem:s20+$0x9A00] =	vst v16;
	v14 =	vsub.f32 v10, v12;
	v16 =	vsub.f32 v10, v17  }
0x49: {  	v60 =	vld [tilespmem:s20+$0x2800];
	v8 =	vmul.f32 v15, v0;
	v10 =	vmul.f32 v10, v0;
	v15 =	vadd.f32 v13, v29  }
0x4a: {  	v61 =	vld [tilespmem:s20+$0x2C00];
	v17 =	vadd.f32 v18, v14;
	v63 =	vmul.f32 v14, v0;
	v14 =	vadd.f32 v19, v16  }
0x4b: {  	v9 =	vadd.f32 v9, v26;
	v12 =	vld [tilespmem:s20+$0x3000];
	v8 =	vadd.f32 v8, v28;
	[tilespmem:s20+$0xC600] =	vst v15;
	v15 =	vmul.f32 v16, v0  }
0x4c: {  	s30 =	simm.s32 $0x10;
	s22 =	simm.s32 $0x40;
	v10 =	vadd.f32 v10, v58;
	v18 =	vsub.f32 v17, v20;
	v19 =	vmul.f32 v14, v0;
	v13 =	vld [tilespmem:s20+$0x3400]  }
0x4d: {  	s31 =	sand.u32 $0x200, s22;
	s21 =	sand.u32 $0x70, s30;
	v11 =	vadd.f32 v11, v30;
	v6 =	vmul.f32 v23, v0;
	[tilespmem:s20+$0x9E00] =	vst v8;
	v16 =	vld [tilespmem:s20+$0x3800];
	v20 =	vadd.f32 v15, v31  }
0x4e: {  	s21 =	sor.u32 s21, s31;
	v8 =	vmul.f32 v17, v0;
	[tilespmem:s20+$0xA600] =	vst v10;
	v17 =	vld [tilespmem:s20+$0x3C00];
	v14 =	vmul.f32 v18, v0;
	v18 =	vadd.f32 v19, v60  }
0x4f: {  	s23 =	simm.s32 $0x20;
	v10 =	vadd.f32 v62, v5;
	v19 =	vadd.f32 v63, v61;
	v5 =	vld [tilespmem:s21+$0x0];
	v15 =	vmul.f32 v21, v0;
	[tilespmem:s20+$0xAA00] =	vst v20  }
.LBB2_3:
0x50: {  	p0 =	sne.s32 s23, $0xF0;
	v20 =	vld [tilespmem:s21+$0x400];
	[tilespmem:s20+$0xAE00] =	vst v18;
	v8 =	vadd.f32 v8, v12  }
0x51: {  	v12 =	vld [tilespmem:s21+$0x4400];
	[tilespmem:s20+$0xB200] =	vst v19;
	v13 =	vadd.f32 v14, v13  }
0x52: {  	v14 =	vld [tilespmem:s21+$0x1000];
	[tilespmem:s20+$0xB600] =	vst v8;
	v8 =	vadd.f32 v15, v16  }
0x53: {  	v15 =	vld [tilespmem:s21+$0x5000];
	[tilespmem:s20+$0xBA00] =	vst v13;
	v6 =	vadd.f32 v6, v17  }
0x54: {  	v13 =	vld [tilespmem:s21+$0x1C00];
	[tilespmem:s20+$0xBE00] =	vst v8  }
0x55: {  	v8 =	vld [tilespmem:s21+$0x5C00];
	[tilespmem:s20+$0xC200] =	vst v6  }
0x56: {  	v6 =	vadd.f32 v12, v20;
	v16 =	vld [tilespmem:s21+$0x6C00];
	[tilespmem:s20+$0x8A00] =	vst v7  }
0x57: {  	v7 =	vld [tilespmem:s21+$0x4800];
	[tilespmem:s20+$0x9600] =	vst v9  }
0x58: {  	v9 =	vsub.f32 v14, v15;
	v14 =	vmul.f32 v5, v3;
	v6 =	vmul.f32 v6, v4;
	v17 =	vld [tilespmem:s21+$0x5400];
	[tilespmem:s20+$0xA200] =	vst v11  }
0x59: {  	v11 =	vld [tilespmem:s21+$0x6400];
	[tilespmem:s20+$0x8600] =	vst v10;
	s20 =	smov.u32 s21  }
0x5a: {  	v8 =	vadd.f32 v8, v13;
	v6 =	vadd.f32 v6, v14;
	v9 =	vmul.f32 v9, v2;
	v10 =	vld [tilespmem:s20+$0x7000]  }
0x5b: {  	v13 =	vld [tilespmem:s20+$0x4C00]  }
0x5c: {  	v6 =	vadd.f32 v9, v6;
	v8 =	vmul.f32 v8, v1;
	v9 =	vld [tilespmem:s20+$0x5800]  }
0x5d: {  	v14 =	vld [tilespmem:s20+$0x5C00]  }
0x5e: {  	v6 =	vadd.f32 v8, v6;
	v8 =	vld [tilespmem:s20+$0x6800]  }
0x5f: {  	v18 =	vld [tilespmem:s20+$0x6000]  }
0x60: {  	v6 =	vmul.f32 $5.000000000e-01, v6;
	v19 =	vld [tilespmem:s20+$0x7400]  }
0x61: {  	v21 =	vld [tilespmem:s20+$0x7800]  }
0x62: {  	v22 =	vmul.f32 v6, v0;
	v12 =	vsub.f32 v6, v12;
	v23 =	vld [tilespmem:s20+$0x800];
	v14 =	vsub.f32 v6, v14  }
0x63: {  	v6 =	vadd.f32 v15, v6;
	v15 =	vld [tilespmem:s20+$0x7C00]  }
0x64: {  	v24 =	vmul.f32 v12, v0;
	v7 =	vadd.f32 v7, v12;
	v12 =	vld [tilespmem:s20+$0xC00];
	v18 =	vadd.f32 v18, v14  }
0x65: {  	v25 =	vmul.f32 v6, v0;
	v6 =	vsub.f32 v6, v17;
	v17 =	vmul.f32 v14, v0;
	v14 =	vld [tilespmem:s20+$0x8000]  }
0x66: {  	v26 =	vmul.f32 v7, v0;
	v27 =	vld [tilespmem:s20+$0x1000];
	v16 =	vsub.f32 v18, v16;
	v21 =	vadd.f32 v21, v18  }
0x67: {  	v7 =	vsub.f32 v7, v13;
	v28 =	vmul.f32 v6, v0;
	v11 =	vsub.f32 v18, v11;
	v13 =	vld [tilespmem:s20+$0x1400]  }
0x68: {  	v29 =	vld [tilespmem:s20+$0x1800];
	v30 =	vmul.f32 v16, v0;
	v10 =	vadd.f32 v10, v16;
	v15 =	vsub.f32 v21, v15  }
0x69: {  	v9 =	vadd.f32 v9, v6;
	v7 =	vmul.f32 v7, v0;
	v6 =	vadd.f32 v8, v11;
	v16 =	vld [tilespmem:s20+$0x4000]  }
0x6a: {  	v31 =	vld [tilespmem:s20+$0x1C00];
	v8 =	vmul.f32 v10, v0;
	v10 =	vsub.f32 v10, v19;
	v19 =	vadd.f32 v14, v15  }
0x6b: {  	v7 =	vadd.f32 v7, v12;
	v33 =	vmul.f32 v6, v0;
	v6 =	vmul.f32 v15, v0;
	v32 =	vld [tilespmem:s20+$0x2000]  }
0x6c: {  	v12 =	vadd.f32 v26, v23;
	v23 =	vld [tilespmem:s20+$0x2400];
	v14 =	vmul.f32 v10, v0;
	v10 =	vmul.f32 v19, v0  }
0x6d: {  	v9 =	vmul.f32 v9, v0;
	v13 =	vadd.f32 v28, v13;
	v19 =	vmul.f32 v11, v0;
	[tilespmem:s20+$0x9200] =	vst v7;
	v26 =	vld [tilespmem:s20+$0x2800]  }
0x6e: {  	v15 =	vmul.f32 v21, v0;
	v11 =	vmul.f32 v18, v0;
	[tilespmem:s20+$0x8E00] =	vst v12;
	v28 =	vld [tilespmem:s20+$0x2C00];
	v10 =	vadd.f32 v10, v16  }
.Ltmp0:
0x6f: {  	v7 =	vadd.f32 v24, v20;
	v16 =	vadd.f32 v9, v29;
	[tilespmem:s20+$0x9A00] =	vst v13;
	v12 =	vld [tilespmem:s20+$0x3000];
	(pc) =	sbr.rel @p0 .LBB2_3-.Ltmp0, $4  }
0x70: {  	s22 =	sadd.s32 $0x40, s22;
	v9 =	vadd.f32 v25, v27;
	v18 =	vadd.f32 v11, v32;
	v13 =	vld [tilespmem:s20+$0x3400];
	[tilespmem:s20+$0xC600] =	vst v10  }
0x71: {  	s24 =	sand.u32 $0x200, s22;
	s21 =	sand.u32 $0x70, s23;
	v11 =	vadd.f32 v17, v31;
	[tilespmem:s20+$0x9E00] =	vst v16;
	v19 =	vadd.f32 v19, v23;
	v16 =	vld [tilespmem:s20+$0x3800]  }
0x72: {  	s21 =	sor.u32 s21, s24;
	v10 =	vadd.f32 v22, v5;
	[tilespmem:s20+$0xA600] =	vst v18;
	v18 =	vadd.f32 v33, v26;
	v17 =	vld [tilespmem:s20+$0x3C00]  }
0x73: {  	s23 =	sadd.s32 $0x10, s23;
	v5 =	vld [tilespmem:s21+$0x0];
	[tilespmem:s20+$0xAA00] =	vst v19;
	v19 =	vadd.f32 v30, v28  }
0x74: {  	v20 =	vld [tilespmem:s21+$0x400];
	[tilespmem:s20+$0xAE00] =	vst v18;
	v8 =	vadd.f32 v8, v12  }
0x75: {  	v18 =	vld [tilespmem:s21+$0x4400];
	[tilespmem:s20+$0xB200] =	vst v19;
	v13 =	vadd.f32 v14, v13  }
0x76: {  	v32 =	vld [tilespmem:s21+$0x1000];
	[tilespmem:s20+$0xB600] =	vst v8;
	v33 =	vadd.f32 v15, v16  }
0x77: {  	v8 =	vld [tilespmem:s21+$0x5000];
	[tilespmem:s20+$0xBA00] =	vst v13  }
0x78: {  	v13 =	vld [tilespmem:s21+$0x1C00];
	[tilespmem:s20+$0xBE00] =	vst v33  }
0x79: {  	v14 =	vld [tilespmem:s21+$0x5C00]  }
0x7a: {  	v34 =	vadd.f32 v18, v20  }
0x7b: {  	v6 =	vadd.f32 v6, v17  }
0x7c: {  	v3 =	vmul.f32 v5, v3;
	v12 =	vsub.f32 v32, v8;
	v4 =	vmul.f32 v34, v4  }
0x7d: {  	[tilespmem:s20+$0xC200] =	vst v6  }
0x7e: {  	v6 =	vld [tilespmem:s21+$0x6C00];
	[tilespmem:s20+$0x8A00] =	vst v7;
	v13 =	vadd.f32 v14, v13;
	v3 =	vadd.f32 v4, v3;
	v2 =	vmul.f32 v12, v2  }
0x7f: {  	v7 =	vld [tilespmem:s21+$0x4800];
	[tilespmem:s20+$0x9600] =	vst v9  }
0x80: {  	v9 =	vld [tilespmem:s21+$0x5400];
	[tilespmem:s20+$0xA200] =	vst v11;
	v2 =	vadd.f32 v2, v3;
	v1 =	vmul.f32 v13, v1  }
0x81: {  	v11 =	vld [tilespmem:s21+$0x6400];
	[tilespmem:s20+$0x8600] =	vst v10  }
0x82: {  	v10 =	vld [tilespmem:s21+$0x7000];
	v1 =	vadd.f32 v1, v2  }
0x83: {  	v3 =	vld [tilespmem:s21+$0x5C00]  }
0x84: {  	v4 =	vld [tilespmem:s21+$0x4C00];
	v1 =	vmul.f32 $5.000000000e-01, v1  }
0x85: {  	v2 =	vld [tilespmem:s21+$0x6000]  }
0x86: {  	v35 =	vld [tilespmem:s21+$0x5800];
	v40 =	vsub.f32 v1, v18  }
0x87: {  	v38 =	vld [tilespmem:s21+$0x7800]  }
0x88: {  	v41 =	vld [tilespmem:s21+$0x7C00];
	v3 =	vsub.f32 v1, v3;
	v7 =	vadd.f32 v7, v40  }
0x89: {  	v19 =	vld [tilespmem:s21+$0xC00]  }
0x8a: {  	v36 =	vld [tilespmem:s21+$0x6800];
	v2 =	vadd.f32 v2, v3;
	v4 =	vsub.f32 v7, v4  }
0x8b: {  	v21 =	vld [tilespmem:s21+$0x8000]  }
0x8c: {  	v37 =	vld [tilespmem:s21+$0x7400];
	v15 =	vadd.f32 v38, v2;
	v4 =	vmul.f32 v4, v0  }
0x8d: {  	v26 =	vld [tilespmem:s21+$0x1C00];
	v8 =	vadd.f32 v8, v1  }
0x8e: {  	v39 =	vld [tilespmem:s21+$0x800];
	v18 =	vsub.f32 v15, v41;
	v4 =	vadd.f32 v4, v19  }
0x8f: {  	v25 =	vld [tilespmem:s21+$0x4000];
	v1 =	vmul.f32 v1, v0;
	v9 =	vsub.f32 v8, v9  }
0x90: {  	v23 =	vld [tilespmem:s21+$0x1400];
	v3 =	vmul.f32 v3, v0;
	[tilespmem:s21+$0x9200] =	vst v4;
	v4 =	vadd.f32 v21, v18  }
0x91: {  	v42 =	vld [tilespmem:s21+$0x2000];
	v1 =	vadd.f32 v1, v5;
	v7 =	vmul.f32 v7, v0;
	v43 =	vmul.f32 v9, v0  }
0x92: {  	v24 =	vld [tilespmem:s21+$0x1800];
	v9 =	vadd.f32 v35, v9;
	v3 =	vadd.f32 v3, v26;
	v4 =	vmul.f32 v4, v0  }
0x93: {  	v27 =	vld [tilespmem:s21+$0x2400];
	v11 =	vsub.f32 v2, v11;
	[tilespmem:s21+$0x8600] =	vst v1;
	v7 =	vadd.f32 v7, v39  }
0x94: {  	v44 =	vld [tilespmem:s21+$0x2800];
	v6 =	vsub.f32 v2, v6;
	v2 =	vmul.f32 v2, v0;
	[tilespmem:s21+$0xA200] =	vst v3;
	v4 =	vadd.f32 v4, v25  }
0x95: {  	v45 =	vadd.f32 v43, v23;
	v9 =	vmul.f32 v9, v0;
	v13 =	vadd.f32 v36, v11;
	[tilespmem:s21+$0x8E00] =	vst v7;
	v7 =	vld [tilespmem:s21+$0x2C00]  }
0x96: {  	v46 =	vld [tilespmem:s21+$0x3000];
	v48 =	vmul.f32 v11, v0;
	v2 =	vadd.f32 v2, v42;
	[tilespmem:s21+$0xC600] =	vst v4;
	v4 =	vadd.f32 v10, v6  }
0x97: {  	v47 =	vld [tilespmem:s21+$0x3400];
	[tilespmem:s21+$0x9A00] =	vst v45;
	v9 =	vadd.f32 v9, v24;
	v49 =	vmul.f32 v13, v0  }
0x98: {  	v50 =	vld [tilespmem:s21+$0x3800];
	[tilespmem:s21+$0xA600] =	vst v2;
	v6 =	vmul.f32 v6, v0;
	v10 =	vadd.f32 v48, v27;
	v51 =	vsub.f32 v4, v37  }
0x99: {  	v52 =	vld [tilespmem:s21+$0x3C00];
	[tilespmem:s21+$0x9E00] =	vst v9;
	v2 =	vmul.f32 v4, v0;
	v4 =	vadd.f32 v49, v44  }
0x9a: {  	[tilespmem:s21+$0xAA00] =	vst v10;
	v6 =	vadd.f32 v6, v7;
	v13 =	vmul.f32 v51, v0  }
0x9b: {  	v22 =	vld [tilespmem:s21+$0x1000];
	v7 =	vmul.f32 v15, v0;
	[tilespmem:s21+$0xAE00] =	vst v4;
	v2 =	vadd.f32 v2, v46  }
0x9c: {  	v4 =	vmul.f32 v18, v0;
	[tilespmem:s21+$0xB200] =	vst v6;
	v6 =	vadd.f32 v13, v47  }
0x9d: {  	v53 =	vmul.f32 v40, v0;
	[tilespmem:s21+$0xB600] =	vst v2;
	v2 =	vadd.f32 v7, v50  }
0x9e: {  	v7 =	vmul.f32 v8, v0;
	v4 =	vadd.f32 v4, v52;
	[tilespmem:s21+$0xBA00] =	vst v6  }
0x9f: {  	v6 =	vadd.f32 v53, v20;
	[tilespmem:s21+$0xBE00] =	vst v2  }
0xa0: {  	v2 =	vadd.f32 v7, v22;
	[tilespmem:s21+$0xC200] =	vst v4  }
0xa1: {  	[tilespmem:s21+$0x8A00] =	vst v6  }
0xa2: {  	s20 =	simm.s32 $0x0;
	[tilespmem:s21+$0x9600] =	vst v2  }
0xa3: {  	s29 =	sand.u32 $0xFFFFFE00, s20;
	v1 =	vld [tilespmem:$0x8480]  }
0xa4: {  	s21 =	sadd.s32 $0x0, s29;
	v3 =	vld [tilespmem:$0x8490]  }
0xa5: {  	v2 =	vld [tilespmem:$0x84A0];
	s22 =	sor.u32 $0x80, s21  }
0xa6: {  	s23 =	sor.u32 $0x480, s21;
	v5 =	vld [tilespmem:s22+$0x0]  }
0xa7: {  	v4 =	vld [tilespmem:s23+$0x0]  }
0xa8: {  	s24 =	sor.u32 $0xC80, s21;
	v6 =	vld [tilespmem:s22+$0x4400]  }
0xa9: {  	s25 =	sor.u32 $0x1080, s21;
	v7 =	vld [tilespmem:s24+$0x4400]  }
0xaa: {  	s26 =	sor.u32 $0x1C80, s21;
	v8 =	vld [tilespmem:s25+$0x0]  }
0xab: {  	s28 =	sor.u32 $0x1880, s21;
	v54 =	vld [tilespmem:s26+$0x0]  }
0xac: {  	v55 =	vld [tilespmem:s28+$0x4400]  }
0xad: {  	v56 =	vadd.f32 v6, v4  }
0xae: {  	v4 =	vld [tilespmem:$0x84B0]  }
0xaf: {  	v7 =	vsub.f32 v8, v7;
	v8 =	vmul.f32 v5, v1;
	v11 =	vmul.f32 v56, v3;
	_ =	sdelay $0x1  }
0xb0: {  	v9 =	vadd.f32 v55, v54;
	v7 =	vmul.f32 v7, v2;
	v8 =	vadd.f32 v11, v8;
	_ =	sdelay $0x1  }
0xb1: {  	v7 =	vadd.f32 v7, v8;
	v8 =	vmul.f32 v9, v4;
	_ =	sdelay $0x1  }
0xb2: {  	v7 =	vadd.f32 v8, v7;
	_ =	sdelay $0x1  }
0xb3: {  	v7 =	vmul.f32 $5.000000000e-01, v7;
	_ =	sdelay $0x1  }
0xb4: {  	v8 =	vmul.f32 v7, v0;
	_ =	sdelay $0x1  }
0xb5: {  	v5 =	vadd.f32 v8, v5;
	_ =	sdelay $0x1  }
0xb6: {  	[tilespmem:s22+$0x8600] =	vst v5  }
0xb7: {  	v5 =	vld [tilespmem:s23+$0x0]  }
0xb8: {  	v6 =	vsub.f32 v7, v6;
	_ =	sdelay $0x1  }
0xb9: {  	v8 =	vmul.f32 v6, v0  }
0xba: {  	v57 =	vld [tilespmem:s23+$0x4400]  }
0xbb: {  	v5 =	vadd.f32 v8, v5;
	_ =	sdelay $0x1  }
0xbc: {  	s30 =	sor.u32 $0x880, s21;
	[tilespmem:s23+$0x8600] =	vst v5  }
0xbd: {  	v5 =	vld [tilespmem:s30+$0x0]  }
0xbe: {  	v6 =	vadd.f32 v57, v6;
	_ =	sdelay $0x1  }
0xbf: {  	v8 =	vmul.f32 v6, v0  }
0xc0: {  	v58 =	vld [tilespmem:s30+$0x4400]  }
0xc1: {  	v5 =	vadd.f32 v8, v5;
	_ =	sdelay $0x1  }
0xc2: {  	[tilespmem:s30+$0x8600] =	vst v5  }
0xc3: {  	v5 =	vld [tilespmem:s24+$0x0]  }
0xc4: {  	v6 =	vsub.f32 v6, v58;
	_ =	sdelay $0x1  }
0xc5: {  	v6 =	vmul.f32 v6, v0  }
0xc6: {  	v8 =	vld [tilespmem:s24+$0x4400]  }
0xc7: {  	v5 =	vadd.f32 v6, v5;
	_ =	sdelay $0x1  }
0xc8: {  	[tilespmem:s24+$0x8600] =	vst v5  }
0xc9: {  	v5 =	vld [tilespmem:s25+$0x0]  }
0xca: {  	v6 =	vadd.f32 v8, v7;
	_ =	sdelay $0x1  }
0xcb: {  	v8 =	vmul.f32 v6, v0  }
0xcc: {  	v59 =	vld [tilespmem:s25+$0x4400]  }
0xcd: {  	v5 =	vadd.f32 v8, v5;
	_ =	sdelay $0x1  }
0xce: {  	s31 =	sor.u32 $0x1480, s21;
	[tilespmem:s25+$0x8600] =	vst v5  }
0xcf: {  	v5 =	vld [tilespmem:s31+$0x0]  }
0xd0: {  	v6 =	vsub.f32 v6, v59;
	_ =	sdelay $0x1  }
0xd1: {  	v8 =	vmul.f32 v6, v0  }
0xd2: {  	v60 =	vld [tilespmem:s31+$0x4400]  }
0xd3: {  	v5 =	vadd.f32 v8, v5;
	_ =	sdelay $0x1  }
0xd4: {  	[tilespmem:s31+$0x8600] =	vst v5  }
0xd5: {  	v5 =	vld [tilespmem:s28+$0x0]  }
0xd6: {  	v6 =	vadd.f32 v60, v6;
	_ =	sdelay $0x1  }
0xd7: {  	v6 =	vmul.f32 v6, v0  }
0xd8: {  	v8 =	vld [tilespmem:s28+$0x4400]  }
0xd9: {  	v5 =	vadd.f32 v6, v5;
	_ =	sdelay $0x1  }
0xda: {  	[tilespmem:s28+$0x8600] =	vst v5  }
0xdb: {  	v5 =	vld [tilespmem:s26+$0x0]  }
0xdc: {  	v6 =	vsub.f32 v7, v8;
	_ =	sdelay $0x1  }
0xdd: {  	v7 =	vmul.f32 v6, v0  }
0xde: {  	v8 =	vld [tilespmem:s26+$0x4400]  }
0xdf: {  	v5 =	vadd.f32 v7, v5;
	_ =	sdelay $0x1  }
0xe0: {  	s23 =	sor.u32 $0x2080, s21;
	[tilespmem:s26+$0x8600] =	vst v5  }
0xe1: {  	v5 =	vld [tilespmem:s23+$0x0]  }
0xe2: {  	v6 =	vadd.f32 v8, v6;
	_ =	sdelay $0x1  }
0xe3: {  	v7 =	vmul.f32 v6, v0  }
0xe4: {  	v8 =	vld [tilespmem:s23+$0x4400]  }
0xe5: {  	v5 =	vadd.f32 v7, v5;
	_ =	sdelay $0x1  }
0xe6: {  	s24 =	sor.u32 $0x2480, s21;
	[tilespmem:s23+$0x8600] =	vst v5  }
0xe7: {  	v5 =	vld [tilespmem:s24+$0x0]  }
0xe8: {  	v7 =	vsub.f32 v6, v8;
	_ =	sdelay $0x1  }
0xe9: {  	v8 =	vmul.f32 v7, v0  }
0xea: {  	v61 =	vld [tilespmem:s24+$0x4400]  }
0xeb: {  	v5 =	vadd.f32 v8, v5;
	_ =	sdelay $0x1  }
0xec: {  	s25 =	sor.u32 $0x2880, s21;
	[tilespmem:s24+$0x8600] =	vst v5  }
0xed: {  	v5 =	vld [tilespmem:s25+$0x0]  }
0xee: {  	v7 =	vadd.f32 v61, v7;
	_ =	sdelay $0x1  }
0xef: {  	v7 =	vmul.f32 v7, v0  }
0xf0: {  	v8 =	vld [tilespmem:s25+$0x4400]  }
0xf1: {  	v5 =	vadd.f32 v7, v5;
	_ =	sdelay $0x1  }
0xf2: {  	s26 =	sor.u32 $0x2C80, s21;
	[tilespmem:s25+$0x8600] =	vst v5  }
0xf3: {  	v5 =	vld [tilespmem:s26+$0x0]  }
0xf4: {  	v7 =	vsub.f32 v6, v8;
	_ =	sdelay $0x1  }
0xf5: {  	v8 =	vmul.f32 v7, v0  }
0xf6: {  	v62 =	vld [tilespmem:s26+$0x4400]  }
0xf7: {  	v5 =	vadd.f32 v8, v5;
	_ =	sdelay $0x1  }
0xf8: {  	s28 =	sor.u32 $0x3080, s21;
	[tilespmem:s26+$0x8600] =	vst v5  }
0xf9: {  	v5 =	vld [tilespmem:s28+$0x0]  }
0xfa: {  	v7 =	vadd.f32 v62, v7;
	_ =	sdelay $0x1  }
0xfb: {  	v8 =	vmul.f32 v7, v0  }
0xfc: {  	v63 =	vld [tilespmem:s28+$0x4400]  }
0xfd: {  	v5 =	vadd.f32 v8, v5;
	_ =	sdelay $0x1  }
0xfe: {  	s29 =	sor.u32 $0x3480, s21;
	[tilespmem:s28+$0x8600] =	vst v5  }
0xff: {  	v5 =	vld [tilespmem:s29+$0x0]  }
0x100: {  	v7 =	vsub.f32 v7, v63;
	_ =	sdelay $0x1  }
0x101: {  	v7 =	vmul.f32 v7, v0  }
0x102: {  	v8 =	vld [tilespmem:s29+$0x4400]  }
0x103: {  	v5 =	vadd.f32 v7, v5;
	_ =	sdelay $0x1  }
0x104: {  	s30 =	sor.u32 $0x3880, s21;
	[tilespmem:s29+$0x8600] =	vst v5  }
0x105: {  	v5 =	vld [tilespmem:s30+$0x0]  }
0x106: {  	v6 =	vadd.f32 v8, v6;
	_ =	sdelay $0x1  }
0x107: {  	v7 =	vmul.f32 v6, v0  }
0x108: {  	v8 =	vld [tilespmem:s30+$0x4400]  }
0x109: {  	v5 =	vadd.f32 v7, v5;
	_ =	sdelay $0x1  }
0x10a: {  	s31 =	sor.u32 $0x3C80, s21;
	[tilespmem:s30+$0x8600] =	vst v5  }
0x10b: {  	v5 =	vld [tilespmem:s31+$0x0]  }
0x10c: {  	v6 =	vsub.f32 v6, v8;
	_ =	sdelay $0x1  }
0x10d: {  	v8 =	vmul.f32 v6, v0;
	v7 =	vld [tilespmem:s31+$0x4400];
	_ =	sdelay $0x1  }
0x10e: {  	v5 =	vadd.f32 v8, v5;
	_ =	sdelay $0x1  }
0x10f: {  	s24 =	sor.u32 $0x4080, s21;
	[tilespmem:s31+$0x8600] =	vst v5  }
0x110: {  	v6 =	vadd.f32 v7, v6;
	v5 =	vld [tilespmem:s24+$0x0];
	_ =	sdelay $0x1  }
0x111: {  	s23 =	simm.s32 $0x80;
	s21 =	simm.s32 $0x40;
	v6 =	vmul.f32 v6, v0  }
.LBB2_5:
0x112: {  	s25 =	sand.u32 $0xFFFFFE00, s21  }
0x113: {  	s20 =	sadd.s32 $0x10, s20;
	s21 =	smov.u32 s23;
	s22 =	sadd.s32 $0x40, s23  }
0x114: {  	p0 =	sne.s32 s23, $0x3C0;
	s23 =	sadd.s32 s25, s20;
	v5 =	vadd.f32 v6, v5  }
0x115: {  	s30 =	sor.u32 $0x80, s23;
	s29 =	sor.u32 $0x480, s23  }
0x116: {  	[tilespmem:s24+$0x8600] =	vst v5  }
0x117: {  	s26 =	sor.u32 $0x1080, s23;
	s28 =	sor.u32 $0xC80, s23;
	v5 =	vld [tilespmem:s30+$0x0]  }
0x118: {  	v6 =	vld [tilespmem:s29+$0x0]  }
0x119: {  	v7 =	vld [tilespmem:s30+$0x4400]  }
0x11a: {  	v8 =	vld [tilespmem:s28+$0x4400]  }
0x11b: {  	s25 =	sor.u32 $0x1880, s23;
	s24 =	sor.u32 $0x1C80, s23;
	v9 =	vld [tilespmem:s26+$0x0]  }
0x11c: {  	v10 =	vld [tilespmem:s24+$0x0]  }
0x11d: {  	v11 =	vld [tilespmem:s25+$0x4400]  }
0x11e: {  	v6 =	vadd.f32 v7, v6;
	_ =	sdelay $0x1  }
0x11f: {  	v8 =	vsub.f32 v9, v8;
	v9 =	vmul.f32 v5, v1;
	v6 =	vmul.f32 v6, v3;
	_ =	sdelay $0x1  }
0x120: {  	v10 =	vadd.f32 v11, v10;
	v6 =	vadd.f32 v6, v9;
	v8 =	vmul.f32 v8, v2;
	_ =	sdelay $0x1  }
0x121: {  	v6 =	vadd.f32 v8, v6;
	v8 =	vmul.f32 v10, v4;
	_ =	sdelay $0x1  }
0x122: {  	v6 =	vadd.f32 v8, v6;
	_ =	sdelay $0x1  }
0x123: {  	v6 =	vmul.f32 $5.000000000e-01, v6;
	_ =	sdelay $0x1  }
0x124: {  	v8 =	vmul.f32 v6, v0;
	v7 =	vsub.f32 v6, v7;
	_ =	sdelay $0x1  }
0x125: {  	v5 =	vadd.f32 v8, v5;
	_ =	sdelay $0x1  }
0x126: {  	[tilespmem:s30+$0x8600] =	vst v5  }
0x127: {  	v5 =	vld [tilespmem:s29+$0x0];
	_ =	sdelay $0x2  }
0x128: {  	v8 =	vmul.f32 v7, v0  }
0x129: {  	v9 =	vld [tilespmem:s29+$0x4400]  }
0x12a: {  	v5 =	vadd.f32 v8, v5;
	_ =	sdelay $0x1  }
0x12b: {  	[tilespmem:s29+$0x8600] =	vst v5;
	s29 =	sor.u32 $0x880, s23  }
0x12c: {  	v5 =	vld [tilespmem:s29+$0x0]  }
0x12d: {  	v7 =	vadd.f32 v9, v7;
	_ =	sdelay $0x1  }
0x12e: {  	v8 =	vmul.f32 v7, v0  }
0x12f: {  	v9 =	vld [tilespmem:s29+$0x4400]  }
0x130: {  	v5 =	vadd.f32 v8, v5;
	_ =	sdelay $0x1  }
0x131: {  	[tilespmem:s29+$0x8600] =	vst v5  }
0x132: {  	v5 =	vld [tilespmem:s28+$0x0]  }
0x133: {  	v7 =	vsub.f32 v7, v9;
	_ =	sdelay $0x1  }
0x134: {  	v7 =	vmul.f32 v7, v0  }
0x135: {  	v8 =	vld [tilespmem:s28+$0x4400]  }
0x136: {  	v5 =	vadd.f32 v7, v5;
	_ =	sdelay $0x1  }
0x137: {  	[tilespmem:s28+$0x8600] =	vst v5  }
0x138: {  	v5 =	vld [tilespmem:s26+$0x0]  }
0x139: {  	v7 =	vadd.f32 v8, v6;
	_ =	sdelay $0x1  }
0x13a: {  	v8 =	vmul.f32 v7, v0  }
0x13b: {  	v9 =	vld [tilespmem:s26+$0x4400]  }
0x13c: {  	v5 =	vadd.f32 v8, v5;
	_ =	sdelay $0x1  }
0x13d: {  	[tilespmem:s26+$0x8600] =	vst v5;
	s26 =	sor.u32 $0x1480, s23  }
0x13e: {  	v5 =	vld [tilespmem:s26+$0x0]  }
0x13f: {  	v7 =	vsub.f32 v7, v9;
	_ =	sdelay $0x1  }
0x140: {  	v8 =	vmul.f32 v7, v0  }
0x141: {  	v9 =	vld [tilespmem:s26+$0x4400]  }
0x142: {  	v5 =	vadd.f32 v8, v5;
	_ =	sdelay $0x1  }
0x143: {  	[tilespmem:s26+$0x8600] =	vst v5  }
0x144: {  	v5 =	vld [tilespmem:s25+$0x0]  }
0x145: {  	v7 =	vadd.f32 v9, v7;
	_ =	sdelay $0x1  }
0x146: {  	v7 =	vmul.f32 v7, v0  }
0x147: {  	v8 =	vld [tilespmem:s25+$0x4400]  }
0x148: {  	v5 =	vadd.f32 v7, v5;
	_ =	sdelay $0x1  }
0x149: {  	[tilespmem:s25+$0x8600] =	vst v5  }
0x14a: {  	v5 =	vld [tilespmem:s24+$0x0]  }
0x14b: {  	v6 =	vsub.f32 v6, v8;
	_ =	sdelay $0x1  }
0x14c: {  	v7 =	vmul.f32 v6, v0  }
0x14d: {  	v8 =	vld [tilespmem:s24+$0x4400]  }
0x14e: {  	v5 =	vadd.f32 v7, v5;
	_ =	sdelay $0x1  }
0x14f: {  	[tilespmem:s24+$0x8600] =	vst v5;
	s24 =	sor.u32 $0x2080, s23  }
0x150: {  	v5 =	vld [tilespmem:s24+$0x0]  }
0x151: {  	v6 =	vadd.f32 v8, v6;
	_ =	sdelay $0x1  }
0x152: {  	v7 =	vmul.f32 v6, v0  }
0x153: {  	v8 =	vld [tilespmem:s24+$0x4400]  }
0x154: {  	v5 =	vadd.f32 v7, v5;
	_ =	sdelay $0x1  }
0x155: {  	[tilespmem:s24+$0x8600] =	vst v5;
	s24 =	sor.u32 $0x2480, s23  }
0x156: {  	v5 =	vld [tilespmem:s24+$0x0]  }
0x157: {  	v7 =	vsub.f32 v6, v8;
	v8 =	vld [tilespmem:s24+$0x4400];
	_ =	sdelay $0x1  }
0x158: {  	v9 =	vmul.f32 v7, v0;
	_ =	sdelay $0x1  }
0x159: {  	v5 =	vadd.f32 v9, v5  }
0x15a: {  	v7 =	vadd.f32 v8, v7  }
0x15b: {  	[tilespmem:s24+$0x8600] =	vst v5;
	s24 =	sor.u32 $0x2880, s23  }
0x15c: {  	v5 =	vld [tilespmem:s24+$0x0]  }
0x15d: {  	v8 =	vld [tilespmem:s24+$0x4400];
	_ =	sdelay $0x1  }
0x15e: {  	v7 =	vmul.f32 v7, v0;
	_ =	sdelay $0x1  }
0x15f: {  	v5 =	vadd.f32 v7, v5  }
0x160: {  	v7 =	vsub.f32 v6, v8  }
0x161: {  	[tilespmem:s24+$0x8600] =	vst v5;
	s24 =	sor.u32 $0x2C80, s23  }
0x162: {  	v5 =	vld [tilespmem:s24+$0x0]  }
0x163: {  	v8 =	vld [tilespmem:s24+$0x4400];
	_ =	sdelay $0x1  }
0x164: {  	v9 =	vmul.f32 v7, v0;
	_ =	sdelay $0x1  }
0x165: {  	v5 =	vadd.f32 v9, v5  }
0x166: {  	v7 =	vadd.f32 v8, v7  }
0x167: {  	[tilespmem:s24+$0x8600] =	vst v5;
	s24 =	sor.u32 $0x3080, s23  }
0x168: {  	v5 =	vld [tilespmem:s24+$0x0]  }
0x169: {  	v8 =	vld [tilespmem:s24+$0x4400];
	_ =	sdelay $0x1  }
0x16a: {  	v9 =	vmul.f32 v7, v0;
	_ =	sdelay $0x1  }
0x16b: {  	v5 =	vadd.f32 v9, v5  }
0x16c: {  	v7 =	vsub.f32 v7, v8  }
0x16d: {  	[tilespmem:s24+$0x8600] =	vst v5;
	s24 =	sor.u32 $0x3480, s23  }
0x16e: {  	v5 =	vld [tilespmem:s24+$0x0]  }
0x16f: {  	v8 =	vld [tilespmem:s24+$0x4400];
	_ =	sdelay $0x1  }
0x170: {  	v7 =	vmul.f32 v7, v0;
	_ =	sdelay $0x1  }
0x171: {  	v5 =	vadd.f32 v7, v5  }
0x172: {  	v6 =	vadd.f32 v8, v6  }
0x173: {  	[tilespmem:s24+$0x8600] =	vst v5;
	s24 =	sor.u32 $0x3880, s23  }
0x174: {  	v5 =	vld [tilespmem:s24+$0x0]  }
0x175: {  	v7 =	vld [tilespmem:s24+$0x4400];
	_ =	sdelay $0x1  }
0x176: {  	v8 =	vmul.f32 v6, v0;
	_ =	sdelay $0x1  }
0x177: {  	v5 =	vadd.f32 v8, v5  }
0x178: {  	v6 =	vsub.f32 v6, v7  }
0x179: {  	[tilespmem:s24+$0x8600] =	vst v5;
	s24 =	sor.u32 $0x3C80, s23  }
0x17a: {  	v5 =	vld [tilespmem:s24+$0x0]  }
0x17b: {  	v7 =	vld [tilespmem:s24+$0x4400];
	_ =	sdelay $0x1  }
0x17c: {  	v8 =	vmul.f32 v6, v0;
	_ =	sdelay $0x1  }
0x17d: {  	v5 =	vadd.f32 v8, v5  }
0x17e: {  	v6 =	vadd.f32 v7, v6  }
.Ltmp1:
0x17f: {  	[tilespmem:s24+$0x8600] =	vst v5;
	s24 =	sor.u32 $0x4080, s23;
	(pc) =	sbr.rel @p0 .LBB2_5-.Ltmp1, $2  }
0x180: {  	v5 =	vld [tilespmem:s24+$0x0];
	_ =	sdelay $0x2  }
0x181: {  	s23 =	smov.u32 s22;
	v6 =	vmul.f32 v6, v0  }
0x182: {  	_ = 	snop  }
0x183: {  	s21 =	sand.u32 $0xFFFFFE00, s21;
	s20 =	sadd.s32 $0x10, s20;
	v5 =	vadd.f32 v6, v5  }
0x184: {  	s20 =	sadd.s32 s21, s20  }
0x185: {  	s21 =	sor.u32 $0x80, s20;
	[tilespmem:s24+$0x8600] =	vst v5  }
0x186: {  	s22 =	sor.u32 $0x480, s20;
	v5 =	vld [tilespmem:s21+$0x0]  }
0x187: {  	v6 =	vld [tilespmem:s22+$0x0]  }
0x188: {  	s23 =	sor.u32 $0xC80, s20;
	v7 =	vld [tilespmem:s21+$0x4400]  }
0x189: {  	s31 =	sor.u32 $0x1080, s20;
	v8 =	vld [tilespmem:s23+$0x4400]  }
0x18a: {  	s25 =	sor.u32 $0x1C80, s20;
	v9 =	vld [tilespmem:s31+$0x0]  }
0x18b: {  	s26 =	sor.u32 $0x1880, s20;
	v10 =	vld [tilespmem:s25+$0x0]  }
0x18c: {  	v11 =	vld [tilespmem:s26+$0x4400]  }
0x18d: {  	v6 =	vadd.f32 v7, v6;
	_ =	sdelay $0x1  }
0x18e: {  	v8 =	vsub.f32 v9, v8;
	v1 =	vmul.f32 v5, v1;
	v3 =	vmul.f32 v6, v3;
	_ =	sdelay $0x1  }
0x18f: {  	v6 =	vadd.f32 v11, v10;
	v2 =	vmul.f32 v8, v2;
	v1 =	vadd.f32 v3, v1;
	_ =	sdelay $0x1  }
0x190: {  	v1 =	vadd.f32 v2, v1;
	v2 =	vmul.f32 v6, v4;
	_ =	sdelay $0x1  }
0x191: {  	v1 =	vadd.f32 v2, v1;
	_ =	sdelay $0x1  }
0x192: {  	v1 =	vmul.f32 $5.000000000e-01, v1;
	_ =	sdelay $0x1  }
0x193: {  	v2 =	vmul.f32 v1, v0;
	_ =	sdelay $0x1  }
0x194: {  	v2 =	vadd.f32 v2, v5;
	_ =	sdelay $0x1  }
0x195: {  	[tilespmem:s21+$0x8600] =	vst v2  }
0x196: {  	v2 =	vld [tilespmem:s22+$0x0]  }
0x197: {  	v3 =	vsub.f32 v1, v7;
	_ =	sdelay $0x1  }
0x198: {  	v4 =	vmul.f32 v3, v0  }
0x199: {  	v5 =	vld [tilespmem:s22+$0x4400]  }
0x19a: {  	v2 =	vadd.f32 v4, v2;
	_ =	sdelay $0x1  }
0x19b: {  	[tilespmem:s22+$0x8600] =	vst v2;
	s22 =	sor.u32 $0x880, s20  }
0x19c: {  	v2 =	vld [tilespmem:s22+$0x0]  }
0x19d: {  	v3 =	vadd.f32 v5, v3;
	_ =	sdelay $0x1  }
0x19e: {  	v4 =	vmul.f32 v3, v0  }
0x19f: {  	v5 =	vld [tilespmem:s22+$0x4400]  }
0x1a0: {  	v2 =	vadd.f32 v4, v2;
	_ =	sdelay $0x1  }
0x1a1: {  	[tilespmem:s22+$0x8600] =	vst v2  }
0x1a2: {  	v2 =	vld [tilespmem:s23+$0x0]  }
0x1a3: {  	v3 =	vsub.f32 v3, v5;
	_ =	sdelay $0x1  }
0x1a4: {  	v3 =	vmul.f32 v3, v0  }
0x1a5: {  	v4 =	vld [tilespmem:s23+$0x4400]  }
0x1a6: {  	v2 =	vadd.f32 v3, v2;
	_ =	sdelay $0x1  }
0x1a7: {  	[tilespmem:s23+$0x8600] =	vst v2  }
0x1a8: {  	v2 =	vld [tilespmem:s31+$0x0]  }
0x1a9: {  	v3 =	vadd.f32 v4, v1;
	_ =	sdelay $0x1  }
0x1aa: {  	v4 =	vmul.f32 v3, v0  }
0x1ab: {  	v5 =	vld [tilespmem:s31+$0x4400]  }
0x1ac: {  	v2 =	vadd.f32 v4, v2;
	_ =	sdelay $0x1  }
0x1ad: {  	s28 =	sor.u32 $0x1480, s20;
	[tilespmem:s31+$0x8600] =	vst v2  }
0x1ae: {  	v2 =	vld [tilespmem:s28+$0x0]  }
0x1af: {  	v3 =	vsub.f32 v3, v5;
	_ =	sdelay $0x1  }
0x1b0: {  	v4 =	vmul.f32 v3, v0  }
0x1b1: {  	v5 =	vld [tilespmem:s28+$0x4400]  }
0x1b2: {  	v2 =	vadd.f32 v4, v2;
	_ =	sdelay $0x1  }
0x1b3: {  	[tilespmem:s28+$0x8600] =	vst v2  }
0x1b4: {  	v2 =	vld [tilespmem:s26+$0x0]  }
0x1b5: {  	v3 =	vadd.f32 v5, v3;
	_ =	sdelay $0x1  }
0x1b6: {  	v3 =	vmul.f32 v3, v0  }
0x1b7: {  	v4 =	vld [tilespmem:s26+$0x4400]  }
0x1b8: {  	v2 =	vadd.f32 v3, v2;
	_ =	sdelay $0x1  }
0x1b9: {  	[tilespmem:s26+$0x8600] =	vst v2  }
0x1ba: {  	v2 =	vld [tilespmem:s25+$0x0]  }
0x1bb: {  	v1 =	vsub.f32 v1, v4;
	_ =	sdelay $0x1  }
0x1bc: {  	v3 =	vmul.f32 v1, v0  }
0x1bd: {  	v4 =	vld [tilespmem:s25+$0x4400]  }
0x1be: {  	v2 =	vadd.f32 v3, v2;
	_ =	sdelay $0x1  }
0x1bf: {  	s29 =	sor.u32 $0x2080, s20;
	[tilespmem:s25+$0x8600] =	vst v2  }
0x1c0: {  	v2 =	vld [tilespmem:s29+$0x0]  }
0x1c1: {  	v1 =	vadd.f32 v4, v1;
	_ =	sdelay $0x1  }
0x1c2: {  	v3 =	vmul.f32 v1, v0  }
0x1c3: {  	v4 =	vld [tilespmem:s29+$0x4400]  }
0x1c4: {  	v2 =	vadd.f32 v3, v2;
	_ =	sdelay $0x1  }
0x1c5: {  	s30 =	sor.u32 $0x2480, s20;
	[tilespmem:s29+$0x8600] =	vst v2  }
0x1c6: {  	v2 =	vld [tilespmem:s30+$0x0]  }
0x1c7: {  	v3 =	vsub.f32 v1, v4;
	_ =	sdelay $0x1  }
0x1c8: {  	v4 =	vmul.f32 v3, v0  }
0x1c9: {  	v5 =	vld [tilespmem:s30+$0x4400]  }
0x1ca: {  	v2 =	vadd.f32 v4, v2;
	_ =	sdelay $0x1  }
0x1cb: {  	s31 =	sor.u32 $0x2880, s20;
	[tilespmem:s30+$0x8600] =	vst v2  }
0x1cc: {  	v2 =	vld [tilespmem:s31+$0x0]  }
0x1cd: {  	v3 =	vadd.f32 v5, v3;
	_ =	sdelay $0x1  }
0x1ce: {  	v3 =	vmul.f32 v3, v0  }
0x1cf: {  	v4 =	vld [tilespmem:s31+$0x4400]  }
0x1d0: {  	v2 =	vadd.f32 v3, v2;
	_ =	sdelay $0x1  }
0x1d1: {  	s22 =	sor.u32 $0x2C80, s20;
	[tilespmem:s31+$0x8600] =	vst v2  }
0x1d2: {  	v2 =	vld [tilespmem:s22+$0x0]  }
0x1d3: {  	v3 =	vsub.f32 v1, v4;
	_ =	sdelay $0x1  }
0x1d4: {  	v4 =	vmul.f32 v3, v0  }
0x1d5: {  	v5 =	vld [tilespmem:s22+$0x4400]  }
0x1d6: {  	v2 =	vadd.f32 v4, v2;
	_ =	sdelay $0x1  }
0x1d7: {  	s23 =	sor.u32 $0x3080, s20;
	[tilespmem:s22+$0x8600] =	vst v2  }
0x1d8: {  	v2 =	vld [tilespmem:s23+$0x0]  }
0x1d9: {  	v3 =	vadd.f32 v5, v3;
	_ =	sdelay $0x1  }
0x1da: {  	v4 =	vmul.f32 v3, v0  }
0x1db: {  	v5 =	vld [tilespmem:s23+$0x4400]  }
0x1dc: {  	v2 =	vadd.f32 v4, v2;
	_ =	sdelay $0x1  }
0x1dd: {  	s24 =	sor.u32 $0x3480, s20;
	[tilespmem:s23+$0x8600] =	vst v2  }
0x1de: {  	v2 =	vld [tilespmem:s24+$0x0]  }
0x1df: {  	v3 =	vsub.f32 v3, v5;
	_ =	sdelay $0x1  }
0x1e0: {  	v3 =	vmul.f32 v3, v0  }
0x1e1: {  	v4 =	vld [tilespmem:s24+$0x4400]  }
0x1e2: {  	v2 =	vadd.f32 v3, v2;
	_ =	sdelay $0x1  }
0x1e3: {  	s25 =	sor.u32 $0x3880, s20;
	[tilespmem:s24+$0x8600] =	vst v2  }
0x1e4: {  	v2 =	vld [tilespmem:s25+$0x0]  }
0x1e5: {  	v1 =	vadd.f32 v4, v1;
	_ =	sdelay $0x1  }
0x1e6: {  	v3 =	vmul.f32 v1, v0  }
0x1e7: {  	v4 =	vld [tilespmem:s25+$0x4400]  }
0x1e8: {  	v2 =	vadd.f32 v3, v2;
	_ =	sdelay $0x1  }
0x1e9: {  	s26 =	sor.u32 $0x3C80, s20;
	[tilespmem:s25+$0x8600] =	vst v2  }
0x1ea: {  	v2 =	vld [tilespmem:s26+$0x0]  }
0x1eb: {  	v1 =	vsub.f32 v1, v4;
	_ =	sdelay $0x1  }
0x1ec: {  	v3 =	vmul.f32 v1, v0  }
0x1ed: {  	v4 =	vld [tilespmem:s26+$0x4400]  }
0x1ee: {  	v2 =	vadd.f32 v3, v2;
	_ =	sdelay $0x1  }
0x1ef: {  	s20 =	sor.u32 $0x4080, s20;
	[tilespmem:s26+$0x8600] =	vst v2  }
0x1f0: {  	v2 =	vld [tilespmem:s20+$0x0]  }
0x1f1: {  	v1 =	vadd.f32 v4, v1;
	_ =	sdelay $0x1  }
0x1f2: {  	v1 =	vmul.f32 v1, v0;
	_ =	sdelay $0x1  }
0x1f3: {  	v1 =	vadd.f32 v1, v2;
	_ =	sdelay $0x1  }
0x1f4: {  	[tilespmem:s20+$0x8600] =	vst v1  }
0x1f5: {  	s28 =	simm.s32 $0x0;
	v3 =	vld [tilespmem:$0x8500]  }
0x1f6: {  	s29 =	sand.u32 $0x70, s28;
	s20 =	sand.u32 $0x200, s28;
	v4 =	vld [tilespmem:$0x8510]  }
0x1f7: {  	v2 =	vld [tilespmem:$0x8520];
	s20 =	sor.u32 s29, s20  }
0x1f8: {  	v5 =	vld [tilespmem:s20+$0x100]  }
0x1f9: {  	v6 =	vld [tilespmem:s20+$0x500]  }
0x1fa: {  	v7 =	vld [tilespmem:s20+$0x4500]  }
0x1fb: {  	v8 =	vld [tilespmem:s20+$0x1100]  }
0x1fc: {  	v9 =	vld [tilespmem:s20+$0x5100]  }
0x1fd: {  	v10 =	vld [tilespmem:s20+$0x1D00]  }
0x1fe: {  	v11 =	vld [tilespmem:s20+$0x5D00]  }
0x1ff: {  	v13 =	vadd.f32 v7, v6  }
0x200: {  	v1 =	vld [tilespmem:$0x8530]  }
0x201: {  	v8 =	vsub.f32 v8, v9;
	v16 =	vmul.f32 v5, v3;
	v13 =	vmul.f32 v13, v4  }
0x202: {  	v12 =	vld [tilespmem:s20+$0x6D00]  }
0x203: {  	v14 =	vld [tilespmem:s20+$0x4900];
	v10 =	vadd.f32 v11, v10;
	v8 =	vmul.f32 v8, v2;
	v11 =	vadd.f32 v13, v16  }
0x204: {  	v15 =	vld [tilespmem:s20+$0x5500]  }
0x205: {  	v17 =	vld [tilespmem:s20+$0x6500];
	v10 =	vmul.f32 v10, v1;
	v8 =	vadd.f32 v8, v11  }
0x206: {  	v18 =	vld [tilespmem:s20+$0x7100]  }
0x207: {  	v19 =	vld [tilespmem:s20+$0x6900];
	v8 =	vadd.f32 v10, v8  }
0x208: {  	v11 =	vld [tilespmem:s20+$0x5D00]  }
0x209: {  	v13 =	vld [tilespmem:s20+$0x4D00];
	v8 =	vmul.f32 $5.000000000e-01, v8  }
0x20a: {  	v10 =	vld [tilespmem:s20+$0x6100]  }
0x20b: {  	v21 =	vld [tilespmem:s20+$0x7900];
	v7 =	vsub.f32 v8, v7  }
0x20c: {  	v22 =	vld [tilespmem:s20+$0x900]  }
0x20d: {  	v23 =	vld [tilespmem:s20+$0x7D00];
	v11 =	vsub.f32 v8, v11;
	v14 =	vadd.f32 v14, v7  }
0x20e: {  	v24 =	vld [tilespmem:s20+$0xD00]  }
0x20f: {  	v25 =	vld [tilespmem:s20+$0x8100];
	v10 =	vadd.f32 v10, v11;
	v13 =	vsub.f32 v14, v13  }
0x210: {  	v27 =	vld [tilespmem:s20+$0x1500];
	v9 =	vadd.f32 v9, v8  }
0x211: {  	v16 =	vld [tilespmem:s20+$0x5900];
	v21 =	vadd.f32 v21, v10;
	v13 =	vmul.f32 v13, v0  }
0x212: {  	v20 =	vld [tilespmem:s20+$0x7500];
	v15 =	vsub.f32 v9, v15  }
0x213: {  	v26 =	vld [tilespmem:s20+$0x1100];
	v14 =	vmul.f32 v14, v0;
	v23 =	vsub.f32 v21, v23;
	v13 =	vadd.f32 v13, v24  }
0x214: {  	v29 =	vld [tilespmem:s20+$0x4100];
	v59 =	vmul.f32 v15, v0  }
0x215: {  	v28 =	vld [tilespmem:s20+$0x1900];
	v7 =	vmul.f32 v7, v0;
	v14 =	vadd.f32 v14, v22;
	[tilespmem:s20+$0x9300] =	vst v13;
	v13 =	vadd.f32 v25, v23  }
0x216: {  	v30 =	vld [tilespmem:s20+$0x1D00];
	v62 =	vmul.f32 v8, v0;
	v15 =	vadd.f32 v16, v15;
	v16 =	vadd.f32 v59, v27  }
0x217: {  	v58 =	vld [tilespmem:s20+$0x2100];
	v9 =	vmul.f32 v9, v0;
	v7 =	vadd.f32 v7, v6;
	[tilespmem:s20+$0x8F00] =	vst v14;
	v13 =	vmul.f32 v13, v0  }
0x218: {  	v31 =	vld [tilespmem:s20+$0x2500];
	v11 =	vmul.f32 v11, v0;
	[tilespmem:s20+$0x9B00] =	vst v16;
	v14 =	vsub.f32 v10, v12;
	v16 =	vsub.f32 v10, v17  }
0x219: {  	v60 =	vld [tilespmem:s20+$0x2900];
	v8 =	vmul.f32 v15, v0;
	v10 =	vmul.f32 v10, v0;
	v15 =	vadd.f32 v13, v29  }
0x21a: {  	v61 =	vld [tilespmem:s20+$0x2D00];
	v17 =	vadd.f32 v18, v14;
	v63 =	vmul.f32 v14, v0;
	v14 =	vadd.f32 v19, v16  }
0x21b: {  	v9 =	vadd.f32 v9, v26;
	v12 =	vld [tilespmem:s20+$0x3100];
	v8 =	vadd.f32 v8, v28;
	[tilespmem:s20+$0xC700] =	vst v15;
	v15 =	vmul.f32 v16, v0  }
0x21c: {  	s30 =	simm.s32 $0x10;
	s22 =	simm.s32 $0x40;
	v10 =	vadd.f32 v10, v58;
	v18 =	vsub.f32 v17, v20;
	v19 =	vmul.f32 v14, v0;
	v13 =	vld [tilespmem:s20+$0x3500]  }
0x21d: {  	s21 =	sand.u32 $0x70, s30;
	s31 =	sand.u32 $0x200, s22;
	v11 =	vadd.f32 v11, v30;
	v6 =	vmul.f32 v23, v0;
	[tilespmem:s20+$0x9F00] =	vst v8;
	v16 =	vld [tilespmem:s20+$0x3900];
	v20 =	vadd.f32 v15, v31  }
0x21e: {  	s21 =	sor.u32 s21, s31;
	v8 =	vmul.f32 v17, v0;
	[tilespmem:s20+$0xA700] =	vst v10;
	v17 =	vld [tilespmem:s20+$0x3D00];
	v14 =	vmul.f32 v18, v0;
	v18 =	vadd.f32 v19, v60  }
0x21f: {  	s23 =	simm.s32 $0x20;
	v10 =	vadd.f32 v62, v5;
	v19 =	vadd.f32 v63, v61;
	v5 =	vld [tilespmem:s21+$0x100];
	v15 =	vmul.f32 v21, v0;
	[tilespmem:s20+$0xAB00] =	vst v20  }
.LBB2_7:
0x220: {  	p0 =	sne.s32 s23, $0xF0;
	v20 =	vld [tilespmem:s21+$0x500];
	[tilespmem:s20+$0xAF00] =	vst v18;
	v8 =	vadd.f32 v8, v12  }
0x221: {  	v12 =	vld [tilespmem:s21+$0x4500];
	[tilespmem:s20+$0xB300] =	vst v19;
	v13 =	vadd.f32 v14, v13  }
0x222: {  	v14 =	vld [tilespmem:s21+$0x1100];
	[tilespmem:s20+$0xB700] =	vst v8;
	v8 =	vadd.f32 v15, v16  }
0x223: {  	v15 =	vld [tilespmem:s21+$0x5100];
	[tilespmem:s20+$0xBB00] =	vst v13;
	v6 =	vadd.f32 v6, v17  }
0x224: {  	v13 =	vld [tilespmem:s21+$0x1D00];
	[tilespmem:s20+$0xBF00] =	vst v8  }
0x225: {  	v8 =	vld [tilespmem:s21+$0x5D00];
	[tilespmem:s20+$0xC300] =	vst v6  }
0x226: {  	v6 =	vadd.f32 v12, v20;
	v16 =	vld [tilespmem:s21+$0x6D00];
	[tilespmem:s20+$0x8B00] =	vst v7  }
0x227: {  	v7 =	vld [tilespmem:s21+$0x4900];
	[tilespmem:s20+$0x9700] =	vst v9  }
0x228: {  	v9 =	vsub.f32 v14, v15;
	v14 =	vmul.f32 v5, v3;
	v6 =	vmul.f32 v6, v4;
	v17 =	vld [tilespmem:s21+$0x5500];
	[tilespmem:s20+$0xA300] =	vst v11  }
0x229: {  	v11 =	vld [tilespmem:s21+$0x6500];
	[tilespmem:s20+$0x8700] =	vst v10;
	s20 =	smov.u32 s21  }
0x22a: {  	v8 =	vadd.f32 v8, v13;
	v6 =	vadd.f32 v6, v14;
	v9 =	vmul.f32 v9, v2;
	v10 =	vld [tilespmem:s20+$0x7100]  }
0x22b: {  	v13 =	vld [tilespmem:s20+$0x4D00]  }
0x22c: {  	v6 =	vadd.f32 v9, v6;
	v8 =	vmul.f32 v8, v1;
	v9 =	vld [tilespmem:s20+$0x5900]  }
0x22d: {  	v14 =	vld [tilespmem:s20+$0x5D00]  }
0x22e: {  	v6 =	vadd.f32 v8, v6;
	v8 =	vld [tilespmem:s20+$0x6900]  }
0x22f: {  	v18 =	vld [tilespmem:s20+$0x6100]  }
0x230: {  	v6 =	vmul.f32 $5.000000000e-01, v6;
	v19 =	vld [tilespmem:s20+$0x7500]  }
0x231: {  	v21 =	vld [tilespmem:s20+$0x7900]  }
0x232: {  	v22 =	vmul.f32 v6, v0;
	v12 =	vsub.f32 v6, v12;
	v23 =	vld [tilespmem:s20+$0x900];
	v14 =	vsub.f32 v6, v14  }
0x233: {  	v6 =	vadd.f32 v15, v6;
	v15 =	vld [tilespmem:s20+$0x7D00]  }
0x234: {  	v24 =	vmul.f32 v12, v0;
	v7 =	vadd.f32 v7, v12;
	v12 =	vld [tilespmem:s20+$0xD00];
	v18 =	vadd.f32 v18, v14  }
0x235: {  	v25 =	vmul.f32 v6, v0;
	v6 =	vsub.f32 v6, v17;
	v17 =	vmul.f32 v14, v0;
	v14 =	vld [tilespmem:s20+$0x8100]  }
0x236: {  	v26 =	vmul.f32 v7, v0;
	v27 =	vld [tilespmem:s20+$0x1100];
	v16 =	vsub.f32 v18, v16;
	v21 =	vadd.f32 v21, v18  }
0x237: {  	v7 =	vsub.f32 v7, v13;
	v28 =	vmul.f32 v6, v0;
	v11 =	vsub.f32 v18, v11;
	v13 =	vld [tilespmem:s20+$0x1500]  }
0x238: {  	v29 =	vld [tilespmem:s20+$0x1900];
	v30 =	vmul.f32 v16, v0;
	v10 =	vadd.f32 v10, v16;
	v15 =	vsub.f32 v21, v15  }
0x239: {  	v9 =	vadd.f32 v9, v6;
	v7 =	vmul.f32 v7, v0;
	v6 =	vadd.f32 v8, v11;
	v16 =	vld [tilespmem:s20+$0x4100]  }
0x23a: {  	v31 =	vld [tilespmem:s20+$0x1D00];
	v8 =	vmul.f32 v10, v0;
	v10 =	vsub.f32 v10, v19;
	v19 =	vadd.f32 v14, v15  }
0x23b: {  	v7 =	vadd.f32 v7, v12;
	v33 =	vmul.f32 v6, v0;
	v6 =	vmul.f32 v15, v0;
	v32 =	vld [tilespmem:s20+$0x2100]  }
0x23c: {  	v12 =	vadd.f32 v26, v23;
	v23 =	vld [tilespmem:s20+$0x2500];
	v14 =	vmul.f32 v10, v0;
	v10 =	vmul.f32 v19, v0  }
0x23d: {  	v9 =	vmul.f32 v9, v0;
	v13 =	vadd.f32 v28, v13;
	v19 =	vmul.f32 v11, v0;
	[tilespmem:s20+$0x9300] =	vst v7;
	v26 =	vld [tilespmem:s20+$0x2900]  }
0x23e: {  	v15 =	vmul.f32 v21, v0;
	v11 =	vmul.f32 v18, v0;
	[tilespmem:s20+$0x8F00] =	vst v12;
	v28 =	vld [tilespmem:s20+$0x2D00];
	v10 =	vadd.f32 v10, v16  }
.Ltmp2:
0x23f: {  	v7 =	vadd.f32 v24, v20;
	v16 =	vadd.f32 v9, v29;
	[tilespmem:s20+$0x9B00] =	vst v13;
	v12 =	vld [tilespmem:s20+$0x3100];
	(pc) =	sbr.rel @p0 .LBB2_7-.Ltmp2, $4  }
0x240: {  	s22 =	sadd.s32 $0x40, s22;
	v9 =	vadd.f32 v25, v27;
	v18 =	vadd.f32 v11, v32;
	v13 =	vld [tilespmem:s20+$0x3500];
	[tilespmem:s20+$0xC700] =	vst v10  }
0x241: {  	s24 =	sand.u32 $0x200, s22;
	s21 =	sand.u32 $0x70, s23;
	v11 =	vadd.f32 v17, v31;
	[tilespmem:s20+$0x9F00] =	vst v16;
	v19 =	vadd.f32 v19, v23;
	v16 =	vld [tilespmem:s20+$0x3900]  }
0x242: {  	s21 =	sor.u32 s21, s24;
	v10 =	vadd.f32 v22, v5;
	[tilespmem:s20+$0xA700] =	vst v18;
	v18 =	vadd.f32 v33, v26;
	v17 =	vld [tilespmem:s20+$0x3D00]  }
0x243: {  	s23 =	sadd.s32 $0x10, s23;
	v5 =	vld [tilespmem:s21+$0x100];
	[tilespmem:s20+$0xAB00] =	vst v19;
	v19 =	vadd.f32 v30, v28  }
0x244: {  	v20 =	vld [tilespmem:s21+$0x500];
	[tilespmem:s20+$0xAF00] =	vst v18;
	v8 =	vadd.f32 v8, v12  }
0x245: {  	v18 =	vld [tilespmem:s21+$0x4500];
	[tilespmem:s20+$0xB300] =	vst v19;
	v13 =	vadd.f32 v14, v13  }
0x246: {  	v32 =	vld [tilespmem:s21+$0x1100];
	[tilespmem:s20+$0xB700] =	vst v8;
	v33 =	vadd.f32 v15, v16  }
0x247: {  	v8 =	vld [tilespmem:s21+$0x5100];
	[tilespmem:s20+$0xBB00] =	vst v13  }
0x248: {  	v13 =	vld [tilespmem:s21+$0x1D00];
	[tilespmem:s20+$0xBF00] =	vst v33  }
0x249: {  	v14 =	vld [tilespmem:s21+$0x5D00]  }
0x24a: {  	v34 =	vadd.f32 v18, v20  }
0x24b: {  	v6 =	vadd.f32 v6, v17  }
0x24c: {  	v3 =	vmul.f32 v5, v3;
	v12 =	vsub.f32 v32, v8;
	v4 =	vmul.f32 v34, v4  }
0x24d: {  	[tilespmem:s20+$0xC300] =	vst v6  }
0x24e: {  	v6 =	vld [tilespmem:s21+$0x6D00];
	[tilespmem:s20+$0x8B00] =	vst v7;
	v13 =	vadd.f32 v14, v13;
	v3 =	vadd.f32 v4, v3;
	v2 =	vmul.f32 v12, v2  }
0x24f: {  	v7 =	vld [tilespmem:s21+$0x4900];
	[tilespmem:s20+$0x9700] =	vst v9  }
0x250: {  	v9 =	vld [tilespmem:s21+$0x5500];
	[tilespmem:s20+$0xA300] =	vst v11;
	v2 =	vadd.f32 v2, v3;
	v1 =	vmul.f32 v13, v1  }
0x251: {  	v11 =	vld [tilespmem:s21+$0x6500];
	[tilespmem:s20+$0x8700] =	vst v10  }
0x252: {  	v10 =	vld [tilespmem:s21+$0x7100];
	v1 =	vadd.f32 v1, v2  }
0x253: {  	v3 =	vld [tilespmem:s21+$0x5D00]  }
0x254: {  	v4 =	vld [tilespmem:s21+$0x4D00];
	v1 =	vmul.f32 $5.000000000e-01, v1  }
0x255: {  	v2 =	vld [tilespmem:s21+$0x6100]  }
0x256: {  	v35 =	vld [tilespmem:s21+$0x5900];
	v40 =	vsub.f32 v1, v18  }
0x257: {  	v38 =	vld [tilespmem:s21+$0x7900]  }
0x258: {  	v41 =	vld [tilespmem:s21+$0x7D00];
	v3 =	vsub.f32 v1, v3;
	v7 =	vadd.f32 v7, v40  }
0x259: {  	v19 =	vld [tilespmem:s21+$0xD00]  }
0x25a: {  	v36 =	vld [tilespmem:s21+$0x6900];
	v2 =	vadd.f32 v2, v3;
	v4 =	vsub.f32 v7, v4  }
0x25b: {  	v21 =	vld [tilespmem:s21+$0x8100]  }
0x25c: {  	v37 =	vld [tilespmem:s21+$0x7500];
	v15 =	vadd.f32 v38, v2;
	v4 =	vmul.f32 v4, v0  }
0x25d: {  	v26 =	vld [tilespmem:s21+$0x1D00];
	v8 =	vadd.f32 v8, v1  }
0x25e: {  	v39 =	vld [tilespmem:s21+$0x900];
	v18 =	vsub.f32 v15, v41;
	v4 =	vadd.f32 v4, v19  }
0x25f: {  	v25 =	vld [tilespmem:s21+$0x4100];
	v1 =	vmul.f32 v1, v0;
	v9 =	vsub.f32 v8, v9  }
0x260: {  	v23 =	vld [tilespmem:s21+$0x1500];
	v3 =	vmul.f32 v3, v0;
	[tilespmem:s21+$0x9300] =	vst v4;
	v4 =	vadd.f32 v21, v18  }
0x261: {  	v42 =	vld [tilespmem:s21+$0x2100];
	v1 =	vadd.f32 v1, v5;
	v7 =	vmul.f32 v7, v0;
	v43 =	vmul.f32 v9, v0  }
0x262: {  	v24 =	vld [tilespmem:s21+$0x1900];
	v9 =	vadd.f32 v35, v9;
	v3 =	vadd.f32 v3, v26;
	v4 =	vmul.f32 v4, v0  }
0x263: {  	v27 =	vld [tilespmem:s21+$0x2500];
	v11 =	vsub.f32 v2, v11;
	[tilespmem:s21+$0x8700] =	vst v1;
	v7 =	vadd.f32 v7, v39  }
0x264: {  	v44 =	vld [tilespmem:s21+$0x2900];
	v6 =	vsub.f32 v2, v6;
	v2 =	vmul.f32 v2, v0;
	[tilespmem:s21+$0xA300] =	vst v3;
	v4 =	vadd.f32 v4, v25  }
0x265: {  	v45 =	vadd.f32 v43, v23;
	v9 =	vmul.f32 v9, v0;
	v13 =	vadd.f32 v36, v11;
	[tilespmem:s21+$0x8F00] =	vst v7;
	v7 =	vld [tilespmem:s21+$0x2D00]  }
0x266: {  	v46 =	vld [tilespmem:s21+$0x3100];
	v48 =	vmul.f32 v11, v0;
	v2 =	vadd.f32 v2, v42;
	[tilespmem:s21+$0xC700] =	vst v4;
	v4 =	vadd.f32 v10, v6  }
0x267: {  	v47 =	vld [tilespmem:s21+$0x3500];
	[tilespmem:s21+$0x9B00] =	vst v45;
	v9 =	vadd.f32 v9, v24;
	v49 =	vmul.f32 v13, v0  }
0x268: {  	v50 =	vld [tilespmem:s21+$0x3900];
	[tilespmem:s21+$0xA700] =	vst v2;
	v6 =	vmul.f32 v6, v0;
	v10 =	vadd.f32 v48, v27;
	v51 =	vsub.f32 v4, v37  }
0x269: {  	v52 =	vld [tilespmem:s21+$0x3D00];
	[tilespmem:s21+$0x9F00] =	vst v9;
	v2 =	vmul.f32 v4, v0;
	v4 =	vadd.f32 v49, v44  }
0x26a: {  	[tilespmem:s21+$0xAB00] =	vst v10;
	v6 =	vadd.f32 v6, v7;
	v13 =	vmul.f32 v51, v0  }
0x26b: {  	v22 =	vld [tilespmem:s21+$0x1100];
	v7 =	vmul.f32 v15, v0;
	[tilespmem:s21+$0xAF00] =	vst v4;
	v2 =	vadd.f32 v2, v46  }
0x26c: {  	v4 =	vmul.f32 v18, v0;
	[tilespmem:s21+$0xB300] =	vst v6;
	v6 =	vadd.f32 v13, v47  }
0x26d: {  	v53 =	vmul.f32 v40, v0;
	[tilespmem:s21+$0xB700] =	vst v2;
	v2 =	vadd.f32 v7, v50  }
0x26e: {  	v7 =	vmul.f32 v8, v0;
	v4 =	vadd.f32 v4, v52;
	[tilespmem:s21+$0xBB00] =	vst v6  }
0x26f: {  	v6 =	vadd.f32 v53, v20;
	[tilespmem:s21+$0xBF00] =	vst v2  }
0x270: {  	v2 =	vadd.f32 v7, v22;
	[tilespmem:s21+$0xC300] =	vst v4  }
0x271: {  	[tilespmem:s21+$0x8B00] =	vst v6  }
0x272: {  	s20 =	simm.s32 $0x0;
	[tilespmem:s21+$0x9700] =	vst v2  }
0x273: {  	s29 =	sand.u32 $0xFFFFFE00, s20;
	v1 =	vld [tilespmem:$0x8580]  }
0x274: {  	s21 =	sadd.s32 $0x0, s29;
	v3 =	vld [tilespmem:$0x8590]  }
0x275: {  	v2 =	vld [tilespmem:$0x85A0];
	s22 =	sor.u32 $0x180, s21  }
0x276: {  	s23 =	sor.u32 $0x580, s21;
	v5 =	vld [tilespmem:s22+$0x0]  }
0x277: {  	v4 =	vld [tilespmem:s23+$0x0]  }
0x278: {  	s24 =	sor.u32 $0xD80, s21;
	v6 =	vld [tilespmem:s22+$0x4400]  }
0x279: {  	s25 =	sor.u32 $0x1180, s21;
	v7 =	vld [tilespmem:s24+$0x4400]  }
0x27a: {  	s26 =	sor.u32 $0x1D80, s21;
	v8 =	vld [tilespmem:s25+$0x0]  }
0x27b: {  	s28 =	sor.u32 $0x1980, s21;
	v54 =	vld [tilespmem:s26+$0x0]  }
0x27c: {  	v55 =	vld [tilespmem:s28+$0x4400]  }
0x27d: {  	v56 =	vadd.f32 v6, v4  }
0x27e: {  	v4 =	vld [tilespmem:$0x85B0]  }
0x27f: {  	v7 =	vsub.f32 v8, v7;
	v8 =	vmul.f32 v5, v1;
	v11 =	vmul.f32 v56, v3;
	_ =	sdelay $0x1  }
0x280: {  	v9 =	vadd.f32 v55, v54;
	v7 =	vmul.f32 v7, v2;
	v8 =	vadd.f32 v11, v8;
	_ =	sdelay $0x1  }
0x281: {  	v7 =	vadd.f32 v7, v8;
	v8 =	vmul.f32 v9, v4;
	_ =	sdelay $0x1  }
0x282: {  	v7 =	vadd.f32 v8, v7;
	_ =	sdelay $0x1  }
0x283: {  	v7 =	vmul.f32 $5.000000000e-01, v7;
	_ =	sdelay $0x1  }
0x284: {  	v8 =	vmul.f32 v7, v0;
	_ =	sdelay $0x1  }
0x285: {  	v5 =	vadd.f32 v8, v5;
	_ =	sdelay $0x1  }
0x286: {  	[tilespmem:s22+$0x8600] =	vst v5  }
0x287: {  	v5 =	vld [tilespmem:s23+$0x0]  }
0x288: {  	v6 =	vsub.f32 v7, v6;
	_ =	sdelay $0x1  }
0x289: {  	v8 =	vmul.f32 v6, v0  }
0x28a: {  	v57 =	vld [tilespmem:s23+$0x4400]  }
0x28b: {  	v5 =	vadd.f32 v8, v5;
	_ =	sdelay $0x1  }
0x28c: {  	s30 =	sor.u32 $0x980, s21;
	[tilespmem:s23+$0x8600] =	vst v5  }
0x28d: {  	v5 =	vld [tilespmem:s30+$0x0]  }
0x28e: {  	v6 =	vadd.f32 v57, v6;
	_ =	sdelay $0x1  }
0x28f: {  	v8 =	vmul.f32 v6, v0  }
0x290: {  	v58 =	vld [tilespmem:s30+$0x4400]  }
0x291: {  	v5 =	vadd.f32 v8, v5;
	_ =	sdelay $0x1  }
0x292: {  	[tilespmem:s30+$0x8600] =	vst v5  }
0x293: {  	v5 =	vld [tilespmem:s24+$0x0]  }
0x294: {  	v6 =	vsub.f32 v6, v58;
	_ =	sdelay $0x1  }
0x295: {  	v6 =	vmul.f32 v6, v0  }
0x296: {  	v8 =	vld [tilespmem:s24+$0x4400]  }
0x297: {  	v5 =	vadd.f32 v6, v5;
	_ =	sdelay $0x1  }
0x298: {  	[tilespmem:s24+$0x8600] =	vst v5  }
0x299: {  	v5 =	vld [tilespmem:s25+$0x0]  }
0x29a: {  	v6 =	vadd.f32 v8, v7;
	_ =	sdelay $0x1  }
0x29b: {  	v8 =	vmul.f32 v6, v0  }
0x29c: {  	v59 =	vld [tilespmem:s25+$0x4400]  }
0x29d: {  	v5 =	vadd.f32 v8, v5;
	_ =	sdelay $0x1  }
0x29e: {  	s31 =	sor.u32 $0x1580, s21;
	[tilespmem:s25+$0x8600] =	vst v5  }
0x29f: {  	v5 =	vld [tilespmem:s31+$0x0]  }
0x2a0: {  	v6 =	vsub.f32 v6, v59;
	_ =	sdelay $0x1  }
0x2a1: {  	v8 =	vmul.f32 v6, v0  }
0x2a2: {  	v60 =	vld [tilespmem:s31+$0x4400]  }
0x2a3: {  	v5 =	vadd.f32 v8, v5;
	_ =	sdelay $0x1  }
0x2a4: {  	[tilespmem:s31+$0x8600] =	vst v5  }
0x2a5: {  	v5 =	vld [tilespmem:s28+$0x0]  }
0x2a6: {  	v6 =	vadd.f32 v60, v6;
	_ =	sdelay $0x1  }
0x2a7: {  	v6 =	vmul.f32 v6, v0  }
0x2a8: {  	v8 =	vld [tilespmem:s28+$0x4400]  }
0x2a9: {  	v5 =	vadd.f32 v6, v5;
	_ =	sdelay $0x1  }
0x2aa: {  	[tilespmem:s28+$0x8600] =	vst v5  }
0x2ab: {  	v5 =	vld [tilespmem:s26+$0x0]  }
0x2ac: {  	v6 =	vsub.f32 v7, v8;
	_ =	sdelay $0x1  }
0x2ad: {  	v7 =	vmul.f32 v6, v0  }
0x2ae: {  	v8 =	vld [tilespmem:s26+$0x4400]  }
0x2af: {  	v5 =	vadd.f32 v7, v5;
	_ =	sdelay $0x1  }
0x2b0: {  	s23 =	sor.u32 $0x2180, s21;
	[tilespmem:s26+$0x8600] =	vst v5  }
0x2b1: {  	v5 =	vld [tilespmem:s23+$0x0]  }
0x2b2: {  	v6 =	vadd.f32 v8, v6;
	_ =	sdelay $0x1  }
0x2b3: {  	v7 =	vmul.f32 v6, v0  }
0x2b4: {  	v8 =	vld [tilespmem:s23+$0x4400]  }
0x2b5: {  	v5 =	vadd.f32 v7, v5;
	_ =	sdelay $0x1  }
0x2b6: {  	s24 =	sor.u32 $0x2580, s21;
	[tilespmem:s23+$0x8600] =	vst v5  }
0x2b7: {  	v5 =	vld [tilespmem:s24+$0x0]  }
0x2b8: {  	v7 =	vsub.f32 v6, v8;
	_ =	sdelay $0x1  }
0x2b9: {  	v8 =	vmul.f32 v7, v0  }
0x2ba: {  	v61 =	vld [tilespmem:s24+$0x4400]  }
0x2bb: {  	v5 =	vadd.f32 v8, v5;
	_ =	sdelay $0x1  }
0x2bc: {  	s25 =	sor.u32 $0x2980, s21;
	[tilespmem:s24+$0x8600] =	vst v5  }
0x2bd: {  	v5 =	vld [tilespmem:s25+$0x0]  }
0x2be: {  	v7 =	vadd.f32 v61, v7;
	_ =	sdelay $0x1  }
0x2bf: {  	v7 =	vmul.f32 v7, v0  }
0x2c0: {  	v8 =	vld [tilespmem:s25+$0x4400]  }
0x2c1: {  	v5 =	vadd.f32 v7, v5;
	_ =	sdelay $0x1  }
0x2c2: {  	s26 =	sor.u32 $0x2D80, s21;
	[tilespmem:s25+$0x8600] =	vst v5  }
0x2c3: {  	v5 =	vld [tilespmem:s26+$0x0]  }
0x2c4: {  	v7 =	vsub.f32 v6, v8;
	_ =	sdelay $0x1  }
0x2c5: {  	v8 =	vmul.f32 v7, v0  }
0x2c6: {  	v62 =	vld [tilespmem:s26+$0x4400]  }
0x2c7: {  	v5 =	vadd.f32 v8, v5;
	_ =	sdelay $0x1  }
0x2c8: {  	s28 =	sor.u32 $0x3180, s21;
	[tilespmem:s26+$0x8600] =	vst v5  }
0x2c9: {  	v5 =	vld [tilespmem:s28+$0x0]  }
0x2ca: {  	v7 =	vadd.f32 v62, v7;
	_ =	sdelay $0x1  }
0x2cb: {  	v8 =	vmul.f32 v7, v0  }
0x2cc: {  	v63 =	vld [tilespmem:s28+$0x4400]  }
0x2cd: {  	v5 =	vadd.f32 v8, v5;
	_ =	sdelay $0x1  }
0x2ce: {  	s29 =	sor.u32 $0x3580, s21;
	[tilespmem:s28+$0x8600] =	vst v5  }
0x2cf: {  	v5 =	vld [tilespmem:s29+$0x0]  }
0x2d0: {  	v7 =	vsub.f32 v7, v63;
	_ =	sdelay $0x1  }
0x2d1: {  	v7 =	vmul.f32 v7, v0  }
0x2d2: {  	v8 =	vld [tilespmem:s29+$0x4400]  }
0x2d3: {  	v5 =	vadd.f32 v7, v5;
	_ =	sdelay $0x1  }
0x2d4: {  	s30 =	sor.u32 $0x3980, s21;
	[tilespmem:s29+$0x8600] =	vst v5  }
0x2d5: {  	v5 =	vld [tilespmem:s30+$0x0]  }
0x2d6: {  	v6 =	vadd.f32 v8, v6;
	_ =	sdelay $0x1  }
0x2d7: {  	v7 =	vmul.f32 v6, v0  }
0x2d8: {  	v8 =	vld [tilespmem:s30+$0x4400]  }
0x2d9: {  	v5 =	vadd.f32 v7, v5;
	_ =	sdelay $0x1  }
0x2da: {  	s31 =	sor.u32 $0x3D80, s21;
	[tilespmem:s30+$0x8600] =	vst v5  }
0x2db: {  	v5 =	vld [tilespmem:s31+$0x0]  }
0x2dc: {  	v6 =	vsub.f32 v6, v8;
	_ =	sdelay $0x1  }
0x2dd: {  	v8 =	vmul.f32 v6, v0;
	v7 =	vld [tilespmem:s31+$0x4400];
	_ =	sdelay $0x1  }
0x2de: {  	v5 =	vadd.f32 v8, v5;
	_ =	sdelay $0x1  }
0x2df: {  	s24 =	sor.u32 $0x4180, s21;
	[tilespmem:s31+$0x8600] =	vst v5  }
0x2e0: {  	v6 =	vadd.f32 v7, v6;
	v5 =	vld [tilespmem:s24+$0x0];
	_ =	sdelay $0x1  }
0x2e1: {  	s23 =	simm.s32 $0x80;
	s21 =	simm.s32 $0x40;
	v6 =	vmul.f32 v6, v0  }
.LBB2_9:
0x2e2: {  	s25 =	sand.u32 $0xFFFFFE00, s21  }
0x2e3: {  	s20 =	sadd.s32 $0x10, s20;
	s21 =	smov.u32 s23;
	s22 =	sadd.s32 $0x40, s23  }
0x2e4: {  	p0 =	sne.s32 s23, $0x3C0;
	s23 =	sadd.s32 s25, s20;
	v5 =	vadd.f32 v6, v5  }
0x2e5: {  	s30 =	sor.u32 $0x180, s23;
	s29 =	sor.u32 $0x580, s23  }
0x2e6: {  	[tilespmem:s24+$0x8600] =	vst v5  }
0x2e7: {  	s26 =	sor.u32 $0x1180, s23;
	s28 =	sor.u32 $0xD80, s23;
	v5 =	vld [tilespmem:s30+$0x0]  }
0x2e8: {  	v6 =	vld [tilespmem:s29+$0x0]  }
0x2e9: {  	v7 =	vld [tilespmem:s30+$0x4400]  }
0x2ea: {  	v8 =	vld [tilespmem:s28+$0x4400]  }
0x2eb: {  	s25 =	sor.u32 $0x1980, s23;
	s24 =	sor.u32 $0x1D80, s23;
	v9 =	vld [tilespmem:s26+$0x0]  }
0x2ec: {  	v10 =	vld [tilespmem:s24+$0x0]  }
0x2ed: {  	v11 =	vld [tilespmem:s25+$0x4400]  }
0x2ee: {  	v6 =	vadd.f32 v7, v6;
	_ =	sdelay $0x1  }
0x2ef: {  	v8 =	vsub.f32 v9, v8;
	v9 =	vmul.f32 v5, v1;
	v6 =	vmul.f32 v6, v3;
	_ =	sdelay $0x1  }
0x2f0: {  	v10 =	vadd.f32 v11, v10;
	v6 =	vadd.f32 v6, v9;
	v8 =	vmul.f32 v8, v2;
	_ =	sdelay $0x1  }
0x2f1: {  	v6 =	vadd.f32 v8, v6;
	v8 =	vmul.f32 v10, v4;
	_ =	sdelay $0x1  }
0x2f2: {  	v6 =	vadd.f32 v8, v6;
	_ =	sdelay $0x1  }
0x2f3: {  	v6 =	vmul.f32 $5.000000000e-01, v6;
	_ =	sdelay $0x1  }
0x2f4: {  	v8 =	vmul.f32 v6, v0;
	v7 =	vsub.f32 v6, v7;
	_ =	sdelay $0x1  }
0x2f5: {  	v5 =	vadd.f32 v8, v5;
	_ =	sdelay $0x1  }
0x2f6: {  	[tilespmem:s30+$0x8600] =	vst v5  }
0x2f7: {  	v5 =	vld [tilespmem:s29+$0x0];
	_ =	sdelay $0x2  }
0x2f8: {  	v8 =	vmul.f32 v7, v0  }
0x2f9: {  	v9 =	vld [tilespmem:s29+$0x4400]  }
0x2fa: {  	v5 =	vadd.f32 v8, v5;
	_ =	sdelay $0x1  }
0x2fb: {  	[tilespmem:s29+$0x8600] =	vst v5;
	s29 =	sor.u32 $0x980, s23  }
0x2fc: {  	v5 =	vld [tilespmem:s29+$0x0]  }
0x2fd: {  	v7 =	vadd.f32 v9, v7;
	_ =	sdelay $0x1  }
0x2fe: {  	v8 =	vmul.f32 v7, v0  }
0x2ff: {  	v9 =	vld [tilespmem:s29+$0x4400]  }
0x300: {  	v5 =	vadd.f32 v8, v5;
	_ =	sdelay $0x1  }
0x301: {  	[tilespmem:s29+$0x8600] =	vst v5  }
0x302: {  	v5 =	vld [tilespmem:s28+$0x0]  }
0x303: {  	v7 =	vsub.f32 v7, v9;
	_ =	sdelay $0x1  }
0x304: {  	v7 =	vmul.f32 v7, v0  }
0x305: {  	v8 =	vld [tilespmem:s28+$0x4400]  }
0x306: {  	v5 =	vadd.f32 v7, v5;
	_ =	sdelay $0x1  }
0x307: {  	[tilespmem:s28+$0x8600] =	vst v5  }
0x308: {  	v5 =	vld [tilespmem:s26+$0x0]  }
0x309: {  	v7 =	vadd.f32 v8, v6;
	_ =	sdelay $0x1  }
0x30a: {  	v8 =	vmul.f32 v7, v0  }
0x30b: {  	v9 =	vld [tilespmem:s26+$0x4400]  }
0x30c: {  	v5 =	vadd.f32 v8, v5;
	_ =	sdelay $0x1  }
0x30d: {  	[tilespmem:s26+$0x8600] =	vst v5;
	s26 =	sor.u32 $0x1580, s23  }
0x30e: {  	v5 =	vld [tilespmem:s26+$0x0]  }
0x30f: {  	v7 =	vsub.f32 v7, v9;
	_ =	sdelay $0x1  }
0x310: {  	v8 =	vmul.f32 v7, v0  }
0x311: {  	v9 =	vld [tilespmem:s26+$0x4400]  }
0x312: {  	v5 =	vadd.f32 v8, v5;
	_ =	sdelay $0x1  }
0x313: {  	[tilespmem:s26+$0x8600] =	vst v5  }
0x314: {  	v5 =	vld [tilespmem:s25+$0x0]  }
0x315: {  	v7 =	vadd.f32 v9, v7;
	_ =	sdelay $0x1  }
0x316: {  	v7 =	vmul.f32 v7, v0  }
0x317: {  	v8 =	vld [tilespmem:s25+$0x4400]  }
0x318: {  	v5 =	vadd.f32 v7, v5;
	_ =	sdelay $0x1  }
0x319: {  	[tilespmem:s25+$0x8600] =	vst v5  }
0x31a: {  	v5 =	vld [tilespmem:s24+$0x0]  }
0x31b: {  	v6 =	vsub.f32 v6, v8;
	_ =	sdelay $0x1  }
0x31c: {  	v7 =	vmul.f32 v6, v0  }
0x31d: {  	v8 =	vld [tilespmem:s24+$0x4400]  }
0x31e: {  	v5 =	vadd.f32 v7, v5;
	_ =	sdelay $0x1  }
0x31f: {  	[tilespmem:s24+$0x8600] =	vst v5;
	s24 =	sor.u32 $0x2180, s23  }
0x320: {  	v5 =	vld [tilespmem:s24+$0x0]  }
0x321: {  	v6 =	vadd.f32 v8, v6;
	_ =	sdelay $0x1  }
0x322: {  	v7 =	vmul.f32 v6, v0  }
0x323: {  	v8 =	vld [tilespmem:s24+$0x4400]  }
0x324: {  	v5 =	vadd.f32 v7, v5;
	_ =	sdelay $0x1  }
0x325: {  	[tilespmem:s24+$0x8600] =	vst v5;
	s24 =	sor.u32 $0x2580, s23  }
0x326: {  	v5 =	vld [tilespmem:s24+$0x0]  }
0x327: {  	v7 =	vsub.f32 v6, v8;
	v8 =	vld [tilespmem:s24+$0x4400];
	_ =	sdelay $0x1  }
0x328: {  	v9 =	vmul.f32 v7, v0;
	_ =	sdelay $0x1  }
0x329: {  	v5 =	vadd.f32 v9, v5  }
0x32a: {  	v7 =	vadd.f32 v8, v7  }
0x32b: {  	[tilespmem:s24+$0x8600] =	vst v5;
	s24 =	sor.u32 $0x2980, s23  }
0x32c: {  	v5 =	vld [tilespmem:s24+$0x0]  }
0x32d: {  	v8 =	vld [tilespmem:s24+$0x4400];
	_ =	sdelay $0x1  }
0x32e: {  	v7 =	vmul.f32 v7, v0;
	_ =	sdelay $0x1  }
0x32f: {  	v5 =	vadd.f32 v7, v5  }
0x330: {  	v7 =	vsub.f32 v6, v8  }
0x331: {  	[tilespmem:s24+$0x8600] =	vst v5;
	s24 =	sor.u32 $0x2D80, s23  }
0x332: {  	v5 =	vld [tilespmem:s24+$0x0]  }
0x333: {  	v8 =	vld [tilespmem:s24+$0x4400];
	_ =	sdelay $0x1  }
0x334: {  	v9 =	vmul.f32 v7, v0;
	_ =	sdelay $0x1  }
0x335: {  	v5 =	vadd.f32 v9, v5  }
0x336: {  	v7 =	vadd.f32 v8, v7  }
0x337: {  	[tilespmem:s24+$0x8600] =	vst v5;
	s24 =	sor.u32 $0x3180, s23  }
0x338: {  	v5 =	vld [tilespmem:s24+$0x0]  }
0x339: {  	v8 =	vld [tilespmem:s24+$0x4400];
	_ =	sdelay $0x1  }
0x33a: {  	v9 =	vmul.f32 v7, v0;
	_ =	sdelay $0x1  }
0x33b: {  	v5 =	vadd.f32 v9, v5  }
0x33c: {  	v7 =	vsub.f32 v7, v8  }
0x33d: {  	[tilespmem:s24+$0x8600] =	vst v5;
	s24 =	sor.u32 $0x3580, s23  }
0x33e: {  	v5 =	vld [tilespmem:s24+$0x0]  }
0x33f: {  	v8 =	vld [tilespmem:s24+$0x4400];
	_ =	sdelay $0x1  }
0x340: {  	v7 =	vmul.f32 v7, v0;
	_ =	sdelay $0x1  }
0x341: {  	v5 =	vadd.f32 v7, v5  }
0x342: {  	v6 =	vadd.f32 v8, v6  }
0x343: {  	[tilespmem:s24+$0x8600] =	vst v5;
	s24 =	sor.u32 $0x3980, s23  }
0x344: {  	v5 =	vld [tilespmem:s24+$0x0]  }
0x345: {  	v7 =	vld [tilespmem:s24+$0x4400];
	_ =	sdelay $0x1  }
0x346: {  	v8 =	vmul.f32 v6, v0;
	_ =	sdelay $0x1  }
0x347: {  	v5 =	vadd.f32 v8, v5  }
0x348: {  	v6 =	vsub.f32 v6, v7  }
0x349: {  	[tilespmem:s24+$0x8600] =	vst v5;
	s24 =	sor.u32 $0x3D80, s23  }
0x34a: {  	v5 =	vld [tilespmem:s24+$0x0]  }
0x34b: {  	v7 =	vld [tilespmem:s24+$0x4400];
	_ =	sdelay $0x1  }
0x34c: {  	v8 =	vmul.f32 v6, v0;
	_ =	sdelay $0x1  }
0x34d: {  	v5 =	vadd.f32 v8, v5  }
0x34e: {  	v6 =	vadd.f32 v7, v6  }
.Ltmp3:
0x34f: {  	[tilespmem:s24+$0x8600] =	vst v5;
	s24 =	sor.u32 $0x4180, s23;
	(pc) =	sbr.rel @p0 .LBB2_9-.Ltmp3, $2  }
0x350: {  	v5 =	vld [tilespmem:s24+$0x0];
	_ =	sdelay $0x2  }
0x351: {  	s23 =	smov.u32 s22;
	v6 =	vmul.f32 v6, v0  }
0x352: {  	_ = 	snop  }
0x353: {  	s21 =	sand.u32 $0xFFFFFE00, s21;
	s20 =	sadd.s32 $0x10, s20;
	v5 =	vadd.f32 v6, v5  }
0x354: {  	s20 =	sadd.s32 s21, s20  }
0x355: {  	s21 =	sor.u32 $0x180, s20;
	[tilespmem:s24+$0x8600] =	vst v5  }
0x356: {  	s22 =	sor.u32 $0x580, s20;
	v5 =	vld [tilespmem:s21+$0x0]  }
0x357: {  	v43 =	vld [tilespmem:s22+$0x0]  }
0x358: {  	s23 =	sor.u32 $0xD80, s20;
	v7 =	vld [tilespmem:s21+$0x4400]  }
0x359: {  	s30 =	sor.u32 $0x1180, s20;
	v8 =	vld [tilespmem:s23+$0x4400]  }
0x35a: {  	s25 =	sor.u32 $0x1D80, s20;
	v9 =	vld [tilespmem:s30+$0x0]  }
0x35b: {  	s26 =	sor.u32 $0x1980, s20;
	v10 =	vld [tilespmem:s25+$0x0]  }
0x35c: {  	v11 =	vld [tilespmem:s26+$0x4400]  }
0x35d: {  	v6 =	vadd.f32 v7, v43;
	_ =	sdelay $0x1  }
0x35e: {  	v8 =	vsub.f32 v9, v8;
	v1 =	vmul.f32 v5, v1;
	v3 =	vmul.f32 v6, v3;
	_ =	sdelay $0x1  }
0x35f: {  	v44 =	vadd.f32 v11, v10;
	v2 =	vmul.f32 v8, v2;
	v1 =	vadd.f32 v3, v1;
	_ =	sdelay $0x1  }
0x360: {  	v1 =	vadd.f32 v2, v1;
	v2 =	vmul.f32 v44, v4;
	_ =	sdelay $0x1  }
0x361: {  	v1 =	vadd.f32 v2, v1;
	_ =	sdelay $0x1  }
0x362: {  	v1 =	vmul.f32 $5.000000000e-01, v1;
	_ =	sdelay $0x1  }
0x363: {  	v2 =	vmul.f32 v1, v0;
	_ =	sdelay $0x1  }
0x364: {  	v2 =	vadd.f32 v2, v5;
	_ =	sdelay $0x1  }
0x365: {  	[tilespmem:s21+$0x8600] =	vst v2  }
0x366: {  	v2 =	vld [tilespmem:s22+$0x0]  }
0x367: {  	v3 =	vsub.f32 v1, v7;
	_ =	sdelay $0x1  }
0x368: {  	v45 =	vmul.f32 v3, v0  }
0x369: {  	v46 =	vld [tilespmem:s22+$0x4400]  }
0x36a: {  	v2 =	vadd.f32 v45, v2;
	_ =	sdelay $0x1  }
0x36b: {  	s31 =	sor.u32 $0x980, s20;
	[tilespmem:s22+$0x8600] =	vst v2  }
0x36c: {  	v2 =	vld [tilespmem:s31+$0x0]  }
0x36d: {  	v3 =	vadd.f32 v46, v3;
	_ =	sdelay $0x1  }
0x36e: {  	v47 =	vmul.f32 v3, v0  }
0x36f: {  	v48 =	vld [tilespmem:s31+$0x4400]  }
0x370: {  	v2 =	vadd.f32 v47, v2;
	_ =	sdelay $0x1  }
0x371: {  	[tilespmem:s31+$0x8600] =	vst v2  }
0x372: {  	v2 =	vld [tilespmem:s23+$0x0]  }
0x373: {  	v3 =	vsub.f32 v3, v48;
	_ =	sdelay $0x1  }
0x374: {  	v3 =	vmul.f32 v3, v0  }
0x375: {  	v49 =	vld [tilespmem:s23+$0x4400]  }
0x376: {  	v2 =	vadd.f32 v3, v2;
	_ =	sdelay $0x1  }
0x377: {  	[tilespmem:s23+$0x8600] =	vst v2  }
0x378: {  	v2 =	vld [tilespmem:s30+$0x0]  }
0x379: {  	v3 =	vadd.f32 v49, v1;
	_ =	sdelay $0x1  }
0x37a: {  	v4 =	vmul.f32 v3, v0  }
0x37b: {  	v50 =	vld [tilespmem:s30+$0x4400]  }
0x37c: {  	v2 =	vadd.f32 v4, v2;
	_ =	sdelay $0x1  }
0x37d: {  	s22 =	sor.u32 $0x1580, s20;
	[tilespmem:s30+$0x8600] =	vst v2  }
0x37e: {  	v2 =	vld [tilespmem:s22+$0x0]  }
0x37f: {  	v3 =	vsub.f32 v3, v50;
	_ =	sdelay $0x1  }
0x380: {  	v51 =	vmul.f32 v3, v0  }
0x381: {  	v52 =	vld [tilespmem:s22+$0x4400]  }
0x382: {  	v2 =	vadd.f32 v51, v2;
	_ =	sdelay $0x1  }
0x383: {  	[tilespmem:s22+$0x8600] =	vst v2  }
0x384: {  	v2 =	vld [tilespmem:s26+$0x0]  }
0x385: {  	v3 =	vadd.f32 v52, v3;
	_ =	sdelay $0x1  }
0x386: {  	v3 =	vmul.f32 v3, v0  }
0x387: {  	v53 =	vld [tilespmem:s26+$0x4400]  }
0x388: {  	v2 =	vadd.f32 v3, v2;
	_ =	sdelay $0x1  }
0x389: {  	[tilespmem:s26+$0x8600] =	vst v2  }
0x38a: {  	v2 =	vld [tilespmem:s25+$0x0]  }
0x38b: {  	v1 =	vsub.f32 v1, v53;
	_ =	sdelay $0x1  }
0x38c: {  	v3 =	vmul.f32 v1, v0  }
0x38d: {  	v54 =	vld [tilespmem:s25+$0x4400]  }
0x38e: {  	v2 =	vadd.f32 v3, v2;
	_ =	sdelay $0x1  }
0x38f: {  	s23 =	sor.u32 $0x2180, s20;
	[tilespmem:s25+$0x8600] =	vst v2  }
0x390: {  	v2 =	vld [tilespmem:s23+$0x0]  }
0x391: {  	v1 =	vadd.f32 v54, v1;
	_ =	sdelay $0x1  }
0x392: {  	v3 =	vmul.f32 v1, v0  }
0x393: {  	v55 =	vld [tilespmem:s23+$0x4400]  }
0x394: {  	v2 =	vadd.f32 v3, v2;
	_ =	sdelay $0x1  }
0x395: {  	s24 =	sor.u32 $0x2580, s20;
	[tilespmem:s23+$0x8600] =	vst v2  }
0x396: {  	v2 =	vld [tilespmem:s24+$0x0]  }
0x397: {  	v3 =	vsub.f32 v1, v55;
	_ =	sdelay $0x1  }
0x398: {  	v4 =	vmul.f32 v3, v0  }
0x399: {  	v56 =	vld [tilespmem:s24+$0x4400]  }
0x39a: {  	v2 =	vadd.f32 v4, v2;
	_ =	sdelay $0x1  }
0x39b: {  	s25 =	sor.u32 $0x2980, s20;
	[tilespmem:s24+$0x8600] =	vst v2  }
0x39c: {  	v2 =	vld [tilespmem:s25+$0x0]  }
0x39d: {  	v3 =	vadd.f32 v56, v3;
	_ =	sdelay $0x1  }
0x39e: {  	v3 =	vmul.f32 v3, v0  }
0x39f: {  	v57 =	vld [tilespmem:s25+$0x4400]  }
0x3a0: {  	v2 =	vadd.f32 v3, v2;
	_ =	sdelay $0x1  }
0x3a1: {  	s26 =	sor.u32 $0x2D80, s20;
	[tilespmem:s25+$0x8600] =	vst v2  }
0x3a2: {  	v2 =	vld [tilespmem:s26+$0x0]  }
0x3a3: {  	v3 =	vsub.f32 v1, v57;
	_ =	sdelay $0x1  }
0x3a4: {  	v4 =	vmul.f32 v3, v0  }
0x3a5: {  	v58 =	vld [tilespmem:s26+$0x4400]  }
0x3a6: {  	v2 =	vadd.f32 v4, v2;
	_ =	sdelay $0x1  }
0x3a7: {  	s28 =	sor.u32 $0x3180, s20;
	[tilespmem:s26+$0x8600] =	vst v2  }
0x3a8: {  	v2 =	vld [tilespmem:s28+$0x0]  }
0x3a9: {  	v3 =	vadd.f32 v58, v3;
	_ =	sdelay $0x1  }
0x3aa: {  	v59 =	vmul.f32 v3, v0  }
0x3ab: {  	v60 =	vld [tilespmem:s28+$0x4400]  }
0x3ac: {  	v2 =	vadd.f32 v59, v2;
	_ =	sdelay $0x1  }
0x3ad: {  	s29 =	sor.u32 $0x3580, s20;
	[tilespmem:s28+$0x8600] =	vst v2  }
0x3ae: {  	v2 =	vld [tilespmem:s29+$0x0]  }
0x3af: {  	v3 =	vsub.f32 v3, v60;
	_ =	sdelay $0x1  }
0x3b0: {  	v3 =	vmul.f32 v3, v0  }
0x3b1: {  	v61 =	vld [tilespmem:s29+$0x4400]  }
0x3b2: {  	v2 =	vadd.f32 v3, v2;
	_ =	sdelay $0x1  }
0x3b3: {  	s30 =	sor.u32 $0x3980, s20;
	[tilespmem:s29+$0x8600] =	vst v2  }
0x3b4: {  	v2 =	vld [tilespmem:s30+$0x0]  }
0x3b5: {  	v1 =	vadd.f32 v61, v1;
	_ =	sdelay $0x1  }
0x3b6: {  	v3 =	vmul.f32 v1, v0  }
0x3b7: {  	v62 =	vld [tilespmem:s30+$0x4400]  }
0x3b8: {  	v2 =	vadd.f32 v3, v2;
	_ =	sdelay $0x1  }
0x3b9: {  	s31 =	sor.u32 $0x3D80, s20;
	[tilespmem:s30+$0x8600] =	vst v2  }
0x3ba: {  	v2 =	vld [tilespmem:s31+$0x0]  }
0x3bb: {  	v1 =	vsub.f32 v1, v62;
	_ =	sdelay $0x1  }
0x3bc: {  	v3 =	vmul.f32 v1, v0  }
0x3bd: {  	v63 =	vld [tilespmem:s31+$0x4400]  }
0x3be: {  	v2 =	vadd.f32 v3, v2;
	_ =	sdelay $0x1  }
0x3bf: {  	s20 =	sor.u32 $0x4180, s20;
	[tilespmem:s31+$0x8600] =	vst v2  }
0x3c0: {  	v2 =	vld [tilespmem:s20+$0x0]  }
0x3c1: {  	v1 =	vadd.f32 v63, v1;
	_ =	sdelay $0x1  }
0x3c2: {  	v1 =	vmul.f32 v1, v0;
	_ =	sdelay $0x1  }
0x3c3: {  	s18 =	sadd.s32 $0x1, s18;
	v1 =	vadd.f32 v1, v2  }
0x3c4: {  	p0 =	sne.s32 s18, $0x20  }
.Ltmp4:
0x3c5: {  	s19 =	sadd.s32 s1, s19;
	[tilespmem:s20+$0x8600] =	vst v1;
	(pc) =	sbr.rel @p0 .LBB2_2-.Ltmp4, $4  }
0x3c6: {  	[hbm4b:s19+s12] =	stream.strided.scatter [tilespmem:s16], [sflag:$0x1], $0x4400, s13, s12, $0x38;
	[tilespmem:$0xCA80] =	vst v63  }
0x3c7: {  	_ =	swait.ge [sflag:s11], $0x4400  }
0x3c8: {  	[sflag:s11] =	ssyncset.done $0x0  }
0x3c9: {  	[sflag:s11] =	ssyncadd.s32 $0xFFFFBC00  }
0x3ca: {  	s17 =	sadd.s32 $0x1, s17  }
0x3cb: {  	p0 =	sne.s32 s17, s9  }
.Ltmp5:
0x3cc: {  	_ = 	snop;
	(pc) =	sbr.rel @p0 .LBB2_1-.Ltmp5, $1  }
0x3cd: {  	_ =	sdelay $0x3  }
0x3ce: {  	_ =	sfence.sel $0x180000  }
0x3cf: {  	[bflag:$0x0] =	sbarrier.arrive $0xFFFF  }
0x3d0: {  	p0 =	sne.s32 s3, $0x0;
	_ =	strace $0x9000004A  }
0x3d1: {  	s0 =	sadd.s32 @!p0 $0x100000, s0;
	[bflag:$0x2] =	sbarrier.arrive $0xFFFF  }
0x3d2: {  	[sflag:s0] =	ssyncadd.tile.s32 @!p0 $0x1;
	_ =	shalt  }
.Lfunc_end2:
_tile_overlayer_lowered:
.L_overlay_start_2:
0x3d3: {  	(tag) =	ssettag $0x2  }
0x3d4: {  	s0 =	rddreg [dreg:$0x0];
	s2 =	stileid.u32  }
0x3d5: {  	s1 =	rddreg [dreg:$0x1];
	p0 =	sne.s32 s2, $0x0  }
0x3d6: {  	s3 =	rddreg [dreg:$0x2];
	[bflag:$0x3] =	sbarrier.arrive $0xFFFF;
	s2 =	simm.s32 @!p0 $0x1C01  }
0x3d7: {  	[timem:s3], [sflag:s2] =	dma.local @!p0 [hbm:s0], s1  }
0x3d8: {  	s0 =	simm.s32 @!p0 $0x1  }
0x3d9: {  	_ =	swait.ge @!p0 [sflag:s0], s1  }
0x3da: {  	s1 =	ssub.s32 @!p0 $0x0, s1;
	[sflag:s0] =	ssyncset.done @!p0 $0x0  }
0x3db: {  	[sflag:s0] =	ssyncadd.s32 @!p0 s1  }
0x3dc: {  	[bflag:$0x3] =	sbarrier.arrive $0xFFFF  }
0x3dd: {  	_ =	shalt  }

// kernel: sparse-core-data-format-call.1.cloned.1.call-start
scs
called_computation.1_lowered:
.L_overlay_start_0:
0x0: {  	s2 =	sld [smem:$0x3FD9]  }
0x1: {  	s3 =	sld [smem:$0x3FFE];
	_ =	sdelay $0x1  }
0x2: {  	s1 =	srdreg.scid  }
0x3: {  	s0 =	sand.u32 $0x1, s1  }
0x4: {  	s18 =	sshll.u32 s0, $0xA;
	s2 =	sadd.s32 s3, s2  }
0x5: {  	s2 =	sadd.s32 s2, s18  }
0x6: {  	[smem:$0x3FC4] =	sst s2  }
0x7: {  	_ = 	snop  }
0x8: {  	s2 =	sld [smem:$0x3FC8];
	(tm) =	ssettm $0x1  }
0x9: {  	s19 =	sld [smem:$0x3FFB];
	_ =	sdelay $0x3  }
0xa: {  	_ =	strace s19  }
0xb: {  	s3 =	sld [smem:$0x3FFC];
	_ =	sdelay $0x3  }
0xc: {  	_ =	strace s3  }
0xd: {  	s3 =	sld [smem:$0x3FFD];
	_ =	sdelay $0x3  }
0xe: {  	_ =	strace s3  }
0xf: {  	_ =	strace $0x8FFFFFFF  }
0x10: {  	s20 =	sld [smem:$0x3FDB];
	_ =	sdelay $0x1  }
0x11: {  	s4 =	simm.s32 $_scs_section_size  }
0x12: {  	s5 =	simm.s32 $_size__tile_overlayer_lowered;
	s6 =	simm.s32 $_tile_overlayer_lowered  }
0x13: {  	s23 =	simm.s32 $0x1BFF;
	s22 =	sshll.u32 s6, $0x1;
	s3 =	sadd.s32 s4, s20  }
0x14: {  	s7 =	simm.s32 $0x0;
	s21 =	sshll.u32 s5, $0x1;
	s5 =	sadd.s32 s22, s3  }
0x15: {  	[timem:s7], [sflag:s23] =	dma.local [hbm:s5], s21  }
0x16: {  	_ =	swait.ge [sflag:s23], s21  }
0x17: {  	s4 =	ssub.s32 $0x0, s21;
	[sflag:s23] =	ssyncset.done $0x0  }
0x18: {  	[sflag:s23] =	ssyncadd.s32 s4;
	_ =	sdelay $0x1  }
0x19: {  	s24 =	simm.s32 $0x1B8B  }
0x1a: {  	_ =	swait.ge [sflag:s24], $0x1  }
0x1b: {  	[sflag:s24] =	ssyncset.done $0x0  }
0x1c: {  	s26 =	simm.s32 $0x1B8E;
	s25 =	sld [smem:$0x3FFE];
	[sflag:s24] =	ssyncadd.s32 $0xFFFFFFFF  }
0x1d: {  	s27 =	simm.s32 $execute0_lowered;
	[smem:$0x3FD2] =	sst s26  }
0x1e: {  	s5 =	sshll.u32 s27, $0x1;
	_ =	strace $0x80000046;
	[dreg:$0x1] =	wrdreg $0xFFFFFFFF  }
0x1f: {  	s28 =	simm.s32 $_size_execute0_lowered;
	s3 =	sadd.s32 s3, s5;
	[dreg:$0x0] =	wrdreg $0x0  }
0x20: {  	s5 =	sshll.u32 s28, $0x1;
	[dreg:$0x2] =	wrdreg s3  }
0x21: {  	[dreg:$0x3] =	wrdreg s5  }
0x22: {  	[dreg:$0x4] =	wrdreg $0xC0  }
0x23: {  	_ =	task [dreg:s7], $0x5FFFF  }
0x24: {  	[dreg:$0x1] =	wrdreg $0xFFFFFFFF  }
0x25: {  	[dreg:$0x0] =	wrdreg $0x60  }
0x26: {  	[dreg:$0x2] =	wrdreg s2  }
0x27: {  	[dreg:$0x3] =	wrdreg s25  }
0x28: {  	[dreg:$0x4] =	wrdreg $0x9  }
0x29: {  	_ =	task.clear_ibuf [dreg:s7], $0x5FFFF;
	_ =	strace $0x90000046  }
0x2a: {  	s29 =	simm.s32 $0x9;
	_ =	strace $0x80000048  }
0x2b: {  	_ =	swait.ge [sflag:s29], $0x1  }
0x2c: {  	[sflag:s29] =	ssyncadd.s32 $0xFFFFFFFF  }
0x2d: {  	_ =	strace $0x90000048  }
0x2e: {  	_ =	sfence  }
0x2f: {  	s30 =	sld [smem:$0x0];
	_ =	sdelay $0x2  }
0x30: {  	s31 =	sshll.u32 s1, $0xD;
	s1 =	sshrl.u32 s1, $0x2  }
0x31: {  	s3 =	sand.u32 $0x4000, s31;
	s1 =	sadd.s32 s1, s30  }
0x32: {  	s0 =	sor.u32 s3, s0;
	s1 =	sshll.u32 s1, $0x11  }
0x33: {  	s0 =	sor.u32 s1, s0  }
0x34: {  	s0 =	sadd.s32 $0x8F2B, s0  }
0x35: {  	[sflag:s0] =	ssyncadd.remote.s32 $0x1  }
0x36: {  	_ =	sfence.sel $0xFFFF  }
0x37: {  	[dreg:$0x0] =	wrdreg $0xFFFFFFFF;
	(pc) =	sbr.abs _section_cstart, $3  }
0x38: {  	[dreg:$0x1] =	wrdreg $0xFFFFFFFF  }
0x39: {  	_ =	task.clear_ibuf [dreg:s7], $0x2FFFF;
	_ =	strace $0x9FFFFFFF  }
0x3a: {  	(tm) =	ssettm $0x7FFFFFFF  }
0x3b: {  	_ =	shalt  }
tec
execute0_lowered:
.L_overlay_start_1:
0x0: {  	(tag) =	ssettag $0x1  }
0x1: {  	s2 =	rddreg [dreg:$0x0]  }
0x2: {  	s1 =	rddreg [dreg:$0x1]  }
0x3: {  	s0 =	rddreg [dreg:$0x2];
	s4 =	srdreg.scid  }
0x4: {  	_ =	strace $0x80000047;
	s6 =	simm.s32 $0x2;
	p0 =	por $0x0, $0x0  }
0x5: {  	s11 =	simm.s32 $0x0;
	s12 =	simm.s32 $0x0;
	s13 =	simm.s32 $0x0  }
.Ltmp0:
0x6: {  	s8 =	simm.s32 $0x0;
	s9 =	simm.s32 $0x0;
	(pc) =	sbr.rel .LBB1_1-.Ltmp0, $4  }
0x7: {  	s7 =	simm.s32 $0x0;
	s3 =	sadd.s32 $0xE00, s1;
	s4 =	sshll.u32 s4, $0x4  }
0x8: {  	s1 =	stileid.u32;
	s5 =	sand.u32 $0x10, s4;
	s4 =	simm.s32 $0x1  }
0x9: {  	s19 =	simm.s32 $0x0;
	s5 =	sor.u32 s1, s5;
	[sflag:s4] =	ssyncpa.u1 $0x0  }
0xa: {  	[sflag:s6] =	ssyncpa.u1 $0x0;
	s6 =	simm.s32 $0x0;
	s10 =	smov.u32 s5  }
.LBB1_7:
0xb: {  	s14 =	sadd.s32 $0x8, s8  }
0xc: {  	s11 =	sadd.s32 $0x8, s9;
	s15 =	smov.u32 s9;
	p2 =	sgt.s32 s14, $0xF  }
0xd: {  	s15 =	smov.u32 @p2 s11  }
0xe: {  	s17 =	smov.u32 s10;
	s11 =	sadd.s32 $0x20, s10;
	p3 =	sgt.s32 s15, $0x7  }
0xf: {  	p1 =	slt.u32 s7, $0x2;
	s17 =	smov.u32 @p3 s11  }
0x10: {  	s7 =	sadd.s32 $0x1, s7;
	s14 =	simm.s32 @p2 $0x0;
	p2 =	sgt.s32 s17, $0x1FF  }
0x11: {  	s17 =	smov.u32 @p2 s5;
	p2 =	sne.s32 s7, $0x22  }
.Ltmp1:
0x12: {  	s16 =	simm.s32 @!p1 $0x2;
	(pc) =	sbr.rel @!p2 .LBB1_8-.Ltmp1, $4  }
0x13: {  	s12 =	smov.u32 s9;
	_ =	swait.ge @!p1 [sflag:s16], $0x4000  }
0x14: {  	s13 =	smov.u32 s10;
	p0 =	por !p0, !p0;
	[sflag:s16] =	ssyncset.done @!p1 $0x0  }
0x15: {  	s15 =	simm.s32 @p3 $0x0;
	s11 =	smov.u32 s8;
	[sflag:s16] =	ssyncadd.s32 @!p1 $0xFFFFC000  }
0x16: {  	s8 =	smov.u32 s14;
	s9 =	smov.u32 s15;
	s10 =	smov.u32 s17  }
.LBB1_1:
0x17: {  	p1 =	sgt.u32 s7, $0x1F  }
0x18: {  	s14 =	sxor.u32 @!p1 $0xFFFFFFFF, s7  }
0x19: {  	s15 =	sshll.u32 @!p1 s8, $0x8;
	s16 =	sshll.u32 @!p1 s8, $0x7;
	s17 =	sshll.u32 @!p1 s10, $0xC  }
0x1a: {  	s18 =	sshll.u32 @!p1 s9, $0x9;
	s15 =	sand.u32 @!p1 $0x800, s15;
	s16 =	sand.u32 @!p1 $0x380, s16  }
0x1b: {  	s14 =	sshll.u32 @!p1 s14, $0xE;
	s15 =	sor.u32 @!p1 s16, s15;
	s16 =	sadd.s32 @!p1 s2, s17  }
0x1c: {  	s14 =	sand.u32 @!p1 $0x4000, s14;
	s15 =	sshrl.u32 @!p1 s15, $0x3;
	s16 =	sadd.s32 @!p1 s18, s16  }
0x1d: {  	s17 =	simm.s32 @!p1 $0x1000;
	s15 =	sadd.s32 @!p1 s15, s16;
	s16 =	simm.s32 @!p1 $0x800  }
0x1e: {  	[tilespmem:s14], [sflag:$0x1] =	stream.strided.gather @!p1 [hbm4b:s15+s16], $0x4000, s17, s16, $0x38;
	[tilespmem:$0x10000] =	vst v63  }
0x1f: {  	p1 =	seq.s32 s7, $0x0  }
0x20: {  	p2 =	seq.s32 @!p1 s7, $0x21  }
0x21: {  	p1 =	por p1, p2  }
.Ltmp2:
0x22: {  	_ = 	snop;
	(pc) =	sbr.rel @p1 .LBB1_7-.Ltmp2, $1  }
0x23: {  	_ =	sdelay $0x3  }
0x24: {  	s14 =	simm.s32 $0x1  }
0x25: {  	_ =	swait.ge [sflag:s4], $0x4000;
	s31 =	sshll.u32 s7, $0xE;
	p1 =	por $0x0, $0x0  }
0x26: {  	s20 =	simm.s32 $0x0;
	s21 =	simm.s32 $0x0;
	s14 =	simm.s32 @!p0 $0x0  }
0x27: {  	[sflag:s4] =	ssyncset.done $0x0;
	s17 =	sand.u32 $0x4000, s31;
	s14 =	sshll.u32 s14, $0x10  }
0x28: {  	[sflag:s4] =	ssyncadd.s32 $0xFFFFC000;
	s18 =	sshrl.u32 s14, $0x2;
	s14 =	sor.u32 $0x8000, s17  }
0x29: {  	s15 =	sor.u32 $0x40, s18;
	s16 =	sor.u32 $0x8410, s18;
	s18 =	sadd.s32 $0x8400, s18  }
.LBB1_3:
0x2a: {  	v1 =	vld [tilespmem:s15+$0xFFFFFFD0]  }
0x2b: {  	v2 =	vld [tilespmem:s15+$0x430]  }
0x2c: {  	s22 =	sshll.u32 s21, $0xB;
	v4 =	vld [tilespmem:s15+$0xFFFFFFE0]  }
0x2d: {  	v7 =	vld [tilespmem:s15+$0xFFFFFFF0];
	v0 =	vmov s22  }
0x2e: {  	v8 =	vld [tilespmem:s15+$0x0]  }
0x2f: {  	s30 =	sand.u32 $0x300, s19;
	v9 =	vld [tilespmem:s15+$0x10]  }
0x30: {  	s23 =	sand.u32 $0x80, s19;
	v10 =	vld [tilespmem:s15+$0x20];
	s22 =	sadd.s32 s30, s17  }
0x31: {  	v11 =	vld [tilespmem:s15+$0x30];
	s22 =	sadd.s32 s23, s22;
	s23 =	simm.s32 $0x1;
	[tilespmem:s16+$0x60] =	vst v2  }
0x32: {  	s31 =	sshll.u32 s20, $0x2;
	s23 =	simm.s32 @!p1 $0x0;
	[tilespmem:s16+$0xFFFFFC00] =	vst v1;
	v3 =	vld.idx.msk [tilespmem:v0+s22+$0x400 ss:$0x1], $0xffff  }
0x33: {  	v6 =	vld [tilespmem:s15+$0x3D0];
	s23 =	sshll.u32 s23, $0x9;
	[tilespmem:s16+$0xFFFFFC10] =	vst v4;
	s22 =	sand.u32 $0xFFFFFC00, s31  }
0x34: {  	v5 =	vld [tilespmem:s15+$0x3E0];
	[tilespmem:s16+$0xFFFFFC20] =	vst v7;
	s22 =	sor.u32 s23, s22  }
0x35: {  	[tilespmem:s16+$0xFFFFFC30] =	vst v8;
	v4 =	vld [tilespmem:s15+$0x400];
	s22 =	sshrl.u32 s22, $0x2  }
0x36: {  	[tilespmem:s16+$0xFFFFFC40] =	vst v9;
	v1 =	vld [tilespmem:s15+$0x410];
	s22 =	sadd.s32 s22, s18  }
0x37: {  	[tilespmem:s22+$0x0] =	vst v3;
	v3 =	vld [tilespmem:s15+$0x3F0]  }
0x38: {  	s26 =	simm.s32 $0x80;
	s25 =	simm.s32 $0x100;
	[tilespmem:s16+$0xFFFFFC50] =	vst v10;
	v2 =	vld [tilespmem:s15+$0x420]  }
0x39: {  	s24 =	smov.u32 s16;
	s27 =	sand.u32 $0x300, s26;
	v7 =	vld [tilespmem:s15+$0xFFFFFFC0];
	[tilespmem:s16+$0xFFFFFC60] =	vst v11;
	s23 =	sadd.s32 $0x80, s15  }
.LBB1_4:
0x3a: {  	p2 =	sne.s32 s25, $0x380;
	v8 =	vld [tilespmem:s23+$0xFFFFFFD0];
	s26 =	sand.u32 $0x80, s26;
	s27 =	sadd.s32 s27, s17;
	[tilespmem:s24+$0x0] =	vst v6  }
0x3b: {  	s27 =	sadd.s32 s26, s27;
	v6 =	vld [tilespmem:s23+$0x430];
	[tilespmem:s24+$0x10] =	vst v5;
	s26 =	smov.u32 s25  }
0x3c: {  	v5 =	vld.idx.msk [tilespmem:v0+s27+$0x400 ss:$0x1], $0xffff;
	[tilespmem:s24+$0x20] =	vst v3  }
0x3d: {  	v3 =	vld [tilespmem:s23+$0xFFFFFFE0];
	[tilespmem:s24+$0x30] =	vst v4  }
0x3e: {  	v4 =	vld [tilespmem:s23+$0xFFFFFFF0];
	[tilespmem:s24+$0xFFFFFBF0] =	vst v7  }
0x3f: {  	v7 =	vld [tilespmem:s23+$0x0];
	[tilespmem:s24+$0x40] =	vst v1  }
0x40: {  	v1 =	vld [tilespmem:s23+$0x10];
	[tilespmem:s24+$0x50] =	vst v2;
	s24 =	sadd.s32 $0x800, s24  }
0x41: {  	s22 =	sadd.s32 $0x800, s22;
	v2 =	vld [tilespmem:s23+$0x20];
	[tilespmem:s24+$0x60] =	vst v6  }
0x42: {  	v9 =	vld [tilespmem:s23+$0x30];
	[tilespmem:s22+$0x0] =	vst v5  }
0x43: {  	[tilespmem:s24+$0xFFFFFC00] =	vst v8;
	v6 =	vld [tilespmem:s23+$0x3D0]  }
0x44: {  	[tilespmem:s24+$0xFFFFFC10] =	vst v3;
	v5 =	vld [tilespmem:s23+$0x3E0]  }
.Ltmp3:
0x45: {  	[tilespmem:s24+$0xFFFFFC20] =	vst v4;
	v3 =	vld [tilespmem:s23+$0x3F0];
	(pc) =	sbr.rel @p2 .LBB1_4-.Ltmp3, $4  }
0x46: {  	[tilespmem:s24+$0xFFFFFC30] =	vst v7;
	v4 =	vld [tilespmem:s23+$0x400]  }
0x47: {  	[tilespmem:s24+$0xFFFFFC40] =	vst v1;
	v1 =	vld [tilespmem:s23+$0x410]  }
0x48: {  	[tilespmem:s24+$0xFFFFFC50] =	vst v2;
	v2 =	vld [tilespmem:s23+$0x420]  }
0x49: {  	s25 =	sadd.s32 $0x80, s25;
	s27 =	sand.u32 $0x300, s26;
	v7 =	vld [tilespmem:s23+$0xFFFFFFC0];
	[tilespmem:s24+$0xFFFFFC60] =	vst v9;
	s23 =	sadd.s32 $0x80, s23  }
0x4a: {  	[tilespmem:s24+$0x0] =	vst v6  }
0x4b: {  	[tilespmem:s24+$0x10] =	vst v5  }
0x4c: {  	v49 =	vld [tilespmem:s23+$0x430];
	[tilespmem:s24+$0x20] =	vst v3  }
0x4d: {  	v50 =	vld [tilespmem:s23+$0xFFFFFFD0];
	[tilespmem:s24+$0x30] =	vst v4  }
0x4e: {  	v51 =	vld [tilespmem:s23+$0xFFFFFFE0];
	[tilespmem:s24+$0x40] =	vst v1  }
0x4f: {  	v52 =	vld [tilespmem:s23+$0xFFFFFFF0];
	[tilespmem:s24+$0x50] =	vst v2  }
0x50: {  	s31 =	sadd.s32 $0x800, s24;
	v53 =	vld [tilespmem:s23+$0x0];
	[tilespmem:s24+$0xFFFFFBF0] =	vst v7  }
0x51: {  	v54 =	vld [tilespmem:s23+$0x10];
	[tilespmem:s31+$0x60] =	vst v49  }
0x52: {  	v55 =	vld [tilespmem:s23+$0x20];
	[tilespmem:s31+$0xFFFFFC00] =	vst v50  }
0x53: {  	v56 =	vld [tilespmem:s23+$0x30];
	[tilespmem:s31+$0xFFFFFC10] =	vst v51  }
0x54: {  	v57 =	vld [tilespmem:s23+$0x3D0];
	[tilespmem:s31+$0xFFFFFC20] =	vst v52  }
0x55: {  	v58 =	vld [tilespmem:s23+$0x3E0];
	[tilespmem:s31+$0xFFFFFC30] =	vst v53  }
0x56: {  	v59 =	vld [tilespmem:s23+$0x3F0];
	[tilespmem:s31+$0xFFFFFC40] =	vst v54  }
0x57: {  	v60 =	vld [tilespmem:s23+$0x400];
	[tilespmem:s31+$0xFFFFFC50] =	vst v55  }
0x58: {  	v61 =	vld [tilespmem:s23+$0xFFFFFFC0];
	[tilespmem:s31+$0xFFFFFC60] =	vst v56  }
0x59: {  	s25 =	sand.u32 $0x80, s26;
	s30 =	sadd.s32 s27, s17;
	v62 =	vld [tilespmem:s23+$0x410];
	[tilespmem:s31+$0x0] =	vst v57  }
0x5a: {  	v63 =	vld [tilespmem:s23+$0x420];
	s21 =	sadd.s32 $0x1, s21;
	s25 =	sadd.s32 s25, s30;
	[tilespmem:s31+$0x10] =	vst v58  }
0x5b: {  	p2 =	sne.s32 s21, $0x8;
	v0 =	vld.idx.msk [tilespmem:v0+s25+$0x400 ss:$0x1], $0xffff;
	[tilespmem:s31+$0x20] =	vst v59  }
.Ltmp4:
0x5c: {  	[tilespmem:s31+$0x30] =	vst v60;
	(pc) =	sbr.rel @p2 .LBB1_3-.Ltmp4, $4  }
0x5d: {  	[tilespmem:s31+$0xFFFFFBF0] =	vst v61  }
0x5e: {  	[tilespmem:s31+$0x40] =	vst v62  }
0x5f: {  	s22 =	sadd.s32 $0x800, s22;
	s15 =	sadd.s32 $0x800, s15;
	[tilespmem:s31+$0x50] =	vst v63  }
0x60: {  	s20 =	sadd.s32 $0x80, s20;
	p1 =	por !p1, !p1;
	s16 =	sadd.s32 $0x80, s16;
	[tilespmem:s22+$0x0] =	vst v0  }
.Ltmp5:
0x61: {  	s13 =	sshll.u32 s13, $0xC;
	(pc) =	sbr.rel .LBB1_7-.Ltmp5, $4  }
0x62: {  	s11 =	sshll.u32 s11, $0x8;
	s12 =	sshll.u32 s12, $0x4;
	s13 =	sadd.s32 s3, s13  }
0x63: {  	s12 =	sand.u32 $0x70, s12;
	s11 =	sadd.s32 s11, s13  }
0x64: {  	s11 =	sadd.s32 s12, s11  }
0x65: {  	[hbm4b:s11+s6] =	stream.linear.scatter [tilespmem:s14], [sflag:$0x2], $0x4000, $0x38;
	[tilespmem:$0x10000] =	vst v63  }
.LBB1_8:
0x66: {  	_ =	sfence.sel $0x180000  }
0x67: {  	s2 =	simm.s32 $0x1;
	[bflag:$0x0] =	sbarrier.arrive $0xFFFF  }
0x68: {  	s31 =	simm.s32 $0x2;
	[sflag:s2] =	ssyncpa.u1 $0x1  }
0x69: {  	[sflag:s31] =	ssyncpa.u1 $0x1  }
0x6a: {  	p0 =	sne.s32 s1, $0x0;
	_ =	strace $0x90000047  }
0x6b: {  	s0 =	sadd.s32 @!p0 $0x100000, s0;
	[bflag:$0x2] =	sbarrier.arrive $0xFFFF  }
0x6c: {  	[sflag:s0] =	ssyncadd.tile.s32 @!p0 $0x1;
	_ =	shalt  }
.Lfunc_end1:
_tile_overlayer_lowered:
.L_overlay_start_2:
0x6d: {  	(tag) =	ssettag $0x2  }
0x6e: {  	s0 =	rddreg [dreg:$0x0];
	s2 =	stileid.u32  }
0x6f: {  	s1 =	rddreg [dreg:$0x1];
	p0 =	sne.s32 s2, $0x0  }
0x70: {  	s3 =	rddreg [dreg:$0x2];
	[bflag:$0x3] =	sbarrier.arrive $0xFFFF;
	s2 =	simm.s32 @!p0 $0x1C01  }
0x71: {  	[timem:s3], [sflag:s2] =	dma.local @!p0 [hbm:s0], s1  }
0x72: {  	s0 =	simm.s32 @!p0 $0x1  }
0x73: {  	_ =	swait.ge @!p0 [sflag:s0], s1  }
0x74: {  	s1 =	ssub.s32 @!p0 $0x0, s1;
	[sflag:s0] =	ssyncset.done @!p0 $0x0  }
0x75: {  	[sflag:s0] =	ssyncadd.s32 @!p0 s1  }
0x76: {  	[bflag:$0x3] =	sbarrier.arrive $0xFFFF  }
0x77: {  	_ =	shalt  }

// kernel: sparse-core-data-format-call.cloned.1.call-start
scs
called_computation_lowered:
.L_overlay_start_0:
0x0: {  	s2 =	sld [smem:$0x3FD9]  }
0x1: {  	s3 =	sld [smem:$0x3FFE];
	_ =	sdelay $0x1  }
0x2: {  	s1 =	srdreg.scid  }
0x3: {  	s0 =	sand.u32 $0x1, s1  }
0x4: {  	s18 =	sshll.u32 s0, $0xA;
	s2 =	sadd.s32 s3, s2  }
0x5: {  	s2 =	sadd.s32 s2, s18  }
0x6: {  	[smem:$0x3FC4] =	sst s2  }
0x7: {  	_ = 	snop  }
0x8: {  	s2 =	sld [smem:$0x3FD0];
	(tm) =	ssettm $0x1  }
0x9: {  	s19 =	sld [smem:$0x3FFB];
	_ =	sdelay $0x3  }
0xa: {  	_ =	strace s19  }
0xb: {  	s3 =	sld [smem:$0x3FFC];
	_ =	sdelay $0x3  }
0xc: {  	_ =	strace s3  }
0xd: {  	s3 =	sld [smem:$0x3FFD];
	_ =	sdelay $0x3  }
0xe: {  	_ =	strace s3  }
0xf: {  	_ =	strace $0x8FFFFFFF  }
0x10: {  	s20 =	sld [smem:$0x3FDB];
	_ =	sdelay $0x1  }
0x11: {  	s4 =	simm.s32 $_scs_section_size  }
0x12: {  	s5 =	simm.s32 $_size__tile_overlayer_lowered;
	s6 =	simm.s32 $_tile_overlayer_lowered  }
0x13: {  	s23 =	simm.s32 $0x1BFF;
	s22 =	sshll.u32 s6, $0x1;
	s3 =	sadd.s32 s4, s20  }
0x14: {  	s7 =	simm.s32 $0x0;
	s21 =	sshll.u32 s5, $0x1;
	s5 =	sadd.s32 s22, s3  }
0x15: {  	[timem:s7], [sflag:s23] =	dma.local [hbm:s5], s21  }
0x16: {  	_ =	swait.ge [sflag:s23], s21  }
0x17: {  	s4 =	ssub.s32 $0x0, s21;
	[sflag:s23] =	ssyncset.done $0x0  }
0x18: {  	[sflag:s23] =	ssyncadd.s32 s4;
	_ =	sdelay $0x1  }
0x19: {  	s24 =	simm.s32 $0x1B8B  }
0x1a: {  	_ =	swait.ge [sflag:s24], $0x1  }
0x1b: {  	[sflag:s24] =	ssyncset.done $0x0  }
0x1c: {  	s26 =	simm.s32 $0x1B8E;
	s25 =	sld [smem:$0x3FFE];
	[sflag:s24] =	ssyncadd.s32 $0xFFFFFFFF  }
0x1d: {  	s27 =	simm.s32 $execute0_lowered;
	[smem:$0x3FD2] =	sst s26  }
0x1e: {  	s5 =	sshll.u32 s27, $0x1;
	_ =	strace $0x8000004C;
	[dreg:$0x1] =	wrdreg $0xFFFFFFFF  }
0x1f: {  	s28 =	simm.s32 $_size_execute0_lowered;
	s3 =	sadd.s32 s3, s5;
	[dreg:$0x0] =	wrdreg $0x0  }
0x20: {  	s5 =	sshll.u32 s28, $0x1;
	[dreg:$0x2] =	wrdreg s3  }
0x21: {  	[dreg:$0x3] =	wrdreg s5  }
0x22: {  	[dreg:$0x4] =	wrdreg $0xC0  }
0x23: {  	_ =	task [dreg:s7], $0x5FFFF  }
0x24: {  	[dreg:$0x1] =	wrdreg $0xFFFFFFFF  }
0x25: {  	[dreg:$0x0] =	wrdreg $0x60  }
0x26: {  	[dreg:$0x2] =	wrdreg s25  }
0x27: {  	[dreg:$0x3] =	wrdreg s2  }
0x28: {  	[dreg:$0x4] =	wrdreg $0x9  }
0x29: {  	_ =	task.clear_ibuf [dreg:s7], $0x5FFFF;
	_ =	strace $0x9000004C  }
0x2a: {  	s29 =	simm.s32 $0x9;
	_ =	strace $0x8000004E  }
0x2b: {  	_ =	swait.ge [sflag:s29], $0x1  }
0x2c: {  	[sflag:s29] =	ssyncadd.s32 $0xFFFFFFFF  }
0x2d: {  	_ =	strace $0x9000004E  }
0x2e: {  	_ =	sfence  }
0x2f: {  	s30 =	sld [smem:$0x0];
	_ =	sdelay $0x2  }
0x30: {  	s31 =	sshll.u32 s1, $0xD;
	s1 =	sshrl.u32 s1, $0x2  }
0x31: {  	s3 =	sand.u32 $0x4000, s31;
	s1 =	sadd.s32 s1, s30  }
0x32: {  	s0 =	sor.u32 s3, s0;
	s1 =	sshll.u32 s1, $0x11  }
0x33: {  	s0 =	sor.u32 s1, s0  }
0x34: {  	s0 =	sadd.s32 $0x8F2B, s0  }
0x35: {  	[sflag:s0] =	ssyncadd.remote.s32 $0x1  }
0x36: {  	_ =	sfence.sel $0xFFFF  }
0x37: {  	[dreg:$0x0] =	wrdreg $0xFFFFFFFF;
	(pc) =	sbr.abs _section_cstart, $3  }
0x38: {  	[dreg:$0x1] =	wrdreg $0xFFFFFFFF  }
0x39: {  	_ =	task.clear_ibuf [dreg:s7], $0x2FFFF;
	_ =	strace $0x9FFFFFFF  }
0x3a: {  	(tm) =	ssettm $0x7FFFFFFF  }
0x3b: {  	_ =	shalt  }
tec
execute0_lowered:
.L_overlay_start_1:
0x0: {  	(tag) =	ssettag $0x1  }
0x1: {  	s0 =	stileid.u32;
	s1 =	srdreg.scid  }
0x2: {  	s2 =	sshll.u32 s0, $0x6;
	s1 =	sshll.u32 s1, $0xA  }
0x3: {  	s3 =	sshll.u32 s0, $0x7;
	s2 =	sor.u32 s2, s1  }
0x4: {  	s7 =	rddreg [dreg:$0x0];
	s1 =	sand.u32 $0x80, s3;
	s2 =	sand.u32 $0x780, s2  }
0x5: {  	s8 =	simm.s32 $0x2;
	s3 =	ssub.s32 $0x100, s1;
	s4 =	ssub.s32 $0x1000, s2  }
0x6: {  	s16 =	simm.s32 $0x0;
	s5 =	sshrl.u32 s3, $0x8;
	s6 =	sand.u32 $0x780, s4  }
0x7: {  	s3 =	sshrl.u32 s3, $0x7;
	p0 =	sne.s32 s6, $0x0;
	s6 =	simm.s32 $0x1  }
0x8: {  	s3 =	sand.u32 $0x1, s3;
	s4 =	sshrl.u32 s4, $0xB;
	s6 =	simm.s32 @!p0 $0x0  }
0x9: {  	s9 =	simm.s32 $0x800;
	s3 =	sadd.s32 s5, s3;
	s31 =	sadd.s32 s6, s4  }
0xa: {  	s14 =	simm.s32 $0x0;
	s15 =	simm.s32 $0x0;
	s6 =	smul.u32 s31, s3  }
.Ltmp0:
0xb: {  	s12 =	simm.s32 $0x0;
	s13 =	simm.s32 $0x0;
	(pc) =	sbr.rel .LBB1_1-.Ltmp0, $4  }
0xc: {  	s7 =	sadd.s32 $0xE00, s7;
	s5 =	simm.s32 $0x1;
	s4 =	rddreg [dreg:$0x1]  }
0xd: {  	s3 =	rddreg [dreg:$0x2];
	_ =	strace $0x8000004D;
	s6 =	smul.u32 $0x11, s6  }
0xe: {  	s11 =	smov.u32 s1;
	s10 =	smov.u32 s2;
	[sflag:s5] =	ssyncpa.u1 $0x0  }
0xf: {  	p0 =	por $0x0, $0x0;
	[sflag:s8] =	ssyncpa.u1 $0x0;
	s8 =	sadd.s32 $0x1, s6  }
.LBB1_4:
0x10: {  	v5 =	vld [tilespmem:s19+$0xFFFFFFD0];
	[tilespmem:s20+$0x2040 ss:$0x81] =	vst.msk $0xffff, v1  }
0x11: {  	v58 =	vld [tilespmem:s19+$0xFFFFFFE0];
	[tilespmem:s20+$0x2850 ss:$0x81] =	vst.msk $0xffff, v2  }
0x12: {  	s21 =	sshra.s32 s21, $0x2;
	v59 =	vld [tilespmem:s19+$0xFFFFFFF0];
	[tilespmem:s20+$0x3060 ss:$0x81] =	vst.msk $0xffff, v3  }
0x13: {  	v60 =	vld [tilespmem:s19+$0x0];
	[tilespmem:s20+$0x0 ss:$0x81] =	vst.msk $0xffff, v0;
	s18 =	sadd.s32 s21, s18  }
0x14: {  	v61 =	vld [tilespmem:s19+$0x10];
	s25 =	sshll.u32 s16, $0x8;
	[tilespmem:s18+$0x3870 ss:$0x81] =	vst.msk $0xffff, v4  }
0x15: {  	s26 =	sshll.u32 s14, $0x3;
	v62 =	vld [tilespmem:s19+$0x20];
	s27 =	sshll.u32 s16, $0x7;
	s30 =	sand.u32 $0x78, s14;
	[tilespmem:s18+$0x810 ss:$0x81] =	vst.msk $0xffff, v5  }
0x16: {  	v63 =	vld [tilespmem:s19+$0xFFFFFFC0];
	s15 =	sshll.u32 s15, $0x11;
	s20 =	sand.u32 $0xFF800, s25;
	s21 =	sand.u32 $0xFFC00, s26;
	[tilespmem:s18+$0x1020 ss:$0x81] =	vst.msk $0xffff, v58  }
0x17: {  	s29 =	sand.u32 $0x300, s27;
	s16 =	sand.u32 $0x80, s27;
	s28 =	sadd.s32 s21, s20;
	[tilespmem:s18+$0x1830 ss:$0x81] =	vst.msk $0xffff, v59  }
0x18: {  	s31 =	sand.u32 $0x7, s14;
	s16 =	sor.u32 s30, s16;
	s19 =	sor.u32 s29, s28;
	[tilespmem:s18+$0x2040 ss:$0x81] =	vst.msk $0xffff, v60  }
0x19: {  	s15 =	sadd.s32 s4, s15;
	s16 =	sshrl.u32 s16, $0x3;
	s19 =	sshrl.u32 s19, $0x3;
	[tilespmem:s18+$0x2850 ss:$0x81] =	vst.msk $0xffff, v61  }
0x1a: {  	s14 =	sshll.u32 s31, $0x12;
	s15 =	sadd.s32 s16, s15;
	[tilespmem:s18+$0x3060 ss:$0x81] =	vst.msk $0xffff, v62;
	s19 =	sand.u32 $0x1FFE0, s19  }
0x1b: {  	s14 =	sor.u32 $0x400, s14;
	[tilespmem:s18+$0x0 ss:$0x81] =	vst.msk $0xffff, v63;
	s15 =	sadd.s32 s19, s15  }
0x1c: {  	[hbm4b:s15+s14] =	stream.strided.scatter [tilespmem:s17], [sflag:$0x2], $0x4000, s9, s14, $0x20;
	[tilespmem:$0x10100] =	vst v63  }
.LBB1_5:
0x1d: {  	s17 =	sadd.s32 $0x800, s10  }
0x1e: {  	s14 =	sadd.s32 $0x100, s11;
	s18 =	smov.u32 s11;
	p2 =	sgt.s32 s17, $0xFFF  }
0x1f: {  	s18 =	smov.u32 @p2 s14  }
0x20: {  	s14 =	simm.s32 $0x1;
	p3 =	sgt.s32 s18, $0xFF  }
0x21: {  	s14 =	simm.s32 @!p3 $0x0  }
0x22: {  	s20 =	sadd.s32 s14, s12  }
0x23: {  	s17 =	smov.u32 @p2 s2;
	p2 =	sgt.s32 s20, $0x10  }
0x24: {  	p1 =	slt.u32 s13, $0x2;
	s20 =	simm.s32 @p2 $0x0;
	p2 =	sne.s32 s13, s8  }
.Ltmp1:
0x25: {  	s19 =	simm.s32 @!p1 $0x2;
	(pc) =	sbr.rel @!p2 .LBB1_6-.Ltmp1, $4  }
0x26: {  	s16 =	smov.u32 s10;
	s15 =	smov.u32 s12;
	_ =	swait.ge @!p1 [sflag:s19], $0x4000  }
0x27: {  	p0 =	por !p0, !p0;
	[sflag:s19] =	ssyncset.done @!p1 $0x0;
	s10 =	smov.u32 s17  }
0x28: {  	s18 =	smov.u32 @p3 s1;
	[sflag:s19] =	ssyncadd.s32 @!p1 $0xFFFFC000;
	s14 =	smov.u32 s11  }
0x29: {  	s11 =	smov.u32 s18;
	s13 =	sadd.s32 $0x1, s13;
	s12 =	smov.u32 s20  }
.LBB1_1:
0x2a: {  	p1 =	sge.u32 s13, s6;
	s31 =	sadd.s32 $0xFFFFFFFF, s13  }
0x2b: {  	s17 =	sxor.u32 @!p1 $0xFFFFFFFF, s13;
	s18 =	sand.u32 @!p1 $0x78, s10;
	s19 =	sshll.u32 @!p1 s11, $0xC  }
0x2c: {  	s20 =	sshll.u32 @!p1 s11, $0x7;
	s21 =	sshll.u32 @!p1 s10, $0x3;
	s17 =	sshll.u32 @!p1 s17, $0xE  }
0x2d: {  	s19 =	sand.u32 @!p1 $0xF8000, s19;
	s20 =	sand.u32 @!p1 $0x380, s20;
	s17 =	sand.u32 @!p1 $0x4000, s17  }
0x2e: {  	s19 =	sadd.s32 @!p1 s19, s21;
	s21 =	sand.u32 @!p1 $0xC00, s21;
	s18 =	sor.u32 @!p1 s20, s18  }
0x2f: {  	s20 =	sshll.u32 @!p1 s12, $0x11;
	s18 =	sor.u32 @!p1 s21, s18;
	s19 =	sshrl.u32 @!p1 s19, $0x3  }
0x30: {  	s20 =	sadd.s32 @!p1 s7, s20;
	s21 =	sand.u32 @!p1 $0x7, s10;
	s19 =	sand.u32 @!p1 $0x1FE00, s19  }
0x31: {  	s18 =	sshrl.u32 @!p1 s18, $0x3;
	s19 =	sadd.s32 @!p1 s19, s20;
	s20 =	sshll.u32 @!p1 s21, $0x12  }
0x32: {  	s18 =	sadd.s32 @!p1 s18, s19;
	s19 =	sor.u32 @!p1 $0x400, s20;
	s20 =	simm.s32 @!p1 $0x8000  }
0x33: {  	[tilespmem:s17], [sflag:$0x1] =	stream.strided.gather @!p1 [hbm4b:s18+s19], $0x4000, s20, s19, $0x38;
	[tilespmem:$0x10100] =	vst v63  }
0x34: {  	p1 =	sge.u32 s31, s6  }
.Ltmp2:
0x35: {  	_ = 	snop;
	(pc) =	sbr.rel @p1 .LBB1_5-.Ltmp2, $1  }
0x36: {  	_ =	sdelay $0x3  }
0x37: {  	s17 =	simm.s32 $0x1  }
0x38: {  	_ =	swait.ge [sflag:s5], $0x4000;
	s17 =	simm.s32 @!p0 $0x0  }
0x39: {  	[sflag:s5] =	ssyncset.done $0x0;
	s18 =	sshll.u32 s17, $0xE  }
0x3a: {  	[sflag:s5] =	ssyncadd.s32 $0xFFFFC000;
	s19 =	sor.u32 $0x40, s18  }
0x3b: {  	s17 =	smul.u32 $0x10200, s17;
	v0 =	vld [tilespmem:s19+$0x30]  }
0x3c: {  	v3 =	vld [tilespmem:s19+$0xFFFFFFD0]  }
0x3d: {  	s17 =	sshrl.u32 s17, $0x2;
	v4 =	vld [tilespmem:s19+$0xFFFFFFE0]  }
0x3e: {  	v5 =	vld [tilespmem:s19+$0xFFFFFFF0];
	s18 =	sor.u32 $0x8000, s17  }
0x3f: {  	s31 =	sand.u32 $0x1, s13;
	v1 =	vld [tilespmem:s19+$0x0];
	s20 =	sadd.s32 $0x0, s18  }
0x40: {  	v2 =	vld [tilespmem:s19+$0x10];
	s17 =	smul.u32 $0x10200, s31;
	[tilespmem:s20+$0x3870 ss:$0x81] =	vst.msk $0xffff, v0  }
0x41: {  	[tilespmem:s20+$0x810 ss:$0x81] =	vst.msk $0xffff, v3;
	v3 =	vld [tilespmem:s19+$0x20]  }
0x42: {  	s17 =	sshrl.u32 s17, $0x2;
	v0 =	vld [tilespmem:s19+$0xFFFFFFC0];
	[tilespmem:s20+$0x1020 ss:$0x81] =	vst.msk $0xffff, v4;
	s19 =	sadd.s32 $0x80, s19  }
0x43: {  	s21 =	simm.s32 $0x4;
	s22 =	simm.s32 $0x8;
	s17 =	sor.u32 $0x8000, s17;
	[tilespmem:s20+$0x1830 ss:$0x81] =	vst.msk $0xffff, v5;
	v4 =	vld [tilespmem:s19+$0x30]  }
.LBB1_3:
0x44: {  	p1 =	sne.s32 s22, $0x1FC;
	v5 =	vld [tilespmem:s19+$0xFFFFFFD0];
	[tilespmem:s20+$0x2040 ss:$0x81] =	vst.msk $0xffff, v1  }
0x45: {  	v6 =	vld [tilespmem:s19+$0xFFFFFFE0];
	[tilespmem:s20+$0x2850 ss:$0x81] =	vst.msk $0xffff, v2  }
0x46: {  	s23 =	sshra.s32 s21, $0x2;
	s21 =	smov.u32 s22;
	v7 =	vld [tilespmem:s19+$0xFFFFFFF0];
	[tilespmem:s20+$0x3060 ss:$0x81] =	vst.msk $0xffff, v3  }
.Ltmp3:
0x47: {  	v1 =	vld [tilespmem:s19+$0x0];
	[tilespmem:s20+$0x0 ss:$0x81] =	vst.msk $0xffff, v0;
	s20 =	sadd.s32 s23, s18;
	(pc) =	sbr.rel @p1 .LBB1_3-.Ltmp3, $4  }
0x48: {  	v2 =	vld [tilespmem:s19+$0x10];
	[tilespmem:s20+$0x3870 ss:$0x81] =	vst.msk $0xffff, v4  }
0x49: {  	[tilespmem:s20+$0x810 ss:$0x81] =	vst.msk $0xffff, v5;
	v3 =	vld [tilespmem:s19+$0x20]  }
0x4a: {  	v0 =	vld [tilespmem:s19+$0xFFFFFFC0];
	[tilespmem:s20+$0x1020 ss:$0x81] =	vst.msk $0xffff, v6;
	s19 =	sadd.s32 $0x80, s19  }
0x4b: {  	s22 =	sadd.s32 $0x4, s22;
	v4 =	vld [tilespmem:s19+$0x30];
	[tilespmem:s20+$0x1830 ss:$0x81] =	vst.msk $0xffff, v7  }
.Ltmp4:
0x4c: {  	_ = 	snop;
	(pc) =	sbr.rel .LBB1_4-.Ltmp4, $1  }
0x4d: {  	_ =	sdelay $0x3  }
.LBB1_6:
0x4e: {  	_ =	sfence.sel $0x180000  }
0x4f: {  	s1 =	simm.s32 $0x1;
	[bflag:$0x0] =	sbarrier.arrive $0xFFFF  }
0x50: {  	s31 =	simm.s32 $0x2;
	[sflag:s1] =	ssyncpa.u1 $0x1  }
0x51: {  	[sflag:s31] =	ssyncpa.u1 $0x1  }
0x52: {  	p0 =	sne.s32 s0, $0x0;
	_ =	strace $0x9000004D  }
0x53: {  	s0 =	sadd.s32 @!p0 $0x100000, s3;
	[bflag:$0x2] =	sbarrier.arrive $0xFFFF  }
0x54: {  	[sflag:s0] =	ssyncadd.tile.s32 @!p0 $0x1;
	_ =	shalt  }
.Lfunc_end1:
_tile_overlayer_lowered:
.L_overlay_start_2:
0x55: {  	(tag) =	ssettag $0x2  }
0x56: {  	s0 =	rddreg [dreg:$0x0];
	s2 =	stileid.u32  }
0x57: {  	s1 =	rddreg [dreg:$0x1];
	p0 =	sne.s32 s2, $0x0  }
0x58: {  	s3 =	rddreg [dreg:$0x2];
	[bflag:$0x3] =	sbarrier.arrive $0xFFFF;
	s2 =	simm.s32 @!p0 $0x1C01  }
0x59: {  	[timem:s3], [sflag:s2] =	dma.local @!p0 [hbm:s0], s1  }
0x5a: {  	s0 =	simm.s32 @!p0 $0x1  }
0x5b: {  	_ =	swait.ge @!p0 [sflag:s0], s1  }
0x5c: {  	s1 =	ssub.s32 @!p0 $0x0, s1;
	[sflag:s0] =	ssyncset.done @!p0 $0x0  }
0x5d: {  	[sflag:s0] =	ssyncadd.s32 @!p0 s1  }
0x5e: {  	[bflag:$0x3] =	sbarrier.arrive $0xFFFF  }
0x5f: {  	_ =	shalt  }

</sc_bundles>
